<compile_context>
chip_gen: v7x
topology: tpu7x:2x2x1
jax: 0.10.2.dev20260603
libtpu: 0.0.44.dev20260713+nightly
codegen_flags: <defaults>
</compile_context>

<pallas_src>
import functools

import jax
import jax.numpy as jnp
from jax import lax
from jax.experimental import pallas as pl
from jax.experimental.pallas import tpu as pltpu
from jax.experimental.pallas import tpu_sc as plsc

N = 10000
E = 320000
D = 128
H = 128
OUT = 64
G = 64
L = 3

NC = 2
NS = 16
NW = NC * NS
CHUNK = 128

EDGE_CHUNKS = 80
E_PAD = NW * EDGE_CHUNKS * CHUNK
ACC_ROWS = 10112
ROWS_PER_TILE = ACC_ROWS // NS

def _make_scatter_add(chunks_per_tile, acc_rows, phases):
    rows_per_tile = acc_rows // NS
    cpp = chunks_per_tile // phases
    nbuf = 2 if cpp % 2 == 0 else cpp
    n_outer = cpp // nbuf
    mesh = plsc.VectorSubcoreMesh(core_axis_name="c", subcore_axis_name="s")

    @functools.partial(
        pl.kernel,
        mesh=mesh,
        out_type=jax.ShapeDtypeStruct((NC, acc_rows, D), jnp.float32),
        scratch_types=[
            pltpu.VMEM((cpp, CHUNK), jnp.int32),
            pltpu.VMEM((cpp, CHUNK), jnp.int32),
            pltpu.VMEM((nbuf, CHUNK, D), jnp.float32),
            pltpu.VMEM_SHARED((acc_rows, D), jnp.float32),
            pltpu.SemaphoreType.DMA((nbuf,)),
            pltpu.SemaphoreType.DMA((nbuf,)),
            pltpu.SemaphoreType.DMA,
        ],
    )
    def k(table_hbm, src_hbm, dst_hbm, zeros_hbm, out_hbm, idx_s, idx_d,
          rows, acc, gsem, ssem, zsem):
        cid = lax.axis_index("c")
        sid = lax.axis_index("s")
        wid = sid * NC + cid

        base = sid * rows_per_tile
        zcopy = pltpu.async_copy(zeros_hbm.at[pl.ds(0, rows_per_tile)],
                                 acc.at[pl.ds(base, rows_per_tile)], zsem)

        for p in range(phases):
            pltpu.sync_copy(src_hbm.at[wid, pl.ds(p * cpp, cpp)], idx_s)
            pltpu.sync_copy(dst_hbm.at[wid, pl.ds(p * cpp, cpp)], idx_d)
            for b in range(nbuf):
                pltpu.async_copy(table_hbm.at[idx_s.at[b]], rows.at[b],
                                 gsem.at[b])
            if p == 0:
                zcopy.wait()
                plsc.subcore_barrier()

            def outer(jj, carry):
                c0 = jj * nbuf
                for b in range(nbuf):
                    c = c0 + b
                    pltpu.make_async_copy(table_hbm.at[idx_s.at[c]],
                                          rows.at[b], gsem.at[b]).wait()
                    pltpu.async_copy(rows.at[b], acc.at[idx_d.at[c]],
                                     ssem.at[b], add=True)
                    pltpu.make_async_copy(rows.at[b], acc.at[idx_d.at[c]],
                                          ssem.at[b]).wait()

                    @pl.when(jj < n_outer - 1)
                    def _():
                        pltpu.async_copy(table_hbm.at[idx_s.at[c + nbuf]],
                                         rows.at[b], gsem.at[b])
                return carry

            lax.fori_loop(0, n_outer, outer, 0)
        plsc.subcore_barrier()

        pltpu.sync_copy(acc.at[pl.ds(base, rows_per_tile)],
                        out_hbm.at[cid, pl.ds(base, rows_per_tile)])

    return k


BLK = 400


def _mlp_body(scale_ref, h_ref, p_ref, w1_ref, b1_ref, w2_ref, b2_ref, o_ref):
    z = h_ref[...] * scale_ref[...] + p_ref[0] + p_ref[1]
    a = jnp.dot(z, w1_ref[...], preferred_element_type=jnp.float32) + b1_ref[...]
    a = jnp.maximum(a, 0.0)
    o = jnp.dot(a, w2_ref[...], preferred_element_type=jnp.float32) + b2_ref[...]
    o_ref[...] = jnp.maximum(o, 0.0)


def _mlp(scale, h, parts, w1f, b1f, w2f, b2f):
    return pl.pallas_call(
        _mlp_body,
        grid=(N // BLK,),
        in_specs=[
            pl.BlockSpec((1, H), lambda i: (0, 0)),
            pl.BlockSpec((BLK, D), lambda i: (i, 0)),
            pl.BlockSpec((NC, BLK, D), lambda i: (0, i, 0)),
            pl.BlockSpec((D, H), lambda i: (0, 0)),
            pl.BlockSpec((1, H), lambda i: (0, 0)),
            pl.BlockSpec((H, H), lambda i: (0, 0)),
            pl.BlockSpec((1, H), lambda i: (0, 0)),
        ],
        out_specs=pl.BlockSpec((BLK, H), lambda i: (i, 0)),
        out_shape=jax.ShapeDtypeStruct((N, H), jnp.float32),
    )(scale, h, parts, w1f, b1f, w2f, b2f)


def _head_body(h_ref, oh_ref, cw1_ref, cb1_ref, cw2_ref, cb2_ref, o_ref,
               acc_ref):
    i = pl.program_id(0)

    @pl.when(i == 0)
    def _():
        acc_ref[...] = jnp.zeros_like(acc_ref)

    acc_ref[...] += lax.dot_general(
        oh_ref[...], h_ref[...], (((0,), (0,)), ((), ())),
        preferred_element_type=jnp.float32)

    @pl.when(i == pl.num_programs(0) - 1)
    def _():
        p = acc_ref[...]
        a = jnp.dot(p, cw1_ref[...], preferred_element_type=jnp.float32) + cb1_ref[...]
        a = jnp.maximum(a, 0.0)
        o_ref[...] = jnp.dot(a, cw2_ref[...], preferred_element_type=jnp.float32) + cb2_ref[...]


def _head(h, onehot, cw1, cb1, cw2, cb2):
    return pl.pallas_call(
        _head_body,
        grid=(N // BLK,),
        in_specs=[
            pl.BlockSpec((BLK, D), lambda i: (i, 0)),
            pl.BlockSpec((BLK, G), lambda i: (i, 0)),
            pl.BlockSpec((H, H), lambda i: (0, 0)),
            pl.BlockSpec((1, H), lambda i: (0, 0)),
            pl.BlockSpec((H, OUT), lambda i: (0, 0)),
            pl.BlockSpec((1, OUT), lambda i: (0, 0)),
        ],
        out_specs=pl.BlockSpec((G, OUT), lambda i: (0, 0)),
        out_shape=jax.ShapeDtypeStruct((G, OUT), jnp.float32),
        scratch_shapes=[pltpu.VMEM((G, H), jnp.float32)],
    )(h, onehot, cw1, cb1, cw2, cb2)


def kernel(x, ei, batch, eps, w1, b1, g1, be1, w2, b2, g2, be2, cw1, cb1, cw2, cb2):
    s1 = g1 / jnp.sqrt(1.0 + 1e-5)
    w1f = w1 * s1[:, None, :]
    b1f = (b1 * s1 + be1)[:, None, :]
    s2 = g2 / jnp.sqrt(1.0 + 1e-5)
    w2f = w2 * s2[:, None, :]
    b2f = (b2 * s2 + be2)[:, None, :]

    pad_e = E_PAD - E
    src = jnp.concatenate(
        [ei[0], jnp.zeros((pad_e,), jnp.int32)]).reshape(NW, EDGE_CHUNKS, CHUNK)
    dst = jnp.concatenate(
        [ei[1], jnp.full((pad_e,), ACC_ROWS - 1, jnp.int32)]
    ).reshape(NW, EDGE_CHUNKS, CHUNK)

    onehot = (batch[:, None] == jnp.arange(G, dtype=jnp.int32)[None, :]
              ).astype(jnp.float32)

    zeros = jnp.zeros((ROWS_PER_TILE, D), jnp.float32)
    edge_scatter = _make_scatter_add(EDGE_CHUNKS, ACC_ROWS, phases=2)

    h = x
    for i in range(L):
        parts = edge_scatter(h, src, dst, zeros)
        scale = jnp.full((1, H), 1.0 + eps[i], jnp.float32)
        h = _mlp(scale, h, parts, w1f[i], b1f[i], w2f[i], b2f[i])

    return _head(h, onehot, cw1, cb1[None], cw2, cb2[None])

# --- scband reference (transcript-rebuilt; emitter-appended) ---
"""Pipeline reference for scband-gin-1769526526269 (READ-ONLY COPY).

The authoritative reference and input builder live on the scoring server;
editing this copy changes nothing except your own understanding.
"""

import jax, jax.numpy as jnp
import numpy as np

N = 10000
E = 320000
D = 128
H = 128
OUT = 64
G = 64
L = 3


def setup_inputs(seed: int = 0) -> dict:
    key = jax.random.key(seed)
    ks = jax.random.split(key, 18)
    x = jax.random.normal(ks[0], (N, D), dtype=jnp.float32)
    ei = jax.random.randint(ks[1], (2, E), 0, N, dtype=jnp.int32)
    batch = jnp.sort(jax.random.randint(ks[2], (N,), 0, G, dtype=jnp.int32))
    eps = jnp.zeros((L,), dtype=jnp.float32)
    w1 = jax.random.normal(ks[3], (L, D, H), dtype=jnp.float32) * 0.05
    b1 = jnp.zeros((L, H), dtype=jnp.float32)
    g1 = jnp.ones((L, H), dtype=jnp.float32)
    be1 = jnp.zeros((L, H), dtype=jnp.float32)
    w2 = jax.random.normal(ks[4], (L, H, H), dtype=jnp.float32) * 0.05
    b2 = jnp.zeros((L, H), dtype=jnp.float32)
    g2 = jnp.ones((L, H), dtype=jnp.float32)
    be2 = jnp.zeros((L, H), dtype=jnp.float32)
    cw1 = jax.random.normal(ks[5], (H, H), dtype=jnp.float32) * 0.05
    cb1 = jnp.zeros((H,), dtype=jnp.float32)
    cw2 = jax.random.normal(ks[6], (H, OUT), dtype=jnp.float32) * 0.05
    cb2 = jnp.zeros((OUT,), dtype=jnp.float32)
    return {"x": x, "ei": ei, "batch": batch, "eps": eps,
            "w1": w1, "b1": b1, "g1": g1, "be1": be1,
            "w2": w2, "b2": b2, "g2": g2, "be2": be2,
            "cw1": cw1, "cb1": cb1, "cw2": cw2, "cb2": cb2}


def _bn_eval(h, g, b):
    # eval-mode BatchNorm1d with default buffers (running_mean=0, running_var=1)
    return h * (g / jnp.sqrt(1.0 + 1e-5)) + b


def reference(x, ei, batch, eps, w1, b1, g1, be1, w2, b2, g2, be2, cw1, cb1, cw2, cb2):
    src = ei[0]
    dst = ei[1]
    h = x
    for i in range(L):
        # GINConv: (1 + eps) * x + sum-aggregation of neighbor features
        agg = jax.ops.segment_sum(h[src], dst, num_segments=N)
        z = (1.0 + eps[i]) * h + agg
        # inner MLP: Linear -> BN -> ReLU -> Linear
        z = z @ w1[i] + b1[i]
        z = _bn_eval(z, g1[i], be1[i])
        z = jax.nn.relu(z)
        z = z @ w2[i] + b2[i]
        # outer BN + ReLU (dropout is identity in eval)
        z = _bn_eval(z, g2[i], be2[i])
        h = jax.nn.relu(z)
    # global_add_pool over graph batch assignment
    pooled = jax.ops.segment_sum(h, batch, num_segments=G)
    # classifier head: Linear -> ReLU -> Dropout(identity in eval) -> Linear
    p = jax.nn.relu(pooled @ cw1 + cb1)
    out = p @ cw2 + cb2
    return out

if __name__ == "__main__":
    import jax
    _d = setup_inputs()
    print(jax.jit(kernel)(*tuple(_d.values())))

</pallas_src>

<mosaic_0001>
#map = affine_map<(d0, d1) -> (0, 0)>
#map1 = affine_map<(d0, d1) -> (0, 0, 0)>
module attributes {stable_mosaic.version = 14 : i64} {
  func.func @k(%arg0: i32, %arg1: i32, %arg2: memref<10000x128xf32, #tpu.memory_space<hbm>>, %arg3: memref<32x80x128xi32, #tpu.memory_space<hbm>>, %arg4: memref<32x80x128xi32, #tpu.memory_space<hbm>>, %arg5: memref<632x128xf32, #tpu.memory_space<hbm>>, %arg6: memref<2x10112x128xf32, #tpu.memory_space<hbm>>, %arg7: memref<40x128xi32, #tpu.memory_space<vmem>>, %arg8: memref<40x128xi32, #tpu.memory_space<vmem>>, %arg9: memref<2x128x128xf32, #tpu.memory_space<vmem>>, %arg10: memref<10112x128xf32, #tpu.memory_space<vmem_shared>>, %arg11: memref<2x!tpu.dma_semaphore, #tpu.memory_space<semaphore_mem>>, %arg12: memref<2x!tpu.dma_semaphore, #tpu.memory_space<semaphore_mem>>, %arg13: memref<!tpu.dma_semaphore, #tpu.memory_space<semaphore_mem>>) attributes {dimension_semantics = [#tpu.dimension_semantics<core_parallel>, #tpu.dimension_semantics<subcore_parallel>], iteration_bounds = array<i64: 2, 16>, scalar_prefetch = 0 : i64, scratch_operands = 7 : i64, tpu.core_type = #tpu.core_type<sc_vector_subcore>, window_params = [{transform_indices = #map}, {transform_indices = #map1}, {transform_indices = #map1}, {transform_indices = #map}, {transform_indices = #map1}]} {
    %mul3A = arith.constant 2 : i32
    %mul3A_0 = arith.muli %arg1, %mul3A : i32
    %add3A = arith.addi %mul3A_0, %arg0 : i32
    %mul3A_1 = arith.constant 632 : i32
    %mul3A_2 = arith.muli %arg1, %mul3A_1 : i32
    %dma_start3A = arith.constant 0 : i32
    %dma_start3A_3 = tpu.memref_slice %arg10[%mul3A_2, %dma_start3A] : memref<10112x128xf32, #tpu.memory_space<vmem_shared>> -> memref<632x128xf32, #tpu.memory_space<vmem_shared>>
    %dma_start3A_4 = arith.constant 0 : i32
    %dma_start3A_5 = arith.constant 0 : i32
    %dma_start3A_6 = tpu.memref_slice %arg5[%dma_start3A_4, %dma_start3A_5] : memref<632x128xf32, #tpu.memory_space<hbm>> -> memref<632x128xf32, #tpu.memory_space<hbm>>
    tpu.enqueue_dma source(%dma_start3A_6 : memref<632x128xf32, #tpu.memory_space<hbm>>) target(%dma_start3A_3 : memref<632x128xf32, #tpu.memory_space<vmem_shared>>) target_semaphore(%arg13 : memref<!tpu.dma_semaphore, #tpu.memory_space<semaphore_mem>>)
    "tpu.region"() ({
      %run_scoped3A = tpu.sem_alloc : memref<!tpu.dma_semaphore, #tpu.memory_space<semaphore_mem>>
      %dma_start3A_83 = arith.constant 0 : i32
      %dma_start3A_84 = arith.constant 0 : i32
      %dma_start3A_85 = tpu.memref_slice %arg3[%add3A, %dma_start3A_83, %dma_start3A_84] : memref<32x80x128xi32, #tpu.memory_space<hbm>> -> memref<1x40x128xi32, #tpu.memory_space<hbm>>
      %dma_start3A_86 = tpu.memref_squeeze %dma_start3A_85 : memref<1x40x128xi32, #tpu.memory_space<hbm>> -> memref<40x128xi32, #tpu.memory_space<hbm>>
      %dma_start3A_87 = arith.constant 0 : i32
      %dma_start3A_88 = arith.constant 0 : i32
      %dma_start3A_89 = tpu.memref_slice %arg3[%add3A, %dma_start3A_87, %dma_start3A_88] : memref<32x80x128xi32, #tpu.memory_space<hbm>> -> memref<1x40x128xi32, #tpu.memory_space<hbm>>
      %dma_start3A_90 = tpu.memref_squeeze %dma_start3A_89 : memref<1x40x128xi32, #tpu.memory_space<hbm>> -> memref<40x128xi32, #tpu.memory_space<hbm>>
      tpu.enqueue_dma source(%dma_start3A_90 : memref<40x128xi32, #tpu.memory_space<hbm>>) target(%arg7 : memref<40x128xi32, #tpu.memory_space<vmem>>) target_semaphore(%run_scoped3A : memref<!tpu.dma_semaphore, #tpu.memory_space<semaphore_mem>>)
      %dma_wait3A_91 = arith.constant 0 : i32
      %dma_wait3A_92 = arith.constant 0 : i32
      %dma_wait3A_93 = tpu.memref_slice %arg3[%add3A, %dma_wait3A_91, %dma_wait3A_92] : memref<32x80x128xi32, #tpu.memory_space<hbm>> -> memref<1x40x128xi32, #tpu.memory_space<hbm>>
      %dma_wait3A_94 = tpu.memref_squeeze %dma_wait3A_93 : memref<1x40x128xi32, #tpu.memory_space<hbm>> -> memref<40x128xi32, #tpu.memory_space<hbm>>
      %dma_wait3A_95 = arith.constant 0 : i32
      %dma_wait3A_96 = arith.constant 0 : i32
      %dma_wait3A_97 = tpu.memref_slice %arg3[%add3A, %dma_wait3A_95, %dma_wait3A_96] : memref<32x80x128xi32, #tpu.memory_space<hbm>> -> memref<1x40x128xi32, #tpu.memory_space<hbm>>
      %dma_wait3A_98 = tpu.memref_squeeze %dma_wait3A_97 : memref<1x40x128xi32, #tpu.memory_space<hbm>> -> memref<40x128xi32, #tpu.memory_space<hbm>>
      tpu.wait_dma2 semaphore(%run_scoped3A : memref<!tpu.dma_semaphore, #tpu.memory_space<semaphore_mem>>) src(%dma_wait3A_98 : memref<40x128xi32, #tpu.memory_space<hbm>>) dst(%arg7 : memref<40x128xi32, #tpu.memory_space<vmem>>)
      tpu.yield
    }) : () -> ()
    "tpu.region"() ({
      %run_scoped3A = tpu.sem_alloc : memref<!tpu.dma_semaphore, #tpu.memory_space<semaphore_mem>>
      %dma_start3A_83 = arith.constant 0 : i32
      %dma_start3A_84 = arith.constant 0 : i32
      %dma_start3A_85 = tpu.memref_slice %arg4[%add3A, %dma_start3A_83, %dma_start3A_84] : memref<32x80x128xi32, #tpu.memory_space<hbm>> -> memref<1x40x128xi32, #tpu.memory_space<hbm>>
      %dma_start3A_86 = tpu.memref_squeeze %dma_start3A_85 : memref<1x40x128xi32, #tpu.memory_space<hbm>> -> memref<40x128xi32, #tpu.memory_space<hbm>>
      %dma_start3A_87 = arith.constant 0 : i32
      %dma_start3A_88 = arith.constant 0 : i32
      %dma_start3A_89 = tpu.memref_slice %arg4[%add3A, %dma_start3A_87, %dma_start3A_88] : memref<32x80x128xi32, #tpu.memory_space<hbm>> -> memref<1x40x128xi32, #tpu.memory_space<hbm>>
      %dma_start3A_90 = tpu.memref_squeeze %dma_start3A_89 : memref<1x40x128xi32, #tpu.memory_space<hbm>> -> memref<40x128xi32, #tpu.memory_space<hbm>>
      tpu.enqueue_dma source(%dma_start3A_90 : memref<40x128xi32, #tpu.memory_space<hbm>>) target(%arg8 : memref<40x128xi32, #tpu.memory_space<vmem>>) target_semaphore(%run_scoped3A : memref<!tpu.dma_semaphore, #tpu.memory_space<semaphore_mem>>)
      %dma_wait3A_91 = arith.constant 0 : i32
      %dma_wait3A_92 = arith.constant 0 : i32
      %dma_wait3A_93 = tpu.memref_slice %arg4[%add3A, %dma_wait3A_91, %dma_wait3A_92] : memref<32x80x128xi32, #tpu.memory_space<hbm>> -> memref<1x40x128xi32, #tpu.memory_space<hbm>>
      %dma_wait3A_94 = tpu.memref_squeeze %dma_wait3A_93 : memref<1x40x128xi32, #tpu.memory_space<hbm>> -> memref<40x128xi32, #tpu.memory_space<hbm>>
      %dma_wait3A_95 = arith.constant 0 : i32
      %dma_wait3A_96 = arith.constant 0 : i32
      %dma_wait3A_97 = tpu.memref_slice %arg4[%add3A, %dma_wait3A_95, %dma_wait3A_96] : memref<32x80x128xi32, #tpu.memory_space<hbm>> -> memref<1x40x128xi32, #tpu.memory_space<hbm>>
      %dma_wait3A_98 = tpu.memref_squeeze %dma_wait3A_97 : memref<1x40x128xi32, #tpu.memory_space<hbm>> -> memref<40x128xi32, #tpu.memory_space<hbm>>
      tpu.wait_dma2 semaphore(%run_scoped3A : memref<!tpu.dma_semaphore, #tpu.memory_space<semaphore_mem>>) src(%dma_wait3A_98 : memref<40x128xi32, #tpu.memory_space<hbm>>) dst(%arg8 : memref<40x128xi32, #tpu.memory_space<vmem>>)
      tpu.yield
    }) : () -> ()
    %dma_start3A_7 = arith.constant 0 : i32
    %dma_start3A_8 = arith.constant 0 : i32
    %dma_start3A_9 = arith.constant 0 : i32
    %dma_start3A_10 = arith.constant 0 : i32
    %dma_start3A_11 = arith.constant 0 : i32
    %dma_start3A_12 = tpu.memref_slice %arg9[%dma_start3A_8, %dma_start3A_10, %dma_start3A_11] : memref<2x128x128xf32, #tpu.memory_space<vmem>> -> memref<1x128x128xf32, #tpu.memory_space<vmem>>
    %dma_start3A_13 = tpu.memref_squeeze %dma_start3A_12 : memref<1x128x128xf32, #tpu.memory_space<vmem>> -> memref<128x128xf32, #tpu.memory_space<vmem>>
    %dma_start3A_14 = arith.constant 0 : i32
    %dma_start3A_15 = tpu.memref_slice %arg7[%dma_start3A_7, %dma_start3A_14] : memref<40x128xi32, #tpu.memory_space<vmem>> -> memref<1x128xi32, #tpu.memory_space<vmem>>
    %dma_start3A_16 = tpu.memref_squeeze %dma_start3A_15 : memref<1x128xi32, #tpu.memory_space<vmem>> -> memref<128xi32, #tpu.memory_space<vmem>>
    %dma_start3A_17 = arith.constant 0 : i32
    %dma_start3A_18 = arith.constant 0 : i32
    %dma_start3A_19 = tpu.memref_slice %arg2[%dma_start3A_17, %dma_start3A_18] : memref<10000x128xf32, #tpu.memory_space<hbm>> -> memref<10000x128xf32, #tpu.memory_space<hbm>>
    %dma_start3A_20 = tpu.memref_slice %arg11[%dma_start3A_9] : memref<2x!tpu.dma_semaphore, #tpu.memory_space<semaphore_mem>> -> memref<1x!tpu.dma_semaphore, #tpu.memory_space<semaphore_mem>>
    %dma_start3A_21 = tpu.memref_squeeze %dma_start3A_20 : memref<1x!tpu.dma_semaphore, #tpu.memory_space<semaphore_mem>> -> memref<!tpu.dma_semaphore, #tpu.memory_space<semaphore_mem>>
    tpu.enqueue_indirect_dma source(%dma_start3A_19 : memref<10000x128xf32, #tpu.memory_space<hbm>>) target(%dma_start3A_13 : memref<128x128xf32, #tpu.memory_space<vmem>>) offsets(%dma_start3A_16 : memref<128xi32, #tpu.memory_space<vmem>>) semaphore(%dma_start3A_21 : memref<!tpu.dma_semaphore, #tpu.memory_space<semaphore_mem>>)
    %dma_start3A_22 = arith.constant 1 : i32
    %dma_start3A_23 = arith.constant 1 : i32
    %dma_start3A_24 = arith.constant 1 : i32
    %dma_start3A_25 = arith.constant 0 : i32
    %dma_start3A_26 = arith.constant 0 : i32
    %dma_start3A_27 = tpu.memref_slice %arg9[%dma_start3A_23, %dma_start3A_25, %dma_start3A_26] : memref<2x128x128xf32, #tpu.memory_space<vmem>> -> memref<1x128x128xf32, #tpu.memory_space<vmem>>
    %dma_start3A_28 = tpu.memref_squeeze %dma_start3A_27 : memref<1x128x128xf32, #tpu.memory_space<vmem>> -> memref<128x128xf32, #tpu.memory_space<vmem>>
    %dma_start3A_29 = arith.constant 0 : i32
    %dma_start3A_30 = tpu.memref_slice %arg7[%dma_start3A_22, %dma_start3A_29] : memref<40x128xi32, #tpu.memory_space<vmem>> -> memref<1x128xi32, #tpu.memory_space<vmem>>
    %dma_start3A_31 = tpu.memref_squeeze %dma_start3A_30 : memref<1x128xi32, #tpu.memory_space<vmem>> -> memref<128xi32, #tpu.memory_space<vmem>>
    %dma_start3A_32 = arith.constant 0 : i32
    %dma_start3A_33 = arith.constant 0 : i32
    %dma_start3A_34 = tpu.memref_slice %arg2[%dma_start3A_32, %dma_start3A_33] : memref<10000x128xf32, #tpu.memory_space<hbm>> -> memref<10000x128xf32, #tpu.memory_space<hbm>>
    %dma_start3A_35 = tpu.memref_slice %arg11[%dma_start3A_24] : memref<2x!tpu.dma_semaphore, #tpu.memory_space<semaphore_mem>> -> memref<1x!tpu.dma_semaphore, #tpu.memory_space<semaphore_mem>>
    %dma_start3A_36 = tpu.memref_squeeze %dma_start3A_35 : memref<1x!tpu.dma_semaphore, #tpu.memory_space<semaphore_mem>> -> memref<!tpu.dma_semaphore, #tpu.memory_space<semaphore_mem>>
    tpu.enqueue_indirect_dma source(%dma_start3A_34 : memref<10000x128xf32, #tpu.memory_space<hbm>>) target(%dma_start3A_28 : memref<128x128xf32, #tpu.memory_space<vmem>>) offsets(%dma_start3A_31 : memref<128xi32, #tpu.memory_space<vmem>>) semaphore(%dma_start3A_36 : memref<!tpu.dma_semaphore, #tpu.memory_space<semaphore_mem>>)
    %dma_wait3A = arith.constant 0 : i32
    %dma_wait3A_37 = tpu.memref_slice %arg10[%mul3A_2, %dma_wait3A] : memref<10112x128xf32, #tpu.memory_space<vmem_shared>> -> memref<632x128xf32, #tpu.memory_space<vmem_shared>>
    %dma_wait3A_38 = arith.constant 0 : i32
    %dma_wait3A_39 = arith.constant 0 : i32
    %dma_wait3A_40 = tpu.memref_slice %arg5[%dma_wait3A_38, %dma_wait3A_39] : memref<632x128xf32, #tpu.memory_space<hbm>> -> memref<632x128xf32, #tpu.memory_space<hbm>>
    tpu.wait_dma2 semaphore(%arg13 : memref<!tpu.dma_semaphore, #tpu.memory_space<semaphore_mem>>) src(%dma_wait3A_40 : memref<632x128xf32, #tpu.memory_space<hbm>>) dst(%dma_wait3A_37 : memref<632x128xf32, #tpu.memory_space<vmem_shared>>)
    %barrier3A = arith.constant 0 : index
    tpu.barrier barrier_id(%barrier3A)
    %scan3A = arith.constant 0 : i32
    %scan3A_41 = arith.constant 0 : i32
    %scan3A_42 = arith.constant 20 : i32
    %scan3A_43 = arith.addi %scan3A_41, %scan3A_42 : i32
    %scan3A_44 = arith.constant 1 : i32
    scf.for %scan3A_83 = %scan3A_41 to %scan3A_43 step %scan3A_44  : i32 {
      %mul3A_84 = arith.constant 2 : i32
      %mul3A_85 = arith.muli %scan3A_83, %mul3A_84 : i32
      %add3A_86 = arith.constant 0 : i32
      %add3A_87 = arith.addi %mul3A_85, %add3A_86 : i32
      %dma_wait3A_88 = arith.constant 0 : i32
      %dma_wait3A_89 = arith.constant 0 : i32
      %dma_wait3A_90 = arith.constant 0 : i32
      %dma_wait3A_91 = arith.constant 0 : i32
      %dma_wait3A_92 = tpu.memref_slice %arg9[%dma_wait3A_88, %dma_wait3A_90, %dma_wait3A_91] : memref<2x128x128xf32, #tpu.memory_space<vmem>> -> memref<1x128x128xf32, #tpu.memory_space<vmem>>
      %dma_wait3A_93 = tpu.memref_squeeze %dma_wait3A_92 : memref<1x128x128xf32, #tpu.memory_space<vmem>> -> memref<128x128xf32, #tpu.memory_space<vmem>>
      %dma_wait3A_94 = arith.constant 0 : i32
      %dma_wait3A_95 = tpu.memref_slice %arg7[%add3A_87, %dma_wait3A_94] : memref<40x128xi32, #tpu.memory_space<vmem>> -> memref<1x128xi32, #tpu.memory_space<vmem>>
      %dma_wait3A_96 = tpu.memref_squeeze %dma_wait3A_95 : memref<1x128xi32, #tpu.memory_space<vmem>> -> memref<128xi32, #tpu.memory_space<vmem>>
      %dma_wait3A_97 = arith.constant 0 : i32
      %dma_wait3A_98 = arith.constant 0 : i32
      %dma_wait3A_99 = tpu.memref_slice %arg2[%dma_wait3A_97, %dma_wait3A_98] : memref<10000x128xf32, #tpu.memory_space<hbm>> -> memref<10000x128xf32, #tpu.memory_space<hbm>>
      %dma_wait3A_100 = tpu.memref_slice %arg11[%dma_wait3A_89] : memref<2x!tpu.dma_semaphore, #tpu.memory_space<semaphore_mem>> -> memref<1x!tpu.dma_semaphore, #tpu.memory_space<semaphore_mem>>
      %dma_wait3A_101 = tpu.memref_squeeze %dma_wait3A_100 : memref<1x!tpu.dma_semaphore, #tpu.memory_space<semaphore_mem>> -> memref<!tpu.dma_semaphore, #tpu.memory_space<semaphore_mem>>
      tpu.wait_indirect_dma semaphore(%dma_wait3A_101 : memref<!tpu.dma_semaphore, #tpu.memory_space<semaphore_mem>>) src(%dma_wait3A_99 : memref<10000x128xf32, #tpu.memory_space<hbm>>) dst(%dma_wait3A_93 : memref<128x128xf32, #tpu.memory_space<vmem>>)
      %dma_start3A_102 = arith.constant 0 : i32
      %dma_start3A_103 = arith.constant 0 : i32
      %dma_start3A_104 = arith.constant 0 : i32
      %dma_start3A_105 = arith.constant 0 : i32
      %dma_start3A_106 = tpu.memref_slice %arg9[%dma_start3A_102, %dma_start3A_104, %dma_start3A_105] : memref<2x128x128xf32, #tpu.memory_space<vmem>> -> memref<1x128x128xf32, #tpu.memory_space<vmem>>
      %dma_start3A_107 = tpu.memref_squeeze %dma_start3A_106 : memref<1x128x128xf32, #tpu.memory_space<vmem>> -> memref<128x128xf32, #tpu.memory_space<vmem>>
      %dma_start3A_108 = arith.constant 0 : i32
      %dma_start3A_109 = tpu.memref_slice %arg8[%add3A_87, %dma_start3A_108] : memref<40x128xi32, #tpu.memory_space<vmem>> -> memref<1x128xi32, #tpu.memory_space<vmem>>
      %dma_start3A_110 = tpu.memref_squeeze %dma_start3A_109 : memref<1x128xi32, #tpu.memory_space<vmem>> -> memref<128xi32, #tpu.memory_space<vmem>>
      %dma_start3A_111 = arith.constant 0 : i32
      %dma_start3A_112 = arith.constant 0 : i32
      %dma_start3A_113 = tpu.memref_slice %arg10[%dma_start3A_111, %dma_start3A_112] : memref<10112x128xf32, #tpu.memory_space<vmem_shared>> -> memref<10112x128xf32, #tpu.memory_space<vmem_shared>>
      %dma_start3A_114 = tpu.memref_slice %arg12[%dma_start3A_103] : memref<2x!tpu.dma_semaphore, #tpu.memory_space<semaphore_mem>> -> memref<1x!tpu.dma_semaphore, #tpu.memory_space<semaphore_mem>>
      %dma_start3A_115 = tpu.memref_squeeze %dma_start3A_114 : memref<1x!tpu.dma_semaphore, #tpu.memory_space<semaphore_mem>> -> memref<!tpu.dma_semaphore, #tpu.memory_space<semaphore_mem>>
      tpu.enqueue_indirect_dma source(%dma_start3A_107 : memref<128x128xf32, #tpu.memory_space<vmem>>) target(%dma_start3A_113 : memref<10112x128xf32, #tpu.memory_space<vmem_shared>>) offsets(%dma_start3A_110 : memref<128xi32, #tpu.memory_space<vmem>>) semaphore(%dma_start3A_115 : memref<!tpu.dma_semaphore, #tpu.memory_space<semaphore_mem>>) {add = true}
      %dma_wait3A_116 = arith.constant 0 : i32
      %dma_wait3A_117 = arith.constant 0 : i32
      %dma_wait3A_118 = arith.constant 0 : i32
      %dma_wait3A_119 = arith.constant 0 : i32
      %dma_wait3A_120 = tpu.memref_slice %arg9[%dma_wait3A_116, %dma_wait3A_118, %dma_wait3A_119] : memref<2x128x128xf32, #tpu.memory_space<vmem>> -> memref<1x128x128xf32, #tpu.memory_space<vmem>>
      %dma_wait3A_121 = tpu.memref_squeeze %dma_wait3A_120 : memref<1x128x128xf32, #tpu.memory_space<vmem>> -> memref<128x128xf32, #tpu.memory_space<vmem>>
      %dma_wait3A_122 = arith.constant 0 : i32
      %dma_wait3A_123 = tpu.memref_slice %arg8[%add3A_87, %dma_wait3A_122] : memref<40x128xi32, #tpu.memory_space<vmem>> -> memref<1x128xi32, #tpu.memory_space<vmem>>
      %dma_wait3A_124 = tpu.memref_squeeze %dma_wait3A_123 : memref<1x128xi32, #tpu.memory_space<vmem>> -> memref<128xi32, #tpu.memory_space<vmem>>
      %dma_wait3A_125 = arith.constant 0 : i32
      %dma_wait3A_126 = arith.constant 0 : i32
      %dma_wait3A_127 = tpu.memref_slice %arg10[%dma_wait3A_125, %dma_wait3A_126] : memref<10112x128xf32, #tpu.memory_space<vmem_shared>> -> memref<10112x128xf32, #tpu.memory_space<vmem_shared>>
      %dma_wait3A_128 = tpu.memref_slice %arg12[%dma_wait3A_117] : memref<2x!tpu.dma_semaphore, #tpu.memory_space<semaphore_mem>> -> memref<1x!tpu.dma_semaphore, #tpu.memory_space<semaphore_mem>>
      %dma_wait3A_129 = tpu.memref_squeeze %dma_wait3A_128 : memref<1x!tpu.dma_semaphore, #tpu.memory_space<semaphore_mem>> -> memref<!tpu.dma_semaphore, #tpu.memory_space<semaphore_mem>>
      tpu.wait_indirect_dma semaphore(%dma_wait3A_129 : memref<!tpu.dma_semaphore, #tpu.memory_space<semaphore_mem>>) src(%dma_wait3A_121 : memref<128x128xf32, #tpu.memory_space<vmem>>) dst(%dma_wait3A_127 : memref<10112x128xf32, #tpu.memory_space<vmem_shared>>)
      %lt3A = arith.constant 19 : i32
      %lt3A_130 = arith.cmpi slt, %scan3A_83, %lt3A : i32
      %convert_element_type3A = arith.extui %lt3A_130 : i1 to i32
      %cond3A = arith.constant 0 : i32
      %cond3A_131 = arith.cmpi ne, %convert_element_type3A, %cond3A : i32
      scf.if %cond3A_131 {
        %add3A_181 = arith.constant 2 : i32
        %add3A_182 = arith.addi %add3A_87, %add3A_181 : i32
        %dma_start3A_183 = arith.constant 0 : i32
        %dma_start3A_184 = arith.constant 0 : i32
        %dma_start3A_185 = arith.constant 0 : i32
        %dma_start3A_186 = arith.constant 0 : i32
        %dma_start3A_187 = tpu.memref_slice %arg9[%dma_start3A_183, %dma_start3A_185, %dma_start3A_186] : memref<2x128x128xf32, #tpu.memory_space<vmem>> -> memref<1x128x128xf32, #tpu.memory_space<vmem>>
        %dma_start3A_188 = tpu.memref_squeeze %dma_start3A_187 : memref<1x128x128xf32, #tpu.memory_space<vmem>> -> memref<128x128xf32, #tpu.memory_space<vmem>>
        %dma_start3A_189 = arith.constant 0 : i32
        %dma_start3A_190 = tpu.memref_slice %arg7[%add3A_182, %dma_start3A_189] : memref<40x128xi32, #tpu.memory_space<vmem>> -> memref<1x128xi32, #tpu.memory_space<vmem>>
        %dma_start3A_191 = tpu.memref_squeeze %dma_start3A_190 : memref<1x128xi32, #tpu.memory_space<vmem>> -> memref<128xi32, #tpu.memory_space<vmem>>
        %dma_start3A_192 = arith.constant 0 : i32
        %dma_start3A_193 = arith.constant 0 : i32
        %dma_start3A_194 = tpu.memref_slice %arg2[%dma_start3A_192, %dma_start3A_193] : memref<10000x128xf32, #tpu.memory_space<hbm>> -> memref<10000x128xf32, #tpu.memory_space<hbm>>
        %dma_start3A_195 = tpu.memref_slice %arg11[%dma_start3A_184] : memref<2x!tpu.dma_semaphore, #tpu.memory_space<semaphore_mem>> -> memref<1x!tpu.dma_semaphore, #tpu.memory_space<semaphore_mem>>
        %dma_start3A_196 = tpu.memref_squeeze %dma_start3A_195 : memref<1x!tpu.dma_semaphore, #tpu.memory_space<semaphore_mem>> -> memref<!tpu.dma_semaphore, #tpu.memory_space<semaphore_mem>>
        tpu.enqueue_indirect_dma source(%dma_start3A_194 : memref<10000x128xf32, #tpu.memory_space<hbm>>) target(%dma_start3A_188 : memref<128x128xf32, #tpu.memory_space<vmem>>) offsets(%dma_start3A_191 : memref<128xi32, #tpu.memory_space<vmem>>) semaphore(%dma_start3A_196 : memref<!tpu.dma_semaphore, #tpu.memory_space<semaphore_mem>>)
      } else {
      }
      %add3A_132 = arith.constant 1 : i32
      %add3A_133 = arith.addi %mul3A_85, %add3A_132 : i32
      %dma_wait3A_134 = arith.constant 1 : i32
      %dma_wait3A_135 = arith.constant 1 : i32
      %dma_wait3A_136 = arith.constant 0 : i32
      %dma_wait3A_137 = arith.constant 0 : i32
      %dma_wait3A_138 = tpu.memref_slice %arg9[%dma_wait3A_134, %dma_wait3A_136, %dma_wait3A_137] : memref<2x128x128xf32, #tpu.memory_space<vmem>> -> memref<1x128x128xf32, #tpu.memory_space<vmem>>
      %dma_wait3A_139 = tpu.memref_squeeze %dma_wait3A_138 : memref<1x128x128xf32, #tpu.memory_space<vmem>> -> memref<128x128xf32, #tpu.memory_space<vmem>>
      %dma_wait3A_140 = arith.constant 0 : i32
      %dma_wait3A_141 = tpu.memref_slice %arg7[%add3A_133, %dma_wait3A_140] : memref<40x128xi32, #tpu.memory_space<vmem>> -> memref<1x128xi32, #tpu.memory_space<vmem>>
      %dma_wait3A_142 = tpu.memref_squeeze %dma_wait3A_141 : memref<1x128xi32, #tpu.memory_space<vmem>> -> memref<128xi32, #tpu.memory_space<vmem>>
      %dma_wait3A_143 = arith.constant 0 : i32
      %dma_wait3A_144 = arith.constant 0 : i32
      %dma_wait3A_145 = tpu.memref_slice %arg2[%dma_wait3A_143, %dma_wait3A_144] : memref<10000x128xf32, #tpu.memory_space<hbm>> -> memref<10000x128xf32, #tpu.memory_space<hbm>>
      %dma_wait3A_146 = tpu.memref_slice %arg11[%dma_wait3A_135] : memref<2x!tpu.dma_semaphore, #tpu.memory_space<semaphore_mem>> -> memref<1x!tpu.dma_semaphore, #tpu.memory_space<semaphore_mem>>
      %dma_wait3A_147 = tpu.memref_squeeze %dma_wait3A_146 : memref<1x!tpu.dma_semaphore, #tpu.memory_space<semaphore_mem>> -> memref<!tpu.dma_semaphore, #tpu.memory_space<semaphore_mem>>
      tpu.wait_indirect_dma semaphore(%dma_wait3A_147 : memref<!tpu.dma_semaphore, #tpu.memory_space<semaphore_mem>>) src(%dma_wait3A_145 : memref<10000x128xf32, #tpu.memory_space<hbm>>) dst(%dma_wait3A_139 : memref<128x128xf32, #tpu.memory_space<vmem>>)
      %dma_start3A_148 = arith.constant 1 : i32
      %dma_start3A_149 = arith.constant 1 : i32
      %dma_start3A_150 = arith.constant 0 : i32
      %dma_start3A_151 = arith.constant 0 : i32
      %dma_start3A_152 = tpu.memref_slice %arg9[%dma_start3A_148, %dma_start3A_150, %dma_start3A_151] : memref<2x128x128xf32, #tpu.memory_space<vmem>> -> memref<1x128x128xf32, #tpu.memory_space<vmem>>
      %dma_start3A_153 = tpu.memref_squeeze %dma_start3A_152 : memref<1x128x128xf32, #tpu.memory_space<vmem>> -> memref<128x128xf32, #tpu.memory_space<vmem>>
      %dma_start3A_154 = arith.constant 0 : i32
      %dma_start3A_155 = tpu.memref_slice %arg8[%add3A_133, %dma_start3A_154] : memref<40x128xi32, #tpu.memory_space<vmem>> -> memref<1x128xi32, #tpu.memory_space<vmem>>
      %dma_start3A_156 = tpu.memref_squeeze %dma_start3A_155 : memref<1x128xi32, #tpu.memory_space<vmem>> -> memref<128xi32, #tpu.memory_space<vmem>>
      %dma_start3A_157 = arith.constant 0 : i32
      %dma_start3A_158 = arith.constant 0 : i32
      %dma_start3A_159 = tpu.memref_slice %arg10[%dma_start3A_157, %dma_start3A_158] : memref<10112x128xf32, #tpu.memory_space<vmem_shared>> -> memref<10112x128xf32, #tpu.memory_space<vmem_shared>>
      %dma_start3A_160 = tpu.memref_slice %arg12[%dma_start3A_149] : memref<2x!tpu.dma_semaphore, #tpu.memory_space<semaphore_mem>> -> memref<1x!tpu.dma_semaphore, #tpu.memory_space<semaphore_mem>>
      %dma_start3A_161 = tpu.memref_squeeze %dma_start3A_160 : memref<1x!tpu.dma_semaphore, #tpu.memory_space<semaphore_mem>> -> memref<!tpu.dma_semaphore, #tpu.memory_space<semaphore_mem>>
      tpu.enqueue_indirect_dma source(%dma_start3A_153 : memref<128x128xf32, #tpu.memory_space<vmem>>) target(%dma_start3A_159 : memref<10112x128xf32, #tpu.memory_space<vmem_shared>>) offsets(%dma_start3A_156 : memref<128xi32, #tpu.memory_space<vmem>>) semaphore(%dma_start3A_161 : memref<!tpu.dma_semaphore, #tpu.memory_space<semaphore_mem>>) {add = true}
      %dma_wait3A_162 = arith.constant 1 : i32
      %dma_wait3A_163 = arith.constant 1 : i32
      %dma_wait3A_164 = arith.constant 0 : i32
      %dma_wait3A_165 = arith.constant 0 : i32
      %dma_wait3A_166 = tpu.memref_slice %arg9[%dma_wait3A_162, %dma_wait3A_164, %dma_wait3A_165] : memref<2x128x128xf32, #tpu.memory_space<vmem>> -> memref<1x128x128xf32, #tpu.memory_space<vmem>>
      %dma_wait3A_167 = tpu.memref_squeeze %dma_wait3A_166 : memref<1x128x128xf32, #tpu.memory_space<vmem>> -> memref<128x128xf32, #tpu.memory_space<vmem>>
      %dma_wait3A_168 = arith.constant 0 : i32
      %dma_wait3A_169 = tpu.memref_slice %arg8[%add3A_133, %dma_wait3A_168] : memref<40x128xi32, #tpu.memory_space<vmem>> -> memref<1x128xi32, #tpu.memory_space<vmem>>
      %dma_wait3A_170 = tpu.memref_squeeze %dma_wait3A_169 : memref<1x128xi32, #tpu.memory_space<vmem>> -> memref<128xi32, #tpu.memory_space<vmem>>
      %dma_wait3A_171 = arith.constant 0 : i32
      %dma_wait3A_172 = arith.constant 0 : i32
      %dma_wait3A_173 = tpu.memref_slice %arg10[%dma_wait3A_171, %dma_wait3A_172] : memref<10112x128xf32, #tpu.memory_space<vmem_shared>> -> memref<10112x128xf32, #tpu.memory_space<vmem_shared>>
      %dma_wait3A_174 = tpu.memref_slice %arg12[%dma_wait3A_163] : memref<2x!tpu.dma_semaphore, #tpu.memory_space<semaphore_mem>> -> memref<1x!tpu.dma_semaphore, #tpu.memory_space<semaphore_mem>>
      %dma_wait3A_175 = tpu.memref_squeeze %dma_wait3A_174 : memref<1x!tpu.dma_semaphore, #tpu.memory_space<semaphore_mem>> -> memref<!tpu.dma_semaphore, #tpu.memory_space<semaphore_mem>>
      tpu.wait_indirect_dma semaphore(%dma_wait3A_175 : memref<!tpu.dma_semaphore, #tpu.memory_space<semaphore_mem>>) src(%dma_wait3A_167 : memref<128x128xf32, #tpu.memory_space<vmem>>) dst(%dma_wait3A_173 : memref<10112x128xf32, #tpu.memory_space<vmem_shared>>)
      %lt3A_176 = arith.constant 19 : i32
      %lt3A_177 = arith.cmpi slt, %scan3A_83, %lt3A_176 : i32
      %convert_element_type3A_178 = arith.extui %lt3A_177 : i1 to i32
      %cond3A_179 = arith.constant 0 : i32
      %cond3A_180 = arith.cmpi ne, %convert_element_type3A_178, %cond3A_179 : i32
      scf.if %cond3A_180 {
        %add3A_181 = arith.constant 2 : i32
        %add3A_182 = arith.addi %add3A_133, %add3A_181 : i32
        %dma_start3A_183 = arith.constant 1 : i32
        %dma_start3A_184 = arith.constant 1 : i32
        %dma_start3A_185 = arith.constant 0 : i32
        %dma_start3A_186 = arith.constant 0 : i32
        %dma_start3A_187 = tpu.memref_slice %arg9[%dma_start3A_183, %dma_start3A_185, %dma_start3A_186] : memref<2x128x128xf32, #tpu.memory_space<vmem>> -> memref<1x128x128xf32, #tpu.memory_space<vmem>>
        %dma_start3A_188 = tpu.memref_squeeze %dma_start3A_187 : memref<1x128x128xf32, #tpu.memory_space<vmem>> -> memref<128x128xf32, #tpu.memory_space<vmem>>
        %dma_start3A_189 = arith.constant 0 : i32
        %dma_start3A_190 = tpu.memref_slice %arg7[%add3A_182, %dma_start3A_189] : memref<40x128xi32, #tpu.memory_space<vmem>> -> memref<1x128xi32, #tpu.memory_space<vmem>>
        %dma_start3A_191 = tpu.memref_squeeze %dma_start3A_190 : memref<1x128xi32, #tpu.memory_space<vmem>> -> memref<128xi32, #tpu.memory_space<vmem>>
        %dma_start3A_192 = arith.constant 0 : i32
        %dma_start3A_193 = arith.constant 0 : i32
        %dma_start3A_194 = tpu.memref_slice %arg2[%dma_start3A_192, %dma_start3A_193] : memref<10000x128xf32, #tpu.memory_space<hbm>> -> memref<10000x128xf32, #tpu.memory_space<hbm>>
        %dma_start3A_195 = tpu.memref_slice %arg11[%dma_start3A_184] : memref<2x!tpu.dma_semaphore, #tpu.memory_space<semaphore_mem>> -> memref<1x!tpu.dma_semaphore, #tpu.memory_space<semaphore_mem>>
        %dma_start3A_196 = tpu.memref_squeeze %dma_start3A_195 : memref<1x!tpu.dma_semaphore, #tpu.memory_space<semaphore_mem>> -> memref<!tpu.dma_semaphore, #tpu.memory_space<semaphore_mem>>
        tpu.enqueue_indirect_dma source(%dma_start3A_194 : memref<10000x128xf32, #tpu.memory_space<hbm>>) target(%dma_start3A_188 : memref<128x128xf32, #tpu.memory_space<vmem>>) offsets(%dma_start3A_191 : memref<128xi32, #tpu.memory_space<vmem>>) semaphore(%dma_start3A_196 : memref<!tpu.dma_semaphore, #tpu.memory_space<semaphore_mem>>)
      } else {
      }
    }
    %scan3A_45 = arith.constant 20 : i32
    "tpu.region"() ({
      %run_scoped3A = tpu.sem_alloc : memref<!tpu.dma_semaphore, #tpu.memory_space<semaphore_mem>>
      %dma_start3A_83 = arith.constant 40 : i32
      %dma_start3A_84 = arith.constant 0 : i32
      %dma_start3A_85 = tpu.memref_slice %arg3[%add3A, %dma_start3A_83, %dma_start3A_84] : memref<32x80x128xi32, #tpu.memory_space<hbm>> -> memref<1x40x128xi32, #tpu.memory_space<hbm>>
      %dma_start3A_86 = tpu.memref_squeeze %dma_start3A_85 : memref<1x40x128xi32, #tpu.memory_space<hbm>> -> memref<40x128xi32, #tpu.memory_space<hbm>>
      %dma_start3A_87 = arith.constant 40 : i32
      %dma_start3A_88 = arith.constant 0 : i32
      %dma_start3A_89 = tpu.memref_slice %arg3[%add3A, %dma_start3A_87, %dma_start3A_88] : memref<32x80x128xi32, #tpu.memory_space<hbm>> -> memref<1x40x128xi32, #tpu.memory_space<hbm>>
      %dma_start3A_90 = tpu.memref_squeeze %dma_start3A_89 : memref<1x40x128xi32, #tpu.memory_space<hbm>> -> memref<40x128xi32, #tpu.memory_space<hbm>>
      tpu.enqueue_dma source(%dma_start3A_90 : memref<40x128xi32, #tpu.memory_space<hbm>>) target(%arg7 : memref<40x128xi32, #tpu.memory_space<vmem>>) target_semaphore(%run_scoped3A : memref<!tpu.dma_semaphore, #tpu.memory_space<semaphore_mem>>)
      %dma_wait3A_91 = arith.constant 40 : i32
      %dma_wait3A_92 = arith.constant 0 : i32
      %dma_wait3A_93 = tpu.memref_slice %arg3[%add3A, %dma_wait3A_91, %dma_wait3A_92] : memref<32x80x128xi32, #tpu.memory_space<hbm>> -> memref<1x40x128xi32, #tpu.memory_space<hbm>>
      %dma_wait3A_94 = tpu.memref_squeeze %dma_wait3A_93 : memref<1x40x128xi32, #tpu.memory_space<hbm>> -> memref<40x128xi32, #tpu.memory_space<hbm>>
      %dma_wait3A_95 = arith.constant 40 : i32
      %dma_wait3A_96 = arith.constant 0 : i32
      %dma_wait3A_97 = tpu.memref_slice %arg3[%add3A, %dma_wait3A_95, %dma_wait3A_96] : memref<32x80x128xi32, #tpu.memory_space<hbm>> -> memref<1x40x128xi32, #tpu.memory_space<hbm>>
      %dma_wait3A_98 = tpu.memref_squeeze %dma_wait3A_97 : memref<1x40x128xi32, #tpu.memory_space<hbm>> -> memref<40x128xi32, #tpu.memory_space<hbm>>
      tpu.wait_dma2 semaphore(%run_scoped3A : memref<!tpu.dma_semaphore, #tpu.memory_space<semaphore_mem>>) src(%dma_wait3A_98 : memref<40x128xi32, #tpu.memory_space<hbm>>) dst(%arg7 : memref<40x128xi32, #tpu.memory_space<vmem>>)
      tpu.yield
    }) : () -> ()
    "tpu.region"() ({
      %run_scoped3A = tpu.sem_alloc : memref<!tpu.dma_semaphore, #tpu.memory_space<semaphore_mem>>
      %dma_start3A_83 = arith.constant 40 : i32
      %dma_start3A_84 = arith.constant 0 : i32
      %dma_start3A_85 = tpu.memref_slice %arg4[%add3A, %dma_start3A_83, %dma_start3A_84] : memref<32x80x128xi32, #tpu.memory_space<hbm>> -> memref<1x40x128xi32, #tpu.memory_space<hbm>>
      %dma_start3A_86 = tpu.memref_squeeze %dma_start3A_85 : memref<1x40x128xi32, #tpu.memory_space<hbm>> -> memref<40x128xi32, #tpu.memory_space<hbm>>
      %dma_start3A_87 = arith.constant 40 : i32
      %dma_start3A_88 = arith.constant 0 : i32
      %dma_start3A_89 = tpu.memref_slice %arg4[%add3A, %dma_start3A_87, %dma_start3A_88] : memref<32x80x128xi32, #tpu.memory_space<hbm>> -> memref<1x40x128xi32, #tpu.memory_space<hbm>>
      %dma_start3A_90 = tpu.memref_squeeze %dma_start3A_89 : memref<1x40x128xi32, #tpu.memory_space<hbm>> -> memref<40x128xi32, #tpu.memory_space<hbm>>
      tpu.enqueue_dma source(%dma_start3A_90 : memref<40x128xi32, #tpu.memory_space<hbm>>) target(%arg8 : memref<40x128xi32, #tpu.memory_space<vmem>>) target_semaphore(%run_scoped3A : memref<!tpu.dma_semaphore, #tpu.memory_space<semaphore_mem>>)
      %dma_wait3A_91 = arith.constant 40 : i32
      %dma_wait3A_92 = arith.constant 0 : i32
      %dma_wait3A_93 = tpu.memref_slice %arg4[%add3A, %dma_wait3A_91, %dma_wait3A_92] : memref<32x80x128xi32, #tpu.memory_space<hbm>> -> memref<1x40x128xi32, #tpu.memory_space<hbm>>
      %dma_wait3A_94 = tpu.memref_squeeze %dma_wait3A_93 : memref<1x40x128xi32, #tpu.memory_space<hbm>> -> memref<40x128xi32, #tpu.memory_space<hbm>>
      %dma_wait3A_95 = arith.constant 40 : i32
      %dma_wait3A_96 = arith.constant 0 : i32
      %dma_wait3A_97 = tpu.memref_slice %arg4[%add3A, %dma_wait3A_95, %dma_wait3A_96] : memref<32x80x128xi32, #tpu.memory_space<hbm>> -> memref<1x40x128xi32, #tpu.memory_space<hbm>>
      %dma_wait3A_98 = tpu.memref_squeeze %dma_wait3A_97 : memref<1x40x128xi32, #tpu.memory_space<hbm>> -> memref<40x128xi32, #tpu.memory_space<hbm>>
      tpu.wait_dma2 semaphore(%run_scoped3A : memref<!tpu.dma_semaphore, #tpu.memory_space<semaphore_mem>>) src(%dma_wait3A_98 : memref<40x128xi32, #tpu.memory_space<hbm>>) dst(%arg8 : memref<40x128xi32, #tpu.memory_space<vmem>>)
      tpu.yield
    }) : () -> ()
    %dma_start3A_46 = arith.constant 0 : i32
    %dma_start3A_47 = arith.constant 0 : i32
    %dma_start3A_48 = arith.constant 0 : i32
    %dma_start3A_49 = arith.constant 0 : i32
    %dma_start3A_50 = arith.constant 0 : i32
    %dma_start3A_51 = tpu.memref_slice %arg9[%dma_start3A_47, %dma_start3A_49, %dma_start3A_50] : memref<2x128x128xf32, #tpu.memory_space<vmem>> -> memref<1x128x128xf32, #tpu.memory_space<vmem>>
    %dma_start3A_52 = tpu.memref_squeeze %dma_start3A_51 : memref<1x128x128xf32, #tpu.memory_space<vmem>> -> memref<128x128xf32, #tpu.memory_space<vmem>>
    %dma_start3A_53 = arith.constant 0 : i32
    %dma_start3A_54 = tpu.memref_slice %arg7[%dma_start3A_46, %dma_start3A_53] : memref<40x128xi32, #tpu.memory_space<vmem>> -> memref<1x128xi32, #tpu.memory_space<vmem>>
    %dma_start3A_55 = tpu.memref_squeeze %dma_start3A_54 : memref<1x128xi32, #tpu.memory_space<vmem>> -> memref<128xi32, #tpu.memory_space<vmem>>
    %dma_start3A_56 = arith.constant 0 : i32
    %dma_start3A_57 = arith.constant 0 : i32
    %dma_start3A_58 = tpu.memref_slice %arg2[%dma_start3A_56, %dma_start3A_57] : memref<10000x128xf32, #tpu.memory_space<hbm>> -> memref<10000x128xf32, #tpu.memory_space<hbm>>
    %dma_start3A_59 = tpu.memref_slice %arg11[%dma_start3A_48] : memref<2x!tpu.dma_semaphore, #tpu.memory_space<semaphore_mem>> -> memref<1x!tpu.dma_semaphore, #tpu.memory_space<semaphore_mem>>
    %dma_start3A_60 = tpu.memref_squeeze %dma_start3A_59 : memref<1x!tpu.dma_semaphore, #tpu.memory_space<semaphore_mem>> -> memref<!tpu.dma_semaphore, #tpu.memory_space<semaphore_mem>>
    tpu.enqueue_indirect_dma source(%dma_start3A_58 : memref<10000x128xf32, #tpu.memory_space<hbm>>) target(%dma_start3A_52 : memref<128x128xf32, #tpu.memory_space<vmem>>) offsets(%dma_start3A_55 : memref<128xi32, #tpu.memory_space<vmem>>) semaphore(%dma_start3A_60 : memref<!tpu.dma_semaphore, #tpu.memory_space<semaphore_mem>>)
    %dma_start3A_61 = arith.constant 1 : i32
    %dma_start3A_62 = arith.constant 1 : i32
    %dma_start3A_63 = arith.constant 1 : i32
    %dma_start3A_64 = arith.constant 0 : i32
    %dma_start3A_65 = arith.constant 0 : i32
    %dma_start3A_66 = tpu.memref_slice %arg9[%dma_start3A_62, %dma_start3A_64, %dma_start3A_65] : memref<2x128x128xf32, #tpu.memory_space<vmem>> -> memref<1x128x128xf32, #tpu.memory_space<vmem>>
    %dma_start3A_67 = tpu.memref_squeeze %dma_start3A_66 : memref<1x128x128xf32, #tpu.memory_space<vmem>> -> memref<128x128xf32, #tpu.memory_space<vmem>>
    %dma_start3A_68 = arith.constant 0 : i32
    %dma_start3A_69 = tpu.memref_slice %arg7[%dma_start3A_61, %dma_start3A_68] : memref<40x128xi32, #tpu.memory_space<vmem>> -> memref<1x128xi32, #tpu.memory_space<vmem>>
    %dma_start3A_70 = tpu.memref_squeeze %dma_start3A_69 : memref<1x128xi32, #tpu.memory_space<vmem>> -> memref<128xi32, #tpu.memory_space<vmem>>
    %dma_start3A_71 = arith.constant 0 : i32
    %dma_start3A_72 = arith.constant 0 : i32
    %dma_start3A_73 = tpu.memref_slice %arg2[%dma_start3A_71, %dma_start3A_72] : memref<10000x128xf32, #tpu.memory_space<hbm>> -> memref<10000x128xf32, #tpu.memory_space<hbm>>
    %dma_start3A_74 = tpu.memref_slice %arg11[%dma_start3A_63] : memref<2x!tpu.dma_semaphore, #tpu.memory_space<semaphore_mem>> -> memref<1x!tpu.dma_semaphore, #tpu.memory_space<semaphore_mem>>
    %dma_start3A_75 = tpu.memref_squeeze %dma_start3A_74 : memref<1x!tpu.dma_semaphore, #tpu.memory_space<semaphore_mem>> -> memref<!tpu.dma_semaphore, #tpu.memory_space<semaphore_mem>>
    tpu.enqueue_indirect_dma source(%dma_start3A_73 : memref<10000x128xf32, #tpu.memory_space<hbm>>) target(%dma_start3A_67 : memref<128x128xf32, #tpu.memory_space<vmem>>) offsets(%dma_start3A_70 : memref<128xi32, #tpu.memory_space<vmem>>) semaphore(%dma_start3A_75 : memref<!tpu.dma_semaphore, #tpu.memory_space<semaphore_mem>>)
    %scan3A_76 = arith.constant 0 : i32
    %scan3A_77 = arith.constant 0 : i32
    %scan3A_78 = arith.constant 20 : i32
    %scan3A_79 = arith.addi %scan3A_77, %scan3A_78 : i32
    %scan3A_80 = arith.constant 1 : i32
    scf.for %scan3A_83 = %scan3A_77 to %scan3A_79 step %scan3A_80  : i32 {
      %mul3A_84 = arith.constant 2 : i32
      %mul3A_85 = arith.muli %scan3A_83, %mul3A_84 : i32
      %add3A_86 = arith.constant 0 : i32
      %add3A_87 = arith.addi %mul3A_85, %add3A_86 : i32
      %dma_wait3A_88 = arith.constant 0 : i32
      %dma_wait3A_89 = arith.constant 0 : i32
      %dma_wait3A_90 = arith.constant 0 : i32
      %dma_wait3A_91 = arith.constant 0 : i32
      %dma_wait3A_92 = tpu.memref_slice %arg9[%dma_wait3A_88, %dma_wait3A_90, %dma_wait3A_91] : memref<2x128x128xf32, #tpu.memory_space<vmem>> -> memref<1x128x128xf32, #tpu.memory_space<vmem>>
      %dma_wait3A_93 = tpu.memref_squeeze %dma_wait3A_92 : memref<1x128x128xf32, #tpu.memory_space<vmem>> -> memref<128x128xf32, #tpu.memory_space<vmem>>
      %dma_wait3A_94 = arith.constant 0 : i32
      %dma_wait3A_95 = tpu.memref_slice %arg7[%add3A_87, %dma_wait3A_94] : memref<40x128xi32, #tpu.memory_space<vmem>> -> memref<1x128xi32, #tpu.memory_space<vmem>>
      %dma_wait3A_96 = tpu.memref_squeeze %dma_wait3A_95 : memref<1x128xi32, #tpu.memory_space<vmem>> -> memref<128xi32, #tpu.memory_space<vmem>>
      %dma_wait3A_97 = arith.constant 0 : i32
      %dma_wait3A_98 = arith.constant 0 : i32
      %dma_wait3A_99 = tpu.memref_slice %arg2[%dma_wait3A_97, %dma_wait3A_98] : memref<10000x128xf32, #tpu.memory_space<hbm>> -> memref<10000x128xf32, #tpu.memory_space<hbm>>
      %dma_wait3A_100 = tpu.memref_slice %arg11[%dma_wait3A_89] : memref<2x!tpu.dma_semaphore, #tpu.memory_space<semaphore_mem>> -> memref<1x!tpu.dma_semaphore, #tpu.memory_space<semaphore_mem>>
      %dma_wait3A_101 = tpu.memref_squeeze %dma_wait3A_100 : memref<1x!tpu.dma_semaphore, #tpu.memory_space<semaphore_mem>> -> memref<!tpu.dma_semaphore, #tpu.memory_space<semaphore_mem>>
      tpu.wait_indirect_dma semaphore(%dma_wait3A_101 : memref<!tpu.dma_semaphore, #tpu.memory_space<semaphore_mem>>) src(%dma_wait3A_99 : memref<10000x128xf32, #tpu.memory_space<hbm>>) dst(%dma_wait3A_93 : memref<128x128xf32, #tpu.memory_space<vmem>>)
      %dma_start3A_102 = arith.constant 0 : i32
      %dma_start3A_103 = arith.constant 0 : i32
      %dma_start3A_104 = arith.constant 0 : i32
      %dma_start3A_105 = arith.constant 0 : i32
      %dma_start3A_106 = tpu.memref_slice %arg9[%dma_start3A_102, %dma_start3A_104, %dma_start3A_105] : memref<2x128x128xf32, #tpu.memory_space<vmem>> -> memref<1x128x128xf32, #tpu.memory_space<vmem>>
      %dma_start3A_107 = tpu.memref_squeeze %dma_start3A_106 : memref<1x128x128xf32, #tpu.memory_space<vmem>> -> memref<128x128xf32, #tpu.memory_space<vmem>>
      %dma_start3A_108 = arith.constant 0 : i32
      %dma_start3A_109 = tpu.memref_slice %arg8[%add3A_87, %dma_start3A_108] : memref<40x128xi32, #tpu.memory_space<vmem>> -> memref<1x128xi32, #tpu.memory_space<vmem>>
      %dma_start3A_110 = tpu.memref_squeeze %dma_start3A_109 : memref<1x128xi32, #tpu.memory_space<vmem>> -> memref<128xi32, #tpu.memory_space<vmem>>
      %dma_start3A_111 = arith.constant 0 : i32
      %dma_start3A_112 = arith.constant 0 : i32
      %dma_start3A_113 = tpu.memref_slice %arg10[%dma_start3A_111, %dma_start3A_112] : memref<10112x128xf32, #tpu.memory_space<vmem_shared>> -> memref<10112x128xf32, #tpu.memory_space<vmem_shared>>
      %dma_start3A_114 = tpu.memref_slice %arg12[%dma_start3A_103] : memref<2x!tpu.dma_semaphore, #tpu.memory_space<semaphore_mem>> -> memref<1x!tpu.dma_semaphore, #tpu.memory_space<semaphore_mem>>
      %dma_start3A_115 = tpu.memref_squeeze %dma_start3A_114 : memref<1x!tpu.dma_semaphore, #tpu.memory_space<semaphore_mem>> -> memref<!tpu.dma_semaphore, #tpu.memory_space<semaphore_mem>>
      tpu.enqueue_indirect_dma source(%dma_start3A_107 : memref<128x128xf32, #tpu.memory_space<vmem>>) target(%dma_start3A_113 : memref<10112x128xf32, #tpu.memory_space<vmem_shared>>) offsets(%dma_start3A_110 : memref<128xi32, #tpu.memory_space<vmem>>) semaphore(%dma_start3A_115 : memref<!tpu.dma_semaphore, #tpu.memory_space<semaphore_mem>>) {add = true}
      %dma_wait3A_116 = arith.constant 0 : i32
      %dma_wait3A_117 = arith.constant 0 : i32
      %dma_wait3A_118 = arith.constant 0 : i32
      %dma_wait3A_119 = arith.constant 0 : i32
      %dma_wait3A_120 = tpu.memref_slice %arg9[%dma_wait3A_116, %dma_wait3A_118, %dma_wait3A_119] : memref<2x128x128xf32, #tpu.memory_space<vmem>> -> memref<1x128x128xf32, #tpu.memory_space<vmem>>
      %dma_wait3A_121 = tpu.memref_squeeze %dma_wait3A_120 : memref<1x128x128xf32, #tpu.memory_space<vmem>> -> memref<128x128xf32, #tpu.memory_space<vmem>>
      %dma_wait3A_122 = arith.constant 0 : i32
      %dma_wait3A_123 = tpu.memref_slice %arg8[%add3A_87, %dma_wait3A_122] : memref<40x128xi32, #tpu.memory_space<vmem>> -> memref<1x128xi32, #tpu.memory_space<vmem>>
      %dma_wait3A_124 = tpu.memref_squeeze %dma_wait3A_123 : memref<1x128xi32, #tpu.memory_space<vmem>> -> memref<128xi32, #tpu.memory_space<vmem>>
      %dma_wait3A_125 = arith.constant 0 : i32
      %dma_wait3A_126 = arith.constant 0 : i32
      %dma_wait3A_127 = tpu.memref_slice %arg10[%dma_wait3A_125, %dma_wait3A_126] : memref<10112x128xf32, #tpu.memory_space<vmem_shared>> -> memref<10112x128xf32, #tpu.memory_space<vmem_shared>>
      %dma_wait3A_128 = tpu.memref_slice %arg12[%dma_wait3A_117] : memref<2x!tpu.dma_semaphore, #tpu.memory_space<semaphore_mem>> -> memref<1x!tpu.dma_semaphore, #tpu.memory_space<semaphore_mem>>
      %dma_wait3A_129 = tpu.memref_squeeze %dma_wait3A_128 : memref<1x!tpu.dma_semaphore, #tpu.memory_space<semaphore_mem>> -> memref<!tpu.dma_semaphore, #tpu.memory_space<semaphore_mem>>
      tpu.wait_indirect_dma semaphore(%dma_wait3A_129 : memref<!tpu.dma_semaphore, #tpu.memory_space<semaphore_mem>>) src(%dma_wait3A_121 : memref<128x128xf32, #tpu.memory_space<vmem>>) dst(%dma_wait3A_127 : memref<10112x128xf32, #tpu.memory_space<vmem_shared>>)
      %lt3A = arith.constant 19 : i32
      %lt3A_130 = arith.cmpi slt, %scan3A_83, %lt3A : i32
      %convert_element_type3A = arith.extui %lt3A_130 : i1 to i32
      %cond3A = arith.constant 0 : i32
      %cond3A_131 = arith.cmpi ne, %convert_element_type3A, %cond3A : i32
      scf.if %cond3A_131 {
        %add3A_181 = arith.constant 2 : i32
        %add3A_182 = arith.addi %add3A_87, %add3A_181 : i32
        %dma_start3A_183 = arith.constant 0 : i32
        %dma_start3A_184 = arith.constant 0 : i32
        %dma_start3A_185 = arith.constant 0 : i32
        %dma_start3A_186 = arith.constant 0 : i32
        %dma_start3A_187 = tpu.memref_slice %arg9[%dma_start3A_183, %dma_start3A_185, %dma_start3A_186] : memref<2x128x128xf32, #tpu.memory_space<vmem>> -> memref<1x128x128xf32, #tpu.memory_space<vmem>>
        %dma_start3A_188 = tpu.memref_squeeze %dma_start3A_187 : memref<1x128x128xf32, #tpu.memory_space<vmem>> -> memref<128x128xf32, #tpu.memory_space<vmem>>
        %dma_start3A_189 = arith.constant 0 : i32
        %dma_start3A_190 = tpu.memref_slice %arg7[%add3A_182, %dma_start3A_189] : memref<40x128xi32, #tpu.memory_space<vmem>> -> memref<1x128xi32, #tpu.memory_space<vmem>>
        %dma_start3A_191 = tpu.memref_squeeze %dma_start3A_190 : memref<1x128xi32, #tpu.memory_space<vmem>> -> memref<128xi32, #tpu.memory_space<vmem>>
        %dma_start3A_192 = arith.constant 0 : i32
        %dma_start3A_193 = arith.constant 0 : i32
        %dma_start3A_194 = tpu.memref_slice %arg2[%dma_start3A_192, %dma_start3A_193] : memref<10000x128xf32, #tpu.memory_space<hbm>> -> memref<10000x128xf32, #tpu.memory_space<hbm>>
        %dma_start3A_195 = tpu.memref_slice %arg11[%dma_start3A_184] : memref<2x!tpu.dma_semaphore, #tpu.memory_space<semaphore_mem>> -> memref<1x!tpu.dma_semaphore, #tpu.memory_space<semaphore_mem>>
        %dma_start3A_196 = tpu.memref_squeeze %dma_start3A_195 : memref<1x!tpu.dma_semaphore, #tpu.memory_space<semaphore_mem>> -> memref<!tpu.dma_semaphore, #tpu.memory_space<semaphore_mem>>
        tpu.enqueue_indirect_dma source(%dma_start3A_194 : memref<10000x128xf32, #tpu.memory_space<hbm>>) target(%dma_start3A_188 : memref<128x128xf32, #tpu.memory_space<vmem>>) offsets(%dma_start3A_191 : memref<128xi32, #tpu.memory_space<vmem>>) semaphore(%dma_start3A_196 : memref<!tpu.dma_semaphore, #tpu.memory_space<semaphore_mem>>)
      } else {
      }
      %add3A_132 = arith.constant 1 : i32
      %add3A_133 = arith.addi %mul3A_85, %add3A_132 : i32
      %dma_wait3A_134 = arith.constant 1 : i32
      %dma_wait3A_135 = arith.constant 1 : i32
      %dma_wait3A_136 = arith.constant 0 : i32
      %dma_wait3A_137 = arith.constant 0 : i32
      %dma_wait3A_138 = tpu.memref_slice %arg9[%dma_wait3A_134, %dma_wait3A_136, %dma_wait3A_137] : memref<2x128x128xf32, #tpu.memory_space<vmem>> -> memref<1x128x128xf32, #tpu.memory_space<vmem>>
      %dma_wait3A_139 = tpu.memref_squeeze %dma_wait3A_138 : memref<1x128x128xf32, #tpu.memory_space<vmem>> -> memref<128x128xf32, #tpu.memory_space<vmem>>
      %dma_wait3A_140 = arith.constant 0 : i32
      %dma_wait3A_141 = tpu.memref_slice %arg7[%add3A_133, %dma_wait3A_140] : memref<40x128xi32, #tpu.memory_space<vmem>> -> memref<1x128xi32, #tpu.memory_space<vmem>>
      %dma_wait3A_142 = tpu.memref_squeeze %dma_wait3A_141 : memref<1x128xi32, #tpu.memory_space<vmem>> -> memref<128xi32, #tpu.memory_space<vmem>>
      %dma_wait3A_143 = arith.constant 0 : i32
      %dma_wait3A_144 = arith.constant 0 : i32
      %dma_wait3A_145 = tpu.memref_slice %arg2[%dma_wait3A_143, %dma_wait3A_144] : memref<10000x128xf32, #tpu.memory_space<hbm>> -> memref<10000x128xf32, #tpu.memory_space<hbm>>
      %dma_wait3A_146 = tpu.memref_slice %arg11[%dma_wait3A_135] : memref<2x!tpu.dma_semaphore, #tpu.memory_space<semaphore_mem>> -> memref<1x!tpu.dma_semaphore, #tpu.memory_space<semaphore_mem>>
      %dma_wait3A_147 = tpu.memref_squeeze %dma_wait3A_146 : memref<1x!tpu.dma_semaphore, #tpu.memory_space<semaphore_mem>> -> memref<!tpu.dma_semaphore, #tpu.memory_space<semaphore_mem>>
      tpu.wait_indirect_dma semaphore(%dma_wait3A_147 : memref<!tpu.dma_semaphore, #tpu.memory_space<semaphore_mem>>) src(%dma_wait3A_145 : memref<10000x128xf32, #tpu.memory_space<hbm>>) dst(%dma_wait3A_139 : memref<128x128xf32, #tpu.memory_space<vmem>>)
      %dma_start3A_148 = arith.constant 1 : i32
      %dma_start3A_149 = arith.constant 1 : i32
      %dma_start3A_150 = arith.constant 0 : i32
      %dma_start3A_151 = arith.constant 0 : i32
      %dma_start3A_152 = tpu.memref_slice %arg9[%dma_start3A_148, %dma_start3A_150, %dma_start3A_151] : memref<2x128x128xf32, #tpu.memory_space<vmem>> -> memref<1x128x128xf32, #tpu.memory_space<vmem>>
      %dma_start3A_153 = tpu.memref_squeeze %dma_start3A_152 : memref<1x128x128xf32, #tpu.memory_space<vmem>> -> memref<128x128xf32, #tpu.memory_space<vmem>>
      %dma_start3A_154 = arith.constant 0 : i32
      %dma_start3A_155 = tpu.memref_slice %arg8[%add3A_133, %dma_start3A_154] : memref<40x128xi32, #tpu.memory_space<vmem>> -> memref<1x128xi32, #tpu.memory_space<vmem>>
      %dma_start3A_156 = tpu.memref_squeeze %dma_start3A_155 : memref<1x128xi32, #tpu.memory_space<vmem>> -> memref<128xi32, #tpu.memory_space<vmem>>
      %dma_start3A_157 = arith.constant 0 : i32
      %dma_start3A_158 = arith.constant 0 : i32
      %dma_start3A_159 = tpu.memref_slice %arg10[%dma_start3A_157, %dma_start3A_158] : memref<10112x128xf32, #tpu.memory_space<vmem_shared>> -> memref<10112x128xf32, #tpu.memory_space<vmem_shared>>
      %dma_start3A_160 = tpu.memref_slice %arg12[%dma_start3A_149] : memref<2x!tpu.dma_semaphore, #tpu.memory_space<semaphore_mem>> -> memref<1x!tpu.dma_semaphore, #tpu.memory_space<semaphore_mem>>
      %dma_start3A_161 = tpu.memref_squeeze %dma_start3A_160 : memref<1x!tpu.dma_semaphore, #tpu.memory_space<semaphore_mem>> -> memref<!tpu.dma_semaphore, #tpu.memory_space<semaphore_mem>>
      tpu.enqueue_indirect_dma source(%dma_start3A_153 : memref<128x128xf32, #tpu.memory_space<vmem>>) target(%dma_start3A_159 : memref<10112x128xf32, #tpu.memory_space<vmem_shared>>) offsets(%dma_start3A_156 : memref<128xi32, #tpu.memory_space<vmem>>) semaphore(%dma_start3A_161 : memref<!tpu.dma_semaphore, #tpu.memory_space<semaphore_mem>>) {add = true}
      %dma_wait3A_162 = arith.constant 1 : i32
      %dma_wait3A_163 = arith.constant 1 : i32
      %dma_wait3A_164 = arith.constant 0 : i32
      %dma_wait3A_165 = arith.constant 0 : i32
      %dma_wait3A_166 = tpu.memref_slice %arg9[%dma_wait3A_162, %dma_wait3A_164, %dma_wait3A_165] : memref<2x128x128xf32, #tpu.memory_space<vmem>> -> memref<1x128x128xf32, #tpu.memory_space<vmem>>
      %dma_wait3A_167 = tpu.memref_squeeze %dma_wait3A_166 : memref<1x128x128xf32, #tpu.memory_space<vmem>> -> memref<128x128xf32, #tpu.memory_space<vmem>>
      %dma_wait3A_168 = arith.constant 0 : i32
      %dma_wait3A_169 = tpu.memref_slice %arg8[%add3A_133, %dma_wait3A_168] : memref<40x128xi32, #tpu.memory_space<vmem>> -> memref<1x128xi32, #tpu.memory_space<vmem>>
      %dma_wait3A_170 = tpu.memref_squeeze %dma_wait3A_169 : memref<1x128xi32, #tpu.memory_space<vmem>> -> memref<128xi32, #tpu.memory_space<vmem>>
      %dma_wait3A_171 = arith.constant 0 : i32
      %dma_wait3A_172 = arith.constant 0 : i32
      %dma_wait3A_173 = tpu.memref_slice %arg10[%dma_wait3A_171, %dma_wait3A_172] : memref<10112x128xf32, #tpu.memory_space<vmem_shared>> -> memref<10112x128xf32, #tpu.memory_space<vmem_shared>>
      %dma_wait3A_174 = tpu.memref_slice %arg12[%dma_wait3A_163] : memref<2x!tpu.dma_semaphore, #tpu.memory_space<semaphore_mem>> -> memref<1x!tpu.dma_semaphore, #tpu.memory_space<semaphore_mem>>
      %dma_wait3A_175 = tpu.memref_squeeze %dma_wait3A_174 : memref<1x!tpu.dma_semaphore, #tpu.memory_space<semaphore_mem>> -> memref<!tpu.dma_semaphore, #tpu.memory_space<semaphore_mem>>
      tpu.wait_indirect_dma semaphore(%dma_wait3A_175 : memref<!tpu.dma_semaphore, #tpu.memory_space<semaphore_mem>>) src(%dma_wait3A_167 : memref<128x128xf32, #tpu.memory_space<vmem>>) dst(%dma_wait3A_173 : memref<10112x128xf32, #tpu.memory_space<vmem_shared>>)
      %lt3A_176 = arith.constant 19 : i32
      %lt3A_177 = arith.cmpi slt, %scan3A_83, %lt3A_176 : i32
      %convert_element_type3A_178 = arith.extui %lt3A_177 : i1 to i32
      %cond3A_179 = arith.constant 0 : i32
      %cond3A_180 = arith.cmpi ne, %convert_element_type3A_178, %cond3A_179 : i32
      scf.if %cond3A_180 {
        %add3A_181 = arith.constant 2 : i32
        %add3A_182 = arith.addi %add3A_133, %add3A_181 : i32
        %dma_start3A_183 = arith.constant 1 : i32
        %dma_start3A_184 = arith.constant 1 : i32
        %dma_start3A_185 = arith.constant 0 : i32
        %dma_start3A_186 = arith.constant 0 : i32
        %dma_start3A_187 = tpu.memref_slice %arg9[%dma_start3A_183, %dma_start3A_185, %dma_start3A_186] : memref<2x128x128xf32, #tpu.memory_space<vmem>> -> memref<1x128x128xf32, #tpu.memory_space<vmem>>
        %dma_start3A_188 = tpu.memref_squeeze %dma_start3A_187 : memref<1x128x128xf32, #tpu.memory_space<vmem>> -> memref<128x128xf32, #tpu.memory_space<vmem>>
        %dma_start3A_189 = arith.constant 0 : i32
        %dma_start3A_190 = tpu.memref_slice %arg7[%add3A_182, %dma_start3A_189] : memref<40x128xi32, #tpu.memory_space<vmem>> -> memref<1x128xi32, #tpu.memory_space<vmem>>
        %dma_start3A_191 = tpu.memref_squeeze %dma_start3A_190 : memref<1x128xi32, #tpu.memory_space<vmem>> -> memref<128xi32, #tpu.memory_space<vmem>>
        %dma_start3A_192 = arith.constant 0 : i32
        %dma_start3A_193 = arith.constant 0 : i32
        %dma_start3A_194 = tpu.memref_slice %arg2[%dma_start3A_192, %dma_start3A_193] : memref<10000x128xf32, #tpu.memory_space<hbm>> -> memref<10000x128xf32, #tpu.memory_space<hbm>>
        %dma_start3A_195 = tpu.memref_slice %arg11[%dma_start3A_184] : memref<2x!tpu.dma_semaphore, #tpu.memory_space<semaphore_mem>> -> memref<1x!tpu.dma_semaphore, #tpu.memory_space<semaphore_mem>>
        %dma_start3A_196 = tpu.memref_squeeze %dma_start3A_195 : memref<1x!tpu.dma_semaphore, #tpu.memory_space<semaphore_mem>> -> memref<!tpu.dma_semaphore, #tpu.memory_space<semaphore_mem>>
        tpu.enqueue_indirect_dma source(%dma_start3A_194 : memref<10000x128xf32, #tpu.memory_space<hbm>>) target(%dma_start3A_188 : memref<128x128xf32, #tpu.memory_space<vmem>>) offsets(%dma_start3A_191 : memref<128xi32, #tpu.memory_space<vmem>>) semaphore(%dma_start3A_196 : memref<!tpu.dma_semaphore, #tpu.memory_space<semaphore_mem>>)
      } else {
      }
    }
    %scan3A_81 = arith.constant 20 : i32
    %barrier3A_82 = arith.constant 0 : index
    tpu.barrier barrier_id(%barrier3A_82)
    "tpu.region"() ({
      %run_scoped3A = tpu.sem_alloc : memref<!tpu.dma_semaphore, #tpu.memory_space<semaphore_mem>>
      %dma_start3A_83 = arith.constant 0 : i32
      %dma_start3A_84 = tpu.memref_slice %arg6[%arg0, %mul3A_2, %dma_start3A_83] : memref<2x10112x128xf32, #tpu.memory_space<hbm>> -> memref<1x632x128xf32, #tpu.memory_space<hbm>>
      %dma_start3A_85 = tpu.memref_squeeze %dma_start3A_84 : memref<1x632x128xf32, #tpu.memory_space<hbm>> -> memref<632x128xf32, #tpu.memory_space<hbm>>
      %dma_start3A_86 = arith.constant 0 : i32
      %dma_start3A_87 = tpu.memref_slice %arg10[%mul3A_2, %dma_start3A_86] : memref<10112x128xf32, #tpu.memory_space<vmem_shared>> -> memref<632x128xf32, #tpu.memory_space<vmem_shared>>
      tpu.enqueue_dma source(%dma_start3A_87 : memref<632x128xf32, #tpu.memory_space<vmem_shared>>) target(%dma_start3A_85 : memref<632x128xf32, #tpu.memory_space<hbm>>) target_semaphore(%run_scoped3A : memref<!tpu.dma_semaphore, #tpu.memory_space<semaphore_mem>>)
      %dma_wait3A_88 = arith.constant 0 : i32
      %dma_wait3A_89 = tpu.memref_slice %arg6[%arg0, %mul3A_2, %dma_wait3A_88] : memref<2x10112x128xf32, #tpu.memory_space<hbm>> -> memref<1x632x128xf32, #tpu.memory_space<hbm>>
      %dma_wait3A_90 = tpu.memref_squeeze %dma_wait3A_89 : memref<1x632x128xf32, #tpu.memory_space<hbm>> -> memref<632x128xf32, #tpu.memory_space<hbm>>
      %dma_wait3A_91 = arith.constant 0 : i32
      %dma_wait3A_92 = tpu.memref_slice %arg10[%mul3A_2, %dma_wait3A_91] : memref<10112x128xf32, #tpu.memory_space<vmem_shared>> -> memref<632x128xf32, #tpu.memory_space<vmem_shared>>
      tpu.wait_dma2 semaphore(%run_scoped3A : memref<!tpu.dma_semaphore, #tpu.memory_space<semaphore_mem>>) src(%dma_wait3A_92 : memref<632x128xf32, #tpu.memory_space<vmem_shared>>) dst(%dma_wait3A_90 : memref<632x128xf32, #tpu.memory_space<hbm>>)
      tpu.yield
    }) : () -> ()
    return
  }
}

#map = affine_map<(d0, d1) -> (0, 0)>
#map1 = affine_map<(d0, d1) -> (0, 0, 0)>
module attributes {stable_mosaic.version = 14 : i64} {
  func.func @k(%arg0: i32, %arg1: i32, %arg2: memref<10000x128xf32, #tpu.memory_space<hbm>>, %arg3: memref<32x80x128xi32, #tpu.memory_space<hbm>>, %arg4: memref<32x80x128xi32, #tpu.memory_space<hbm>>, %arg5: memref<632x128xf32, #tpu.memory_space<hbm>>, %arg6: memref<2x10112x128xf32, #tpu.memory_space<hbm>>, %arg7: memref<40x128xi32, #tpu.memory_space<vmem>>, %arg8: memref<40x128xi32, #tpu.memory_space<vmem>>, %arg9: memref<2x128x128xf32, #tpu.memory_space<vmem>>, %arg10: memref<10112x128xf32, #tpu.memory_space<vmem_shared>>, %arg11: memref<2x!tpu.dma_semaphore, #tpu.memory_space<semaphore_mem>>, %arg12: memref<2x!tpu.dma_semaphore, #tpu.memory_space<semaphore_mem>>, %arg13: memref<!tpu.dma_semaphore, #tpu.memory_space<semaphore_mem>>) attributes {dimension_semantics = [#tpu.dimension_semantics<core_parallel>, #tpu.dimension_semantics<subcore_parallel>], iteration_bounds = array<i64: 2, 16>, scalar_prefetch = 0 : i64, scratch_operands = 7 : i64, tpu.core_type = #tpu.core_type<sc_vector_subcore>, window_params = [{transform_indices = #map}, {transform_indices = #map1}, {transform_indices = #map1}, {transform_indices = #map}, {transform_indices = #map1}]} {
    %mul3A = arith.constant 2 : i32
    %mul3A_0 = arith.muli %arg1, %mul3A : i32
    %add3A = arith.addi %mul3A_0, %arg0 : i32
    %mul3A_1 = arith.constant 632 : i32
    %mul3A_2 = arith.muli %arg1, %mul3A_1 : i32
    %dma_start3A = arith.constant 0 : i32
    %dma_start3A_3 = tpu.memref_slice %arg10[%mul3A_2, %dma_start3A] : memref<10112x128xf32, #tpu.memory_space<vmem_shared>> -> memref<632x128xf32, #tpu.memory_space<vmem_shared>>
    %dma_start3A_4 = arith.constant 0 : i32
    %dma_start3A_5 = arith.constant 0 : i32
    %dma_start3A_6 = tpu.memref_slice %arg5[%dma_start3A_4, %dma_start3A_5] : memref<632x128xf32, #tpu.memory_space<hbm>> -> memref<632x128xf32, #tpu.memory_space<hbm>>
    tpu.enqueue_dma source(%dma_start3A_6 : memref<632x128xf32, #tpu.memory_space<hbm>>) target(%dma_start3A_3 : memref<632x128xf32, #tpu.memory_space<vmem_shared>>) target_semaphore(%arg13 : memref<!tpu.dma_semaphore, #tpu.memory_space<semaphore_mem>>)
    "tpu.region"() ({
      %run_scoped3A = tpu.sem_alloc : memref<!tpu.dma_semaphore, #tpu.memory_space<semaphore_mem>>
      %dma_start3A_83 = arith.constant 0 : i32
      %dma_start3A_84 = arith.constant 0 : i32
      %dma_start3A_85 = tpu.memref_slice %arg3[%add3A, %dma_start3A_83, %dma_start3A_84] : memref<32x80x128xi32, #tpu.memory_space<hbm>> -> memref<1x40x128xi32, #tpu.memory_space<hbm>>
      %dma_start3A_86 = tpu.memref_squeeze %dma_start3A_85 : memref<1x40x128xi32, #tpu.memory_space<hbm>> -> memref<40x128xi32, #tpu.memory_space<hbm>>
      %dma_start3A_87 = arith.constant 0 : i32
      %dma_start3A_88 = arith.constant 0 : i32
      %dma_start3A_89 = tpu.memref_slice %arg3[%add3A, %dma_start3A_87, %dma_start3A_88] : memref<32x80x128xi32, #tpu.memory_space<hbm>> -> memref<1x40x128xi32, #tpu.memory_space<hbm>>
      %dma_start3A_90 = tpu.memref_squeeze %dma_start3A_89 : memref<1x40x128xi32, #tpu.memory_space<hbm>> -> memref<40x128xi32, #tpu.memory_space<hbm>>
      tpu.enqueue_dma source(%dma_start3A_90 : memref<40x128xi32, #tpu.memory_space<hbm>>) target(%arg7 : memref<40x128xi32, #tpu.memory_space<vmem>>) target_semaphore(%run_scoped3A : memref<!tpu.dma_semaphore, #tpu.memory_space<semaphore_mem>>)
      %dma_wait3A_91 = arith.constant 0 : i32
      %dma_wait3A_92 = arith.constant 0 : i32
      %dma_wait3A_93 = tpu.memref_slice %arg3[%add3A, %dma_wait3A_91, %dma_wait3A_92] : memref<32x80x128xi32, #tpu.memory_space<hbm>> -> memref<1x40x128xi32, #tpu.memory_space<hbm>>
      %dma_wait3A_94 = tpu.memref_squeeze %dma_wait3A_93 : memref<1x40x128xi32, #tpu.memory_space<hbm>> -> memref<40x128xi32, #tpu.memory_space<hbm>>
      %dma_wait3A_95 = arith.constant 0 : i32
      %dma_wait3A_96 = arith.constant 0 : i32
      %dma_wait3A_97 = tpu.memref_slice %arg3[%add3A, %dma_wait3A_95, %dma_wait3A_96] : memref<32x80x128xi32, #tpu.memory_space<hbm>> -> memref<1x40x128xi32, #tpu.memory_space<hbm>>
      %dma_wait3A_98 = tpu.memref_squeeze %dma_wait3A_97 : memref<1x40x128xi32, #tpu.memory_space<hbm>> -> memref<40x128xi32, #tpu.memory_space<hbm>>
      tpu.wait_dma2 semaphore(%run_scoped3A : memref<!tpu.dma_semaphore, #tpu.memory_space<semaphore_mem>>) src(%dma_wait3A_98 : memref<40x128xi32, #tpu.memory_space<hbm>>) dst(%arg7 : memref<40x128xi32, #tpu.memory_space<vmem>>)
      tpu.yield
    }) : () -> ()
    "tpu.region"() ({
      %run_scoped3A = tpu.sem_alloc : memref<!tpu.dma_semaphore, #tpu.memory_space<semaphore_mem>>
      %dma_start3A_83 = arith.constant 0 : i32
      %dma_start3A_84 = arith.constant 0 : i32
      %dma_start3A_85 = tpu.memref_slice %arg4[%add3A, %dma_start3A_83, %dma_start3A_84] : memref<32x80x128xi32, #tpu.memory_space<hbm>> -> memref<1x40x128xi32, #tpu.memory_space<hbm>>
      %dma_start3A_86 = tpu.memref_squeeze %dma_start3A_85 : memref<1x40x128xi32, #tpu.memory_space<hbm>> -> memref<40x128xi32, #tpu.memory_space<hbm>>
      %dma_start3A_87 = arith.constant 0 : i32
      %dma_start3A_88 = arith.constant 0 : i32
      %dma_start3A_89 = tpu.memref_slice %arg4[%add3A, %dma_start3A_87, %dma_start3A_88] : memref<32x80x128xi32, #tpu.memory_space<hbm>> -> memref<1x40x128xi32, #tpu.memory_space<hbm>>
      %dma_start3A_90 = tpu.memref_squeeze %dma_start3A_89 : memref<1x40x128xi32, #tpu.memory_space<hbm>> -> memref<40x128xi32, #tpu.memory_space<hbm>>
      tpu.enqueue_dma source(%dma_start3A_90 : memref<40x128xi32, #tpu.memory_space<hbm>>) target(%arg8 : memref<40x128xi32, #tpu.memory_space<vmem>>) target_semaphore(%run_scoped3A : memref<!tpu.dma_semaphore, #tpu.memory_space<semaphore_mem>>)
      %dma_wait3A_91 = arith.constant 0 : i32
      %dma_wait3A_92 = arith.constant 0 : i32
      %dma_wait3A_93 = tpu.memref_slice %arg4[%add3A, %dma_wait3A_91, %dma_wait3A_92] : memref<32x80x128xi32, #tpu.memory_space<hbm>> -> memref<1x40x128xi32, #tpu.memory_space<hbm>>
      %dma_wait3A_94 = tpu.memref_squeeze %dma_wait3A_93 : memref<1x40x128xi32, #tpu.memory_space<hbm>> -> memref<40x128xi32, #tpu.memory_space<hbm>>
      %dma_wait3A_95 = arith.constant 0 : i32
      %dma_wait3A_96 = arith.constant 0 : i32
      %dma_wait3A_97 = tpu.memref_slice %arg4[%add3A, %dma_wait3A_95, %dma_wait3A_96] : memref<32x80x128xi32, #tpu.memory_space<hbm>> -> memref<1x40x128xi32, #tpu.memory_space<hbm>>
      %dma_wait3A_98 = tpu.memref_squeeze %dma_wait3A_97 : memref<1x40x128xi32, #tpu.memory_space<hbm>> -> memref<40x128xi32, #tpu.memory_space<hbm>>
      tpu.wait_dma2 semaphore(%run_scoped3A : memref<!tpu.dma_semaphore, #tpu.memory_space<semaphore_mem>>) src(%dma_wait3A_98 : memref<40x128xi32, #tpu.memory_space<hbm>>) dst(%arg8 : memref<40x128xi32, #tpu.memory_space<vmem>>)
      tpu.yield
    }) : () -> ()
    %dma_start3A_7 = arith.constant 0 : i32
    %dma_start3A_8 = arith.constant 0 : i32
    %dma_start3A_9 = arith.constant 0 : i32
    %dma_start3A_10 = arith.constant 0 : i32
    %dma_start3A_11 = arith.constant 0 : i32
    %dma_start3A_12 = tpu.memref_slice %arg9[%dma_start3A_8, %dma_start3A_10, %dma_start3A_11] : memref<2x128x128xf32, #tpu.memory_space<vmem>> -> memref<1x128x128xf32, #tpu.memory_space<vmem>>
    %dma_start3A_13 = tpu.memref_squeeze %dma_start3A_12 : memref<1x128x128xf32, #tpu.memory_space<vmem>> -> memref<128x128xf32, #tpu.memory_space<vmem>>
    %dma_start3A_14 = arith.constant 0 : i32
    %dma_start3A_15 = tpu.memref_slice %arg7[%dma_start3A_7, %dma_start3A_14] : memref<40x128xi32, #tpu.memory_space<vmem>> -> memref<1x128xi32, #tpu.memory_space<vmem>>
    %dma_start3A_16 = tpu.memref_squeeze %dma_start3A_15 : memref<1x128xi32, #tpu.memory_space<vmem>> -> memref<128xi32, #tpu.memory_space<vmem>>
    %dma_start3A_17 = arith.constant 0 : i32
    %dma_start3A_18 = arith.constant 0 : i32
    %dma_start3A_19 = tpu.memref_slice %arg2[%dma_start3A_17, %dma_start3A_18] : memref<10000x128xf32, #tpu.memory_space<hbm>> -> memref<10000x128xf32, #tpu.memory_space<hbm>>
    %dma_start3A_20 = tpu.memref_slice %arg11[%dma_start3A_9] : memref<2x!tpu.dma_semaphore, #tpu.memory_space<semaphore_mem>> -> memref<1x!tpu.dma_semaphore, #tpu.memory_space<semaphore_mem>>
    %dma_start3A_21 = tpu.memref_squeeze %dma_start3A_20 : memref<1x!tpu.dma_semaphore, #tpu.memory_space<semaphore_mem>> -> memref<!tpu.dma_semaphore, #tpu.memory_space<semaphore_mem>>
    tpu.enqueue_indirect_dma source(%dma_start3A_19 : memref<10000x128xf32, #tpu.memory_space<hbm>>) target(%dma_start3A_13 : memref<128x128xf32, #tpu.memory_space<vmem>>) offsets(%dma_start3A_16 : memref<128xi32, #tpu.memory_space<vmem>>) semaphore(%dma_start3A_21 : memref<!tpu.dma_semaphore, #tpu.memory_space<semaphore_mem>>)
    %dma_start3A_22 = arith.constant 1 : i32
    %dma_start3A_23 = arith.constant 1 : i32
    %dma_start3A_24 = arith.constant 1 : i32
    %dma_start3A_25 = arith.constant 0 : i32
    %dma_start3A_26 = arith.constant 0 : i32
    %dma_start3A_27 = tpu.memref_slice %arg9[%dma_start3A_23, %dma_start3A_25, %dma_start3A_26] : memref<2x128x128xf32, #tpu.memory_space<vmem>> -> memref<1x128x128xf32, #tpu.memory_space<vmem>>
    %dma_start3A_28 = tpu.memref_squeeze %dma_start3A_27 : memref<1x128x128xf32, #tpu.memory_space<vmem>> -> memref<128x128xf32, #tpu.memory_space<vmem>>
    %dma_start3A_29 = arith.constant 0 : i32
    %dma_start3A_30 = tpu.memref_slice %arg7[%dma_start3A_22, %dma_start3A_29] : memref<40x128xi32, #tpu.memory_space<vmem>> -> memref<1x128xi32, #tpu.memory_space<vmem>>
    %dma_start3A_31 = tpu.memref_squeeze %dma_start3A_30 : memref<1x128xi32, #tpu.memory_space<vmem>> -> memref<128xi32, #tpu.memory_space<vmem>>
    %dma_start3A_32 = arith.constant 0 : i32
    %dma_start3A_33 = arith.constant 0 : i32
    %dma_start3A_34 = tpu.memref_slice %arg2[%dma_start3A_32, %dma_start3A_33] : memref<10000x128xf32, #tpu.memory_space<hbm>> -> memref<10000x128xf32, #tpu.memory_space<hbm>>
    %dma_start3A_35 = tpu.memref_slice %arg11[%dma_start3A_24] : memref<2x!tpu.dma_semaphore, #tpu.memory_space<semaphore_mem>> -> memref<1x!tpu.dma_semaphore, #tpu.memory_space<semaphore_mem>>
    %dma_start3A_36 = tpu.memref_squeeze %dma_start3A_35 : memref<1x!tpu.dma_semaphore, #tpu.memory_space<semaphore_mem>> -> memref<!tpu.dma_semaphore, #tpu.memory_space<semaphore_mem>>
    tpu.enqueue_indirect_dma source(%dma_start3A_34 : memref<10000x128xf32, #tpu.memory_space<hbm>>) target(%dma_start3A_28 : memref<128x128xf32, #tpu.memory_space<vmem>>) offsets(%dma_start3A_31 : memref<128xi32, #tpu.memory_space<vmem>>) semaphore(%dma_start3A_36 : memref<!tpu.dma_semaphore, #tpu.memory_space<semaphore_mem>>)
    %dma_wait3A = arith.constant 0 : i32
    %dma_wait3A_37 = tpu.memref_slice %arg10[%mul3A_2, %dma_wait3A] : memref<10112x128xf32, #tpu.memory_space<vmem_shared>> -> memref<632x128xf32, #tpu.memory_space<vmem_shared>>
    %dma_wait3A_38 = arith.constant 0 : i32
    %dma_wait3A_39 = arith.constant 0 : i32
    %dma_wait3A_40 = tpu.memref_slice %arg5[%dma_wait3A_38, %dma_wait3A_39] : memref<632x128xf32, #tpu.memory_space<hbm>> -> memref<632x128xf32, #tpu.memory_space<hbm>>
    tpu.wait_dma2 semaphore(%arg13 : memref<!tpu.dma_semaphore, #tpu.memory_space<semaphore_mem>>) src(%dma_wait3A_40 : memref<632x128xf32, #tpu.memory_space<hbm>>) dst(%dma_wait3A_37 : memref<632x128xf32, #tpu.memory_space<vmem_shared>>)
    %barrier3A = arith.constant 0 : index
    tpu.barrier barrier_id(%barrier3A)
    %scan3A = arith.constant 0 : i32
    %scan3A_41 = arith.constant 0 : i32
    %scan3A_42 = arith.constant 20 : i32
    %scan3A_43 = arith.addi %scan3A_41, %scan3A_42 : i32
    %scan3A_44 = arith.constant 1 : i32
    scf.for %scan3A_83 = %scan3A_41 to %scan3A_43 step %scan3A_44  : i32 {
      %mul3A_84 = arith.constant 2 : i32
      %mul3A_85 = arith.muli %scan3A_83, %mul3A_84 : i32
      %add3A_86 = arith.constant 0 : i32
      %add3A_87 = arith.addi %mul3A_85, %add3A_86 : i32
      %dma_wait3A_88 = arith.constant 0 : i32
      %dma_wait3A_89 = arith.constant 0 : i32
      %dma_wait3A_90 = arith.constant 0 : i32
      %dma_wait3A_91 = arith.constant 0 : i32
      %dma_wait3A_92 = tpu.memref_slice %arg9[%dma_wait3A_88, %dma_wait3A_90, %dma_wait3A_91] : memref<2x128x128xf32, #tpu.memory_space<vmem>> -> memref<1x128x128xf32, #tpu.memory_space<vmem>>
      %dma_wait3A_93 = tpu.memref_squeeze %dma_wait3A_92 : memref<1x128x128xf32, #tpu.memory_space<vmem>> -> memref<128x128xf32, #tpu.memory_space<vmem>>
      %dma_wait3A_94 = arith.constant 0 : i32
      %dma_wait3A_95 = tpu.memref_slice %arg7[%add3A_87, %dma_wait3A_94] : memref<40x128xi32, #tpu.memory_space<vmem>> -> memref<1x128xi32, #tpu.memory_space<vmem>>
      %dma_wait3A_96 = tpu.memref_squeeze %dma_wait3A_95 : memref<1x128xi32, #tpu.memory_space<vmem>> -> memref<128xi32, #tpu.memory_space<vmem>>
      %dma_wait3A_97 = arith.constant 0 : i32
      %dma_wait3A_98 = arith.constant 0 : i32
      %dma_wait3A_99 = tpu.memref_slice %arg2[%dma_wait3A_97, %dma_wait3A_98] : memref<10000x128xf32, #tpu.memory_space<hbm>> -> memref<10000x128xf32, #tpu.memory_space<hbm>>
      %dma_wait3A_100 = tpu.memref_slice %arg11[%dma_wait3A_89] : memref<2x!tpu.dma_semaphore, #tpu.memory_space<semaphore_mem>> -> memref<1x!tpu.dma_semaphore, #tpu.memory_space<semaphore_mem>>
      %dma_wait3A_101 = tpu.memref_squeeze %dma_wait3A_100 : memref<1x!tpu.dma_semaphore, #tpu.memory_space<semaphore_mem>> -> memref<!tpu.dma_semaphore, #tpu.memory_space<semaphore_mem>>
      tpu.wait_indirect_dma semaphore(%dma_wait3A_101 : memref<!tpu.dma_semaphore, #tpu.memory_space<semaphore_mem>>) src(%dma_wait3A_99 : memref<10000x128xf32, #tpu.memory_space<hbm>>) dst(%dma_wait3A_93 : memref<128x128xf32, #tpu.memory_space<vmem>>)
      %dma_start3A_102 = arith.constant 0 : i32
      %dma_start3A_103 = arith.constant 0 : i32
      %dma_start3A_104 = arith.constant 0 : i32
      %dma_start3A_105 = arith.constant 0 : i32
      %dma_start3A_106 = tpu.memref_slice %arg9[%dma_start3A_102, %dma_start3A_104, %dma_start3A_105] : memref<2x128x128xf32, #tpu.memory_space<vmem>> -> memref<1x128x128xf32, #tpu.memory_space<vmem>>
      %dma_start3A_107 = tpu.memref_squeeze %dma_start3A_106 : memref<1x128x128xf32, #tpu.memory_space<vmem>> -> memref<128x128xf32, #tpu.memory_space<vmem>>
      %dma_start3A_108 = arith.constant 0 : i32
      %dma_start3A_109 = tpu.memref_slice %arg8[%add3A_87, %dma_start3A_108] : memref<40x128xi32, #tpu.memory_space<vmem>> -> memref<1x128xi32, #tpu.memory_space<vmem>>
      %dma_start3A_110 = tpu.memref_squeeze %dma_start3A_109 : memref<1x128xi32, #tpu.memory_space<vmem>> -> memref<128xi32, #tpu.memory_space<vmem>>
      %dma_start3A_111 = arith.constant 0 : i32
      %dma_start3A_112 = arith.constant 0 : i32
      %dma_start3A_113 = tpu.memref_slice %arg10[%dma_start3A_111, %dma_start3A_112] : memref<10112x128xf32, #tpu.memory_space<vmem_shared>> -> memref<10112x128xf32, #tpu.memory_space<vmem_shared>>
      %dma_start3A_114 = tpu.memref_slice %arg12[%dma_start3A_103] : memref<2x!tpu.dma_semaphore, #tpu.memory_space<semaphore_mem>> -> memref<1x!tpu.dma_semaphore, #tpu.memory_space<semaphore_mem>>
      %dma_start3A_115 = tpu.memref_squeeze %dma_start3A_114 : memref<1x!tpu.dma_semaphore, #tpu.memory_space<semaphore_mem>> -> memref<!tpu.dma_semaphore, #tpu.memory_space<semaphore_mem>>
      tpu.enqueue_indirect_dma source(%dma_start3A_107 : memref<128x128xf32, #tpu.memory_space<vmem>>) target(%dma_start3A_113 : memref<10112x128xf32, #tpu.memory_space<vmem_shared>>) offsets(%dma_start3A_110 : memref<128xi32, #tpu.memory_space<vmem>>) semaphore(%dma_start3A_115 : memref<!tpu.dma_semaphore, #tpu.memory_space<semaphore_mem>>) {add = true}
      %dma_wait3A_116 = arith.constant 0 : i32
      %dma_wait3A_117 = arith.constant 0 : i32
      %dma_wait3A_118 = arith.constant 0 : i32
      %dma_wait3A_119 = arith.constant 0 : i32
      %dma_wait3A_120 = tpu.memref_slice %arg9[%dma_wait3A_116, %dma_wait3A_118, %dma_wait3A_119] : memref<2x128x128xf32, #tpu.memory_space<vmem>> -> memref<1x128x128xf32, #tpu.memory_space<vmem>>
      %dma_wait3A_121 = tpu.memref_squeeze %dma_wait3A_120 : memref<1x128x128xf32, #tpu.memory_space<vmem>> -> memref<128x128xf32, #tpu.memory_space<vmem>>
      %dma_wait3A_122 = arith.constant 0 : i32
      %dma_wait3A_123 = tpu.memref_slice %arg8[%add3A_87, %dma_wait3A_122] : memref<40x128xi32, #tpu.memory_space<vmem>> -> memref<1x128xi32, #tpu.memory_space<vmem>>
      %dma_wait3A_124 = tpu.memref_squeeze %dma_wait3A_123 : memref<1x128xi32, #tpu.memory_space<vmem>> -> memref<128xi32, #tpu.memory_space<vmem>>
      %dma_wait3A_125 = arith.constant 0 : i32
      %dma_wait3A_126 = arith.constant 0 : i32
      %dma_wait3A_127 = tpu.memref_slice %arg10[%dma_wait3A_125, %dma_wait3A_126] : memref<10112x128xf32, #tpu.memory_space<vmem_shared>> -> memref<10112x128xf32, #tpu.memory_space<vmem_shared>>
      %dma_wait3A_128 = tpu.memref_slice %arg12[%dma_wait3A_117] : memref<2x!tpu.dma_semaphore, #tpu.memory_space<semaphore_mem>> -> memref<1x!tpu.dma_semaphore, #tpu.memory_space<semaphore_mem>>
      %dma_wait3A_129 = tpu.memref_squeeze %dma_wait3A_128 : memref<1x!tpu.dma_semaphore, #tpu.memory_space<semaphore_mem>> -> memref<!tpu.dma_semaphore, #tpu.memory_space<semaphore_mem>>
      tpu.wait_indirect_dma semaphore(%dma_wait3A_129 : memref<!tpu.dma_semaphore, #tpu.memory_space<semaphore_mem>>) src(%dma_wait3A_121 : memref<128x128xf32, #tpu.memory_space<vmem>>) dst(%dma_wait3A_127 : memref<10112x128xf32, #tpu.memory_space<vmem_shared>>)
      %lt3A = arith.constant 19 : i32
      %lt3A_130 = arith.cmpi slt, %scan3A_83, %lt3A : i32
      %convert_element_type3A = arith.extui %lt3A_130 : i1 to i32
      %cond3A = arith.constant 0 : i32
      %cond3A_131 = arith.cmpi ne, %convert_element_type3A, %cond3A : i32
      scf.if %cond3A_131 {
        %add3A_181 = arith.constant 2 : i32
        %add3A_182 = arith.addi %add3A_87, %add3A_181 : i32
        %dma_start3A_183 = arith.constant 0 : i32
        %dma_start3A_184 = arith.constant 0 : i32
        %dma_start3A_185 = arith.constant 0 : i32
        %dma_start3A_186 = arith.constant 0 : i32
        %dma_start3A_187 = tpu.memref_slice %arg9[%dma_start3A_183, %dma_start3A_185, %dma_start3A_186] : memref<2x128x128xf32, #tpu.memory_space<vmem>> -> memref<1x128x128xf32, #tpu.memory_space<vmem>>
        %dma_start3A_188 = tpu.memref_squeeze %dma_start3A_187 : memref<1x128x128xf32, #tpu.memory_space<vmem>> -> memref<128x128xf32, #tpu.memory_space<vmem>>
        %dma_start3A_189 = arith.constant 0 : i32
        %dma_start3A_190 = tpu.memref_slice %arg7[%add3A_182, %dma_start3A_189] : memref<40x128xi32, #tpu.memory_space<vmem>> -> memref<1x128xi32, #tpu.memory_space<vmem>>
        %dma_start3A_191 = tpu.memref_squeeze %dma_start3A_190 : memref<1x128xi32, #tpu.memory_space<vmem>> -> memref<128xi32, #tpu.memory_space<vmem>>
        %dma_start3A_192 = arith.constant 0 : i32
        %dma_start3A_193 = arith.constant 0 : i32
        %dma_start3A_194 = tpu.memref_slice %arg2[%dma_start3A_192, %dma_start3A_193] : memref<10000x128xf32, #tpu.memory_space<hbm>> -> memref<10000x128xf32, #tpu.memory_space<hbm>>
        %dma_start3A_195 = tpu.memref_slice %arg11[%dma_start3A_184] : memref<2x!tpu.dma_semaphore, #tpu.memory_space<semaphore_mem>> -> memref<1x!tpu.dma_semaphore, #tpu.memory_space<semaphore_mem>>
        %dma_start3A_196 = tpu.memref_squeeze %dma_start3A_195 : memref<1x!tpu.dma_semaphore, #tpu.memory_space<semaphore_mem>> -> memref<!tpu.dma_semaphore, #tpu.memory_space<semaphore_mem>>
        tpu.enqueue_indirect_dma source(%dma_start3A_194 : memref<10000x128xf32, #tpu.memory_space<hbm>>) target(%dma_start3A_188 : memref<128x128xf32, #tpu.memory_space<vmem>>) offsets(%dma_start3A_191 : memref<128xi32, #tpu.memory_space<vmem>>) semaphore(%dma_start3A_196 : memref<!tpu.dma_semaphore, #tpu.memory_space<semaphore_mem>>)
      } else {
      }
      %add3A_132 = arith.constant 1 : i32
      %add3A_133 = arith.addi %mul3A_85, %add3A_132 : i32
      %dma_wait3A_134 = arith.constant 1 : i32
      %dma_wait3A_135 = arith.constant 1 : i32
      %dma_wait3A_136 = arith.constant 0 : i32
      %dma_wait3A_137 = arith.constant 0 : i32
      %dma_wait3A_138 = tpu.memref_slice %arg9[%dma_wait3A_134, %dma_wait3A_136, %dma_wait3A_137] : memref<2x128x128xf32, #tpu.memory_space<vmem>> -> memref<1x128x128xf32, #tpu.memory_space<vmem>>
      %dma_wait3A_139 = tpu.memref_squeeze %dma_wait3A_138 : memref<1x128x128xf32, #tpu.memory_space<vmem>> -> memref<128x128xf32, #tpu.memory_space<vmem>>
      %dma_wait3A_140 = arith.constant 0 : i32
      %dma_wait3A_141 = tpu.memref_slice %arg7[%add3A_133, %dma_wait3A_140] : memref<40x128xi32, #tpu.memory_space<vmem>> -> memref<1x128xi32, #tpu.memory_space<vmem>>
      %dma_wait3A_142 = tpu.memref_squeeze %dma_wait3A_141 : memref<1x128xi32, #tpu.memory_space<vmem>> -> memref<128xi32, #tpu.memory_space<vmem>>
      %dma_wait3A_143 = arith.constant 0 : i32
      %dma_wait3A_144 = arith.constant 0 : i32
      %dma_wait3A_145 = tpu.memref_slice %arg2[%dma_wait3A_143, %dma_wait3A_144] : memref<10000x128xf32, #tpu.memory_space<hbm>> -> memref<10000x128xf32, #tpu.memory_space<hbm>>
      %dma_wait3A_146 = tpu.memref_slice %arg11[%dma_wait3A_135] : memref<2x!tpu.dma_semaphore, #tpu.memory_space<semaphore_mem>> -> memref<1x!tpu.dma_semaphore, #tpu.memory_space<semaphore_mem>>
      %dma_wait3A_147 = tpu.memref_squeeze %dma_wait3A_146 : memref<1x!tpu.dma_semaphore, #tpu.memory_space<semaphore_mem>> -> memref<!tpu.dma_semaphore, #tpu.memory_space<semaphore_mem>>
      tpu.wait_indirect_dma semaphore(%dma_wait3A_147 : memref<!tpu.dma_semaphore, #tpu.memory_space<semaphore_mem>>) src(%dma_wait3A_145 : memref<10000x128xf32, #tpu.memory_space<hbm>>) dst(%dma_wait3A_139 : memref<128x128xf32, #tpu.memory_space<vmem>>)
      %dma_start3A_148 = arith.constant 1 : i32
      %dma_start3A_149 = arith.constant 1 : i32
      %dma_start3A_150 = arith.constant 0 : i32
      %dma_start3A_151 = arith.constant 0 : i32
      %dma_start3A_152 = tpu.memref_slice %arg9[%dma_start3A_148, %dma_start3A_150, %dma_start3A_151] : memref<2x128x128xf32, #tpu.memory_space<vmem>> -> memref<1x128x128xf32, #tpu.memory_space<vmem>>
      %dma_start3A_153 = tpu.memref_squeeze %dma_start3A_152 : memref<1x128x128xf32, #tpu.memory_space<vmem>> -> memref<128x128xf32, #tpu.memory_space<vmem>>
      %dma_start3A_154 = arith.constant 0 : i32
      %dma_start3A_155 = tpu.memref_slice %arg8[%add3A_133, %dma_start3A_154] : memref<40x128xi32, #tpu.memory_space<vmem>> -> memref<1x128xi32, #tpu.memory_space<vmem>>
      %dma_start3A_156 = tpu.memref_squeeze %dma_start3A_155 : memref<1x128xi32, #tpu.memory_space<vmem>> -> memref<128xi32, #tpu.memory_space<vmem>>
      %dma_start3A_157 = arith.constant 0 : i32
      %dma_start3A_158 = arith.constant 0 : i32
      %dma_start3A_159 = tpu.memref_slice %arg10[%dma_start3A_157, %dma_start3A_158] : memref<10112x128xf32, #tpu.memory_space<vmem_shared>> -> memref<10112x128xf32, #tpu.memory_space<vmem_shared>>
      %dma_start3A_160 = tpu.memref_slice %arg12[%dma_start3A_149] : memref<2x!tpu.dma_semaphore, #tpu.memory_space<semaphore_mem>> -> memref<1x!tpu.dma_semaphore, #tpu.memory_space<semaphore_mem>>
      %dma_start3A_161 = tpu.memref_squeeze %dma_start3A_160 : memref<1x!tpu.dma_semaphore, #tpu.memory_space<semaphore_mem>> -> memref<!tpu.dma_semaphore, #tpu.memory_space<semaphore_mem>>
      tpu.enqueue_indirect_dma source(%dma_start3A_153 : memref<128x128xf32, #tpu.memory_space<vmem>>) target(%dma_start3A_159 : memref<10112x128xf32, #tpu.memory_space<vmem_shared>>) offsets(%dma_start3A_156 : memref<128xi32, #tpu.memory_space<vmem>>) semaphore(%dma_start3A_161 : memref<!tpu.dma_semaphore, #tpu.memory_space<semaphore_mem>>) {add = true}
      %dma_wait3A_162 = arith.constant 1 : i32
      %dma_wait3A_163 = arith.constant 1 : i32
      %dma_wait3A_164 = arith.constant 0 : i32
      %dma_wait3A_165 = arith.constant 0 : i32
      %dma_wait3A_166 = tpu.memref_slice %arg9[%dma_wait3A_162, %dma_wait3A_164, %dma_wait3A_165] : memref<2x128x128xf32, #tpu.memory_space<vmem>> -> memref<1x128x128xf32, #tpu.memory_space<vmem>>
      %dma_wait3A_167 = tpu.memref_squeeze %dma_wait3A_166 : memref<1x128x128xf32, #tpu.memory_space<vmem>> -> memref<128x128xf32, #tpu.memory_space<vmem>>
      %dma_wait3A_168 = arith.constant 0 : i32
      %dma_wait3A_169 = tpu.memref_slice %arg8[%add3A_133, %dma_wait3A_168] : memref<40x128xi32, #tpu.memory_space<vmem>> -> memref<1x128xi32, #tpu.memory_space<vmem>>
      %dma_wait3A_170 = tpu.memref_squeeze %dma_wait3A_169 : memref<1x128xi32, #tpu.memory_space<vmem>> -> memref<128xi32, #tpu.memory_space<vmem>>
      %dma_wait3A_171 = arith.constant 0 : i32
      %dma_wait3A_172 = arith.constant 0 : i32
      %dma_wait3A_173 = tpu.memref_slice %arg10[%dma_wait3A_171, %dma_wait3A_172] : memref<10112x128xf32, #tpu.memory_space<vmem_shared>> -> memref<10112x128xf32, #tpu.memory_space<vmem_shared>>
      %dma_wait3A_174 = tpu.memref_slice %arg12[%dma_wait3A_163] : memref<2x!tpu.dma_semaphore, #tpu.memory_space<semaphore_mem>> -> memref<1x!tpu.dma_semaphore, #tpu.memory_space<semaphore_mem>>
      %dma_wait3A_175 = tpu.memref_squeeze %dma_wait3A_174 : memref<1x!tpu.dma_semaphore, #tpu.memory_space<semaphore_mem>> -> memref<!tpu.dma_semaphore, #tpu.memory_space<semaphore_mem>>
      tpu.wait_indirect_dma semaphore(%dma_wait3A_175 : memref<!tpu.dma_semaphore, #tpu.memory_space<semaphore_mem>>) src(%dma_wait3A_167 : memref<128x128xf32, #tpu.memory_space<vmem>>) dst(%dma_wait3A_173 : memref<10112x128xf32, #tpu.memory_space<vmem_shared>>)
      %lt3A_176 = arith.constant 19 : i32
      %lt3A_177 = arith.cmpi slt, %scan3A_83, %lt3A_176 : i32
      %convert_element_type3A_178 = arith.extui %lt3A_177 : i1 to i32
      %cond3A_179 = arith.constant 0 : i32
      %cond3A_180 = arith.cmpi ne, %convert_element_type3A_178, %cond3A_179 : i32
      scf.if %cond3A_180 {
        %add3A_181 = arith.constant 2 : i32
        %add3A_182 = arith.addi %add3A_133, %add3A_181 : i32
        %dma_start3A_183 = arith.constant 1 : i32
        %dma_start3A_184 = arith.constant 1 : i32
        %dma_start3A_185 = arith.constant 0 : i32
        %dma_start3A_186 = arith.constant 0 : i32
        %dma_start3A_187 = tpu.memref_slice %arg9[%dma_start3A_183, %dma_start3A_185, %dma_start3A_186] : memref<2x128x128xf32, #tpu.memory_space<vmem>> -> memref<1x128x128xf32, #tpu.memory_space<vmem>>
        %dma_start3A_188 = tpu.memref_squeeze %dma_start3A_187 : memref<1x128x128xf32, #tpu.memory_space<vmem>> -> memref<128x128xf32, #tpu.memory_space<vmem>>
        %dma_start3A_189 = arith.constant 0 : i32
        %dma_start3A_190 = tpu.memref_slice %arg7[%add3A_182, %dma_start3A_189] : memref<40x128xi32, #tpu.memory_space<vmem>> -> memref<1x128xi32, #tpu.memory_space<vmem>>
        %dma_start3A_191 = tpu.memref_squeeze %dma_start3A_190 : memref<1x128xi32, #tpu.memory_space<vmem>> -> memref<128xi32, #tpu.memory_space<vmem>>
        %dma_start3A_192 = arith.constant 0 : i32
        %dma_start3A_193 = arith.constant 0 : i32
        %dma_start3A_194 = tpu.memref_slice %arg2[%dma_start3A_192, %dma_start3A_193] : memref<10000x128xf32, #tpu.memory_space<hbm>> -> memref<10000x128xf32, #tpu.memory_space<hbm>>
        %dma_start3A_195 = tpu.memref_slice %arg11[%dma_start3A_184] : memref<2x!tpu.dma_semaphore, #tpu.memory_space<semaphore_mem>> -> memref<1x!tpu.dma_semaphore, #tpu.memory_space<semaphore_mem>>
        %dma_start3A_196 = tpu.memref_squeeze %dma_start3A_195 : memref<1x!tpu.dma_semaphore, #tpu.memory_space<semaphore_mem>> -> memref<!tpu.dma_semaphore, #tpu.memory_space<semaphore_mem>>
        tpu.enqueue_indirect_dma source(%dma_start3A_194 : memref<10000x128xf32, #tpu.memory_space<hbm>>) target(%dma_start3A_188 : memref<128x128xf32, #tpu.memory_space<vmem>>) offsets(%dma_start3A_191 : memref<128xi32, #tpu.memory_space<vmem>>) semaphore(%dma_start3A_196 : memref<!tpu.dma_semaphore, #tpu.memory_space<semaphore_mem>>)
      } else {
      }
    }
    %scan3A_45 = arith.constant 20 : i32
    "tpu.region"() ({
      %run_scoped3A = tpu.sem_alloc : memref<!tpu.dma_semaphore, #tpu.memory_space<semaphore_mem>>
      %dma_start3A_83 = arith.constant 40 : i32
      %dma_start3A_84 = arith.constant 0 : i32
      %dma_start3A_85 = tpu.memref_slice %arg3[%add3A, %dma_start3A_83, %dma_start3A_84] : memref<32x80x128xi32, #tpu.memory_space<hbm>> -> memref<1x40x128xi32, #tpu.memory_space<hbm>>
      %dma_start3A_86 = tpu.memref_squeeze %dma_start3A_85 : memref<1x40x128xi32, #tpu.memory_space<hbm>> -> memref<40x128xi32, #tpu.memory_space<hbm>>
      %dma_start3A_87 = arith.constant 40 : i32
      %dma_start3A_88 = arith.constant 0 : i32
      %dma_start3A_89 = tpu.memref_slice %arg3[%add3A, %dma_start3A_87, %dma_start3A_88] : memref<32x80x128xi32, #tpu.memory_space<hbm>> -> memref<1x40x128xi32, #tpu.memory_space<hbm>>
      %dma_start3A_90 = tpu.memref_squeeze %dma_start3A_89 : memref<1x40x128xi32, #tpu.memory_space<hbm>> -> memref<40x128xi32, #tpu.memory_space<hbm>>
      tpu.enqueue_dma source(%dma_start3A_90 : memref<40x128xi32, #tpu.memory_space<hbm>>) target(%arg7 : memref<40x128xi32, #tpu.memory_space<vmem>>) target_semaphore(%run_scoped3A : memref<!tpu.dma_semaphore, #tpu.memory_space<semaphore_mem>>)
      %dma_wait3A_91 = arith.constant 40 : i32
      %dma_wait3A_92 = arith.constant 0 : i32
      %dma_wait3A_93 = tpu.memref_slice %arg3[%add3A, %dma_wait3A_91, %dma_wait3A_92] : memref<32x80x128xi32, #tpu.memory_space<hbm>> -> memref<1x40x128xi32, #tpu.memory_space<hbm>>
      %dma_wait3A_94 = tpu.memref_squeeze %dma_wait3A_93 : memref<1x40x128xi32, #tpu.memory_space<hbm>> -> memref<40x128xi32, #tpu.memory_space<hbm>>
      %dma_wait3A_95 = arith.constant 40 : i32
      %dma_wait3A_96 = arith.constant 0 : i32
      %dma_wait3A_97 = tpu.memref_slice %arg3[%add3A, %dma_wait3A_95, %dma_wait3A_96] : memref<32x80x128xi32, #tpu.memory_space<hbm>> -> memref<1x40x128xi32, #tpu.memory_space<hbm>>
      %dma_wait3A_98 = tpu.memref_squeeze %dma_wait3A_97 : memref<1x40x128xi32, #tpu.memory_space<hbm>> -> memref<40x128xi32, #tpu.memory_space<hbm>>
      tpu.wait_dma2 semaphore(%run_scoped3A : memref<!tpu.dma_semaphore, #tpu.memory_space<semaphore_mem>>) src(%dma_wait3A_98 : memref<40x128xi32, #tpu.memory_space<hbm>>) dst(%arg7 : memref<40x128xi32, #tpu.memory_space<vmem>>)
      tpu.yield
    }) : () -> ()
    "tpu.region"() ({
      %run_scoped3A = tpu.sem_alloc : memref<!tpu.dma_semaphore, #tpu.memory_space<semaphore_mem>>
      %dma_start3A_83 = arith.constant 40 : i32
      %dma_start3A_84 = arith.constant 0 : i32
      %dma_start3A_85 = tpu.memref_slice %arg4[%add3A, %dma_start3A_83, %dma_start3A_84] : memref<32x80x128xi32, #tpu.memory_space<hbm>> -> memref<1x40x128xi32, #tpu.memory_space<hbm>>
      %dma_start3A_86 = tpu.memref_squeeze %dma_start3A_85 : memref<1x40x128xi32, #tpu.memory_space<hbm>> -> memref<40x128xi32, #tpu.memory_space<hbm>>
      %dma_start3A_87 = arith.constant 40 : i32
      %dma_start3A_88 = arith.constant 0 : i32
      %dma_start3A_89 = tpu.memref_slice %arg4[%add3A, %dma_start3A_87, %dma_start3A_88] : memref<32x80x128xi32, #tpu.memory_space<hbm>> -> memref<1x40x128xi32, #tpu.memory_space<hbm>>
      %dma_start3A_90 = tpu.memref_squeeze %dma_start3A_89 : memref<1x40x128xi32, #tpu.memory_space<hbm>> -> memref<40x128xi32, #tpu.memory_space<hbm>>
      tpu.enqueue_dma source(%dma_start3A_90 : memref<40x128xi32, #tpu.memory_space<hbm>>) target(%arg8 : memref<40x128xi32, #tpu.memory_space<vmem>>) target_semaphore(%run_scoped3A : memref<!tpu.dma_semaphore, #tpu.memory_space<semaphore_mem>>)
      %dma_wait3A_91 = arith.constant 40 : i32
      %dma_wait3A_92 = arith.constant 0 : i32
      %dma_wait3A_93 = tpu.memref_slice %arg4[%add3A, %dma_wait3A_91, %dma_wait3A_92] : memref<32x80x128xi32, #tpu.memory_space<hbm>> -> memref<1x40x128xi32, #tpu.memory_space<hbm>>
      %dma_wait3A_94 = tpu.memref_squeeze %dma_wait3A_93 : memref<1x40x128xi32, #tpu.memory_space<hbm>> -> memref<40x128xi32, #tpu.memory_space<hbm>>
      %dma_wait3A_95 = arith.constant 40 : i32
      %dma_wait3A_96 = arith.constant 0 : i32
      %dma_wait3A_97 = tpu.memref_slice %arg4[%add3A, %dma_wait3A_95, %dma_wait3A_96] : memref<32x80x128xi32, #tpu.memory_space<hbm>> -> memref<1x40x128xi32, #tpu.memory_space<hbm>>
      %dma_wait3A_98 = tpu.memref_squeeze %dma_wait3A_97 : memref<1x40x128xi32, #tpu.memory_space<hbm>> -> memref<40x128xi32, #tpu.memory_space<hbm>>
      tpu.wait_dma2 semaphore(%run_scoped3A : memref<!tpu.dma_semaphore, #tpu.memory_space<semaphore_mem>>) src(%dma_wait3A_98 : memref<40x128xi32, #tpu.memory_space<hbm>>) dst(%arg8 : memref<40x128xi32, #tpu.memory_space<vmem>>)
      tpu.yield
    }) : () -> ()
    %dma_start3A_46 = arith.constant 0 : i32
    %dma_start3A_47 = arith.constant 0 : i32
    %dma_start3A_48 = arith.constant 0 : i32
    %dma_start3A_49 = arith.constant 0 : i32
    %dma_start3A_50 = arith.constant 0 : i32
    %dma_start3A_51 = tpu.memref_slice %arg9[%dma_start3A_47, %dma_start3A_49, %dma_start3A_50] : memref<2x128x128xf32, #tpu.memory_space<vmem>> -> memref<1x128x128xf32, #tpu.memory_space<vmem>>
    %dma_start3A_52 = tpu.memref_squeeze %dma_start3A_51 : memref<1x128x128xf32, #tpu.memory_space<vmem>> -> memref<128x128xf32, #tpu.memory_space<vmem>>
    %dma_start3A_53 = arith.constant 0 : i32
    %dma_start3A_54 = tpu.memref_slice %arg7[%dma_start3A_46, %dma_start3A_53] : memref<40x128xi32, #tpu.memory_space<vmem>> -> memref<1x128xi32, #tpu.memory_space<vmem>>
    %dma_start3A_55 = tpu.memref_squeeze %dma_start3A_54 : memref<1x128xi32, #tpu.memory_space<vmem>> -> memref<128xi32, #tpu.memory_space<vmem>>
    %dma_start3A_56 = arith.constant 0 : i32
    %dma_start3A_57 = arith.constant 0 : i32
    %dma_start3A_58 = tpu.memref_slice %arg2[%dma_start3A_56, %dma_start3A_57] : memref<10000x128xf32, #tpu.memory_space<hbm>> -> memref<10000x128xf32, #tpu.memory_space<hbm>>
    %dma_start3A_59 = tpu.memref_slice %arg11[%dma_start3A_48] : memref<2x!tpu.dma_semaphore, #tpu.memory_space<semaphore_mem>> -> memref<1x!tpu.dma_semaphore, #tpu.memory_space<semaphore_mem>>
    %dma_start3A_60 = tpu.memref_squeeze %dma_start3A_59 : memref<1x!tpu.dma_semaphore, #tpu.memory_space<semaphore_mem>> -> memref<!tpu.dma_semaphore, #tpu.memory_space<semaphore_mem>>
    tpu.enqueue_indirect_dma source(%dma_start3A_58 : memref<10000x128xf32, #tpu.memory_space<hbm>>) target(%dma_start3A_52 : memref<128x128xf32, #tpu.memory_space<vmem>>) offsets(%dma_start3A_55 : memref<128xi32, #tpu.memory_space<vmem>>) semaphore(%dma_start3A_60 : memref<!tpu.dma_semaphore, #tpu.memory_space<semaphore_mem>>)
    %dma_start3A_61 = arith.constant 1 : i32
    %dma_start3A_62 = arith.constant 1 : i32
    %dma_start3A_63 = arith.constant 1 : i32
    %dma_start3A_64 = arith.constant 0 : i32
    %dma_start3A_65 = arith.constant 0 : i32
    %dma_start3A_66 = tpu.memref_slice %arg9[%dma_start3A_62, %dma_start3A_64, %dma_start3A_65] : memref<2x128x128xf32, #tpu.memory_space<vmem>> -> memref<1x128x128xf32, #tpu.memory_space<vmem>>
    %dma_start3A_67 = tpu.memref_squeeze %dma_start3A_66 : memref<1x128x128xf32, #tpu.memory_space<vmem>> -> memref<128x128xf32, #tpu.memory_space<vmem>>
    %dma_start3A_68 = arith.constant 0 : i32
    %dma_start3A_69 = tpu.memref_slice %arg7[%dma_start3A_61, %dma_start3A_68] : memref<40x128xi32, #tpu.memory_space<vmem>> -> memref<1x128xi32, #tpu.memory_space<vmem>>
    %dma_start3A_70 = tpu.memref_squeeze %dma_start3A_69 : memref<1x128xi32, #tpu.memory_space<vmem>> -> memref<128xi32, #tpu.memory_space<vmem>>
    %dma_start3A_71 = arith.constant 0 : i32
    %dma_start3A_72 = arith.constant 0 : i32
    %dma_start3A_73 = tpu.memref_slice %arg2[%dma_start3A_71, %dma_start3A_72] : memref<10000x128xf32, #tpu.memory_space<hbm>> -> memref<10000x128xf32, #tpu.memory_space<hbm>>
    %dma_start3A_74 = tpu.memref_slice %arg11[%dma_start3A_63] : memref<2x!tpu.dma_semaphore, #tpu.memory_space<semaphore_mem>> -> memref<1x!tpu.dma_semaphore, #tpu.memory_space<semaphore_mem>>
    %dma_start3A_75 = tpu.memref_squeeze %dma_start3A_74 : memref<1x!tpu.dma_semaphore, #tpu.memory_space<semaphore_mem>> -> memref<!tpu.dma_semaphore, #tpu.memory_space<semaphore_mem>>
    tpu.enqueue_indirect_dma source(%dma_start3A_73 : memref<10000x128xf32, #tpu.memory_space<hbm>>) target(%dma_start3A_67 : memref<128x128xf32, #tpu.memory_space<vmem>>) offsets(%dma_start3A_70 : memref<128xi32, #tpu.memory_space<vmem>>) semaphore(%dma_start3A_75 : memref<!tpu.dma_semaphore, #tpu.memory_space<semaphore_mem>>)
    %scan3A_76 = arith.constant 0 : i32
    %scan3A_77 = arith.constant 0 : i32
    %scan3A_78 = arith.constant 20 : i32
    %scan3A_79 = arith.addi %scan3A_77, %scan3A_78 : i32
    %scan3A_80 = arith.constant 1 : i32
    scf.for %scan3A_83 = %scan3A_77 to %scan3A_79 step %scan3A_80  : i32 {
      %mul3A_84 = arith.constant 2 : i32
      %mul3A_85 = arith.muli %scan3A_83, %mul3A_84 : i32
      %add3A_86 = arith.constant 0 : i32
      %add3A_87 = arith.addi %mul3A_85, %add3A_86 : i32
      %dma_wait3A_88 = arith.constant 0 : i32
      %dma_wait3A_89 = arith.constant 0 : i32
      %dma_wait3A_90 = arith.constant 0 : i32
      %dma_wait3A_91 = arith.constant 0 : i32
      %dma_wait3A_92 = tpu.memref_slice %arg9[%dma_wait3A_88, %dma_wait3A_90, %dma_wait3A_91] : memref<2x128x128xf32, #tpu.memory_space<vmem>> -> memref<1x128x128xf32, #tpu.memory_space<vmem>>
      %dma_wait3A_93 = tpu.memref_squeeze %dma_wait3A_92 : memref<1x128x128xf32, #tpu.memory_space<vmem>> -> memref<128x128xf32, #tpu.memory_space<vmem>>
      %dma_wait3A_94 = arith.constant 0 : i32
      %dma_wait3A_95 = tpu.memref_slice %arg7[%add3A_87, %dma_wait3A_94] : memref<40x128xi32, #tpu.memory_space<vmem>> -> memref<1x128xi32, #tpu.memory_space<vmem>>
      %dma_wait3A_96 = tpu.memref_squeeze %dma_wait3A_95 : memref<1x128xi32, #tpu.memory_space<vmem>> -> memref<128xi32, #tpu.memory_space<vmem>>
      %dma_wait3A_97 = arith.constant 0 : i32
      %dma_wait3A_98 = arith.constant 0 : i32
      %dma_wait3A_99 = tpu.memref_slice %arg2[%dma_wait3A_97, %dma_wait3A_98] : memref<10000x128xf32, #tpu.memory_space<hbm>> -> memref<10000x128xf32, #tpu.memory_space<hbm>>
      %dma_wait3A_100 = tpu.memref_slice %arg11[%dma_wait3A_89] : memref<2x!tpu.dma_semaphore, #tpu.memory_space<semaphore_mem>> -> memref<1x!tpu.dma_semaphore, #tpu.memory_space<semaphore_mem>>
      %dma_wait3A_101 = tpu.memref_squeeze %dma_wait3A_100 : memref<1x!tpu.dma_semaphore, #tpu.memory_space<semaphore_mem>> -> memref<!tpu.dma_semaphore, #tpu.memory_space<semaphore_mem>>
      tpu.wait_indirect_dma semaphore(%dma_wait3A_101 : memref<!tpu.dma_semaphore, #tpu.memory_space<semaphore_mem>>) src(%dma_wait3A_99 : memref<10000x128xf32, #tpu.memory_space<hbm>>) dst(%dma_wait3A_93 : memref<128x128xf32, #tpu.memory_space<vmem>>)
      %dma_start3A_102 = arith.constant 0 : i32
      %dma_start3A_103 = arith.constant 0 : i32
      %dma_start3A_104 = arith.constant 0 : i32
      %dma_start3A_105 = arith.constant 0 : i32
      %dma_start3A_106 = tpu.memref_slice %arg9[%dma_start3A_102, %dma_start3A_104, %dma_start3A_105] : memref<2x128x128xf32, #tpu.memory_space<vmem>> -> memref<1x128x128xf32, #tpu.memory_space<vmem>>
      %dma_start3A_107 = tpu.memref_squeeze %dma_start3A_106 : memref<1x128x128xf32, #tpu.memory_space<vmem>> -> memref<128x128xf32, #tpu.memory_space<vmem>>
      %dma_start3A_108 = arith.constant 0 : i32
      %dma_start3A_109 = tpu.memref_slice %arg8[%add3A_87, %dma_start3A_108] : memref<40x128xi32, #tpu.memory_space<vmem>> -> memref<1x128xi32, #tpu.memory_space<vmem>>
      %dma_start3A_110 = tpu.memref_squeeze %dma_start3A_109 : memref<1x128xi32, #tpu.memory_space<vmem>> -> memref<128xi32, #tpu.memory_space<vmem>>
      %dma_start3A_111 = arith.constant 0 : i32
      %dma_start3A_112 = arith.constant 0 : i32
      %dma_start3A_113 = tpu.memref_slice %arg10[%dma_start3A_111, %dma_start3A_112] : memref<10112x128xf32, #tpu.memory_space<vmem_shared>> -> memref<10112x128xf32, #tpu.memory_space<vmem_shared>>
      %dma_start3A_114 = tpu.memref_slice %arg12[%dma_start3A_103] : memref<2x!tpu.dma_semaphore, #tpu.memory_space<semaphore_mem>> -> memref<1x!tpu.dma_semaphore, #tpu.memory_space<semaphore_mem>>
      %dma_start3A_115 = tpu.memref_squeeze %dma_start3A_114 : memref<1x!tpu.dma_semaphore, #tpu.memory_space<semaphore_mem>> -> memref<!tpu.dma_semaphore, #tpu.memory_space<semaphore_mem>>
      tpu.enqueue_indirect_dma source(%dma_start3A_107 : memref<128x128xf32, #tpu.memory_space<vmem>>) target(%dma_start3A_113 : memref<10112x128xf32, #tpu.memory_space<vmem_shared>>) offsets(%dma_start3A_110 : memref<128xi32, #tpu.memory_space<vmem>>) semaphore(%dma_start3A_115 : memref<!tpu.dma_semaphore, #tpu.memory_space<semaphore_mem>>) {add = true}
      %dma_wait3A_116 = arith.constant 0 : i32
      %dma_wait3A_117 = arith.constant 0 : i32
      %dma_wait3A_118 = arith.constant 0 : i32
      %dma_wait3A_119 = arith.constant 0 : i32
      %dma_wait3A_120 = tpu.memref_slice %arg9[%dma_wait3A_116, %dma_wait3A_118, %dma_wait3A_119] : memref<2x128x128xf32, #tpu.memory_space<vmem>> -> memref<1x128x128xf32, #tpu.memory_space<vmem>>
      %dma_wait3A_121 = tpu.memref_squeeze %dma_wait3A_120 : memref<1x128x128xf32, #tpu.memory_space<vmem>> -> memref<128x128xf32, #tpu.memory_space<vmem>>
      %dma_wait3A_122 = arith.constant 0 : i32
      %dma_wait3A_123 = tpu.memref_slice %arg8[%add3A_87, %dma_wait3A_122] : memref<40x128xi32, #tpu.memory_space<vmem>> -> memref<1x128xi32, #tpu.memory_space<vmem>>
      %dma_wait3A_124 = tpu.memref_squeeze %dma_wait3A_123 : memref<1x128xi32, #tpu.memory_space<vmem>> -> memref<128xi32, #tpu.memory_space<vmem>>
      %dma_wait3A_125 = arith.constant 0 : i32
      %dma_wait3A_126 = arith.constant 0 : i32
      %dma_wait3A_127 = tpu.memref_slice %arg10[%dma_wait3A_125, %dma_wait3A_126] : memref<10112x128xf32, #tpu.memory_space<vmem_shared>> -> memref<10112x128xf32, #tpu.memory_space<vmem_shared>>
      %dma_wait3A_128 = tpu.memref_slice %arg12[%dma_wait3A_117] : memref<2x!tpu.dma_semaphore, #tpu.memory_space<semaphore_mem>> -> memref<1x!tpu.dma_semaphore, #tpu.memory_space<semaphore_mem>>
      %dma_wait3A_129 = tpu.memref_squeeze %dma_wait3A_128 : memref<1x!tpu.dma_semaphore, #tpu.memory_space<semaphore_mem>> -> memref<!tpu.dma_semaphore, #tpu.memory_space<semaphore_mem>>
      tpu.wait_indirect_dma semaphore(%dma_wait3A_129 : memref<!tpu.dma_semaphore, #tpu.memory_space<semaphore_mem>>) src(%dma_wait3A_121 : memref<128x128xf32, #tpu.memory_space<vmem>>) dst(%dma_wait3A_127 : memref<10112x128xf32, #tpu.memory_space<vmem_shared>>)
      %lt3A = arith.constant 19 : i32
      %lt3A_130 = arith.cmpi slt, %scan3A_83, %lt3A : i32
      %convert_element_type3A = arith.extui %lt3A_130 : i1 to i32
      %cond3A = arith.constant 0 : i32
      %cond3A_131 = arith.cmpi ne, %convert_element_type3A, %cond3A : i32
      scf.if %cond3A_131 {
        %add3A_181 = arith.constant 2 : i32
        %add3A_182 = arith.addi %add3A_87, %add3A_181 : i32
        %dma_start3A_183 = arith.constant 0 : i32
        %dma_start3A_184 = arith.constant 0 : i32
        %dma_start3A_185 = arith.constant 0 : i32
        %dma_start3A_186 = arith.constant 0 : i32
        %dma_start3A_187 = tpu.memref_slice %arg9[%dma_start3A_183, %dma_start3A_185, %dma_start3A_186] : memref<2x128x128xf32, #tpu.memory_space<vmem>> -> memref<1x128x128xf32, #tpu.memory_space<vmem>>
        %dma_start3A_188 = tpu.memref_squeeze %dma_start3A_187 : memref<1x128x128xf32, #tpu.memory_space<vmem>> -> memref<128x128xf32, #tpu.memory_space<vmem>>
        %dma_start3A_189 = arith.constant 0 : i32
        %dma_start3A_190 = tpu.memref_slice %arg7[%add3A_182, %dma_start3A_189] : memref<40x128xi32, #tpu.memory_space<vmem>> -> memref<1x128xi32, #tpu.memory_space<vmem>>
        %dma_start3A_191 = tpu.memref_squeeze %dma_start3A_190 : memref<1x128xi32, #tpu.memory_space<vmem>> -> memref<128xi32, #tpu.memory_space<vmem>>
        %dma_start3A_192 = arith.constant 0 : i32
        %dma_start3A_193 = arith.constant 0 : i32
        %dma_start3A_194 = tpu.memref_slice %arg2[%dma_start3A_192, %dma_start3A_193] : memref<10000x128xf32, #tpu.memory_space<hbm>> -> memref<10000x128xf32, #tpu.memory_space<hbm>>
        %dma_start3A_195 = tpu.memref_slice %arg11[%dma_start3A_184] : memref<2x!tpu.dma_semaphore, #tpu.memory_space<semaphore_mem>> -> memref<1x!tpu.dma_semaphore, #tpu.memory_space<semaphore_mem>>
        %dma_start3A_196 = tpu.memref_squeeze %dma_start3A_195 : memref<1x!tpu.dma_semaphore, #tpu.memory_space<semaphore_mem>> -> memref<!tpu.dma_semaphore, #tpu.memory_space<semaphore_mem>>
        tpu.enqueue_indirect_dma source(%dma_start3A_194 : memref<10000x128xf32, #tpu.memory_space<hbm>>) target(%dma_start3A_188 : memref<128x128xf32, #tpu.memory_space<vmem>>) offsets(%dma_start3A_191 : memref<128xi32, #tpu.memory_space<vmem>>) semaphore(%dma_start3A_196 : memref<!tpu.dma_semaphore, #tpu.memory_space<semaphore_mem>>)
      } else {
      }
      %add3A_132 = arith.constant 1 : i32
      %add3A_133 = arith.addi %mul3A_85, %add3A_132 : i32
      %dma_wait3A_134 = arith.constant 1 : i32
      %dma_wait3A_135 = arith.constant 1 : i32
      %dma_wait3A_136 = arith.constant 0 : i32
      %dma_wait3A_137 = arith.constant 0 : i32
      %dma_wait3A_138 = tpu.memref_slice %arg9[%dma_wait3A_134, %dma_wait3A_136, %dma_wait3A_137] : memref<2x128x128xf32, #tpu.memory_space<vmem>> -> memref<1x128x128xf32, #tpu.memory_space<vmem>>
      %dma_wait3A_139 = tpu.memref_squeeze %dma_wait3A_138 : memref<1x128x128xf32, #tpu.memory_space<vmem>> -> memref<128x128xf32, #tpu.memory_space<vmem>>
      %dma_wait3A_140 = arith.constant 0 : i32
      %dma_wait3A_141 = tpu.memref_slice %arg7[%add3A_133, %dma_wait3A_140] : memref<40x128xi32, #tpu.memory_space<vmem>> -> memref<1x128xi32, #tpu.memory_space<vmem>>
      %dma_wait3A_142 = tpu.memref_squeeze %dma_wait3A_141 : memref<1x128xi32, #tpu.memory_space<vmem>> -> memref<128xi32, #tpu.memory_space<vmem>>
      %dma_wait3A_143 = arith.constant 0 : i32
      %dma_wait3A_144 = arith.constant 0 : i32
      %dma_wait3A_145 = tpu.memref_slice %arg2[%dma_wait3A_143, %dma_wait3A_144] : memref<10000x128xf32, #tpu.memory_space<hbm>> -> memref<10000x128xf32, #tpu.memory_space<hbm>>
      %dma_wait3A_146 = tpu.memref_slice %arg11[%dma_wait3A_135] : memref<2x!tpu.dma_semaphore, #tpu.memory_space<semaphore_mem>> -> memref<1x!tpu.dma_semaphore, #tpu.memory_space<semaphore_mem>>
      %dma_wait3A_147 = tpu.memref_squeeze %dma_wait3A_146 : memref<1x!tpu.dma_semaphore, #tpu.memory_space<semaphore_mem>> -> memref<!tpu.dma_semaphore, #tpu.memory_space<semaphore_mem>>
      tpu.wait_indirect_dma semaphore(%dma_wait3A_147 : memref<!tpu.dma_semaphore, #tpu.memory_space<semaphore_mem>>) src(%dma_wait3A_145 : memref<10000x128xf32, #tpu.memory_space<hbm>>) dst(%dma_wait3A_139 : memref<128x128xf32, #tpu.memory_space<vmem>>)
      %dma_start3A_148 = arith.constant 1 : i32
      %dma_start3A_149 = arith.constant 1 : i32
      %dma_start3A_150 = arith.constant 0 : i32
      %dma_start3A_151 = arith.constant 0 : i32
      %dma_start3A_152 = tpu.memref_slice %arg9[%dma_start3A_148, %dma_start3A_150, %dma_start3A_151] : memref<2x128x128xf32, #tpu.memory_space<vmem>> -> memref<1x128x128xf32, #tpu.memory_space<vmem>>
      %dma_start3A_153 = tpu.memref_squeeze %dma_start3A_152 : memref<1x128x128xf32, #tpu.memory_space<vmem>> -> memref<128x128xf32, #tpu.memory_space<vmem>>
      %dma_start3A_154 = arith.constant 0 : i32
      %dma_start3A_155 = tpu.memref_slice %arg8[%add3A_133, %dma_start3A_154] : memref<40x128xi32, #tpu.memory_space<vmem>> -> memref<1x128xi32, #tpu.memory_space<vmem>>
      %dma_start3A_156 = tpu.memref_squeeze %dma_start3A_155 : memref<1x128xi32, #tpu.memory_space<vmem>> -> memref<128xi32, #tpu.memory_space<vmem>>
      %dma_start3A_157 = arith.constant 0 : i32
      %dma_start3A_158 = arith.constant 0 : i32
      %dma_start3A_159 = tpu.memref_slice %arg10[%dma_start3A_157, %dma_start3A_158] : memref<10112x128xf32, #tpu.memory_space<vmem_shared>> -> memref<10112x128xf32, #tpu.memory_space<vmem_shared>>
      %dma_start3A_160 = tpu.memref_slice %arg12[%dma_start3A_149] : memref<2x!tpu.dma_semaphore, #tpu.memory_space<semaphore_mem>> -> memref<1x!tpu.dma_semaphore, #tpu.memory_space<semaphore_mem>>
      %dma_start3A_161 = tpu.memref_squeeze %dma_start3A_160 : memref<1x!tpu.dma_semaphore, #tpu.memory_space<semaphore_mem>> -> memref<!tpu.dma_semaphore, #tpu.memory_space<semaphore_mem>>
      tpu.enqueue_indirect_dma source(%dma_start3A_153 : memref<128x128xf32, #tpu.memory_space<vmem>>) target(%dma_start3A_159 : memref<10112x128xf32, #tpu.memory_space<vmem_shared>>) offsets(%dma_start3A_156 : memref<128xi32, #tpu.memory_space<vmem>>) semaphore(%dma_start3A_161 : memref<!tpu.dma_semaphore, #tpu.memory_space<semaphore_mem>>) {add = true}
      %dma_wait3A_162 = arith.constant 1 : i32
      %dma_wait3A_163 = arith.constant 1 : i32
      %dma_wait3A_164 = arith.constant 0 : i32
      %dma_wait3A_165 = arith.constant 0 : i32
      %dma_wait3A_166 = tpu.memref_slice %arg9[%dma_wait3A_162, %dma_wait3A_164, %dma_wait3A_165] : memref<2x128x128xf32, #tpu.memory_space<vmem>> -> memref<1x128x128xf32, #tpu.memory_space<vmem>>
      %dma_wait3A_167 = tpu.memref_squeeze %dma_wait3A_166 : memref<1x128x128xf32, #tpu.memory_space<vmem>> -> memref<128x128xf32, #tpu.memory_space<vmem>>
      %dma_wait3A_168 = arith.constant 0 : i32
      %dma_wait3A_169 = tpu.memref_slice %arg8[%add3A_133, %dma_wait3A_168] : memref<40x128xi32, #tpu.memory_space<vmem>> -> memref<1x128xi32, #tpu.memory_space<vmem>>
      %dma_wait3A_170 = tpu.memref_squeeze %dma_wait3A_169 : memref<1x128xi32, #tpu.memory_space<vmem>> -> memref<128xi32, #tpu.memory_space<vmem>>
      %dma_wait3A_171 = arith.constant 0 : i32
      %dma_wait3A_172 = arith.constant 0 : i32
      %dma_wait3A_173 = tpu.memref_slice %arg10[%dma_wait3A_171, %dma_wait3A_172] : memref<10112x128xf32, #tpu.memory_space<vmem_shared>> -> memref<10112x128xf32, #tpu.memory_space<vmem_shared>>
      %dma_wait3A_174 = tpu.memref_slice %arg12[%dma_wait3A_163] : memref<2x!tpu.dma_semaphore, #tpu.memory_space<semaphore_mem>> -> memref<1x!tpu.dma_semaphore, #tpu.memory_space<semaphore_mem>>
      %dma_wait3A_175 = tpu.memref_squeeze %dma_wait3A_174 : memref<1x!tpu.dma_semaphore, #tpu.memory_space<semaphore_mem>> -> memref<!tpu.dma_semaphore, #tpu.memory_space<semaphore_mem>>
      tpu.wait_indirect_dma semaphore(%dma_wait3A_175 : memref<!tpu.dma_semaphore, #tpu.memory_space<semaphore_mem>>) src(%dma_wait3A_167 : memref<128x128xf32, #tpu.memory_space<vmem>>) dst(%dma_wait3A_173 : memref<10112x128xf32, #tpu.memory_space<vmem_shared>>)
      %lt3A_176 = arith.constant 19 : i32
      %lt3A_177 = arith.cmpi slt, %scan3A_83, %lt3A_176 : i32
      %convert_element_type3A_178 = arith.extui %lt3A_177 : i1 to i32
      %cond3A_179 = arith.constant 0 : i32
      %cond3A_180 = arith.cmpi ne, %convert_element_type3A_178, %cond3A_179 : i32
      scf.if %cond3A_180 {
        %add3A_181 = arith.constant 2 : i32
        %add3A_182 = arith.addi %add3A_133, %add3A_181 : i32
        %dma_start3A_183 = arith.constant 1 : i32
        %dma_start3A_184 = arith.constant 1 : i32
        %dma_start3A_185 = arith.constant 0 : i32
        %dma_start3A_186 = arith.constant 0 : i32
        %dma_start3A_187 = tpu.memref_slice %arg9[%dma_start3A_183, %dma_start3A_185, %dma_start3A_186] : memref<2x128x128xf32, #tpu.memory_space<vmem>> -> memref<1x128x128xf32, #tpu.memory_space<vmem>>
        %dma_start3A_188 = tpu.memref_squeeze %dma_start3A_187 : memref<1x128x128xf32, #tpu.memory_space<vmem>> -> memref<128x128xf32, #tpu.memory_space<vmem>>
        %dma_start3A_189 = arith.constant 0 : i32
        %dma_start3A_190 = tpu.memref_slice %arg7[%add3A_182, %dma_start3A_189] : memref<40x128xi32, #tpu.memory_space<vmem>> -> memref<1x128xi32, #tpu.memory_space<vmem>>
        %dma_start3A_191 = tpu.memref_squeeze %dma_start3A_190 : memref<1x128xi32, #tpu.memory_space<vmem>> -> memref<128xi32, #tpu.memory_space<vmem>>
        %dma_start3A_192 = arith.constant 0 : i32
        %dma_start3A_193 = arith.constant 0 : i32
        %dma_start3A_194 = tpu.memref_slice %arg2[%dma_start3A_192, %dma_start3A_193] : memref<10000x128xf32, #tpu.memory_space<hbm>> -> memref<10000x128xf32, #tpu.memory_space<hbm>>
        %dma_start3A_195 = tpu.memref_slice %arg11[%dma_start3A_184] : memref<2x!tpu.dma_semaphore, #tpu.memory_space<semaphore_mem>> -> memref<1x!tpu.dma_semaphore, #tpu.memory_space<semaphore_mem>>
        %dma_start3A_196 = tpu.memref_squeeze %dma_start3A_195 : memref<1x!tpu.dma_semaphore, #tpu.memory_space<semaphore_mem>> -> memref<!tpu.dma_semaphore, #tpu.memory_space<semaphore_mem>>
        tpu.enqueue_indirect_dma source(%dma_start3A_194 : memref<10000x128xf32, #tpu.memory_space<hbm>>) target(%dma_start3A_188 : memref<128x128xf32, #tpu.memory_space<vmem>>) offsets(%dma_start3A_191 : memref<128xi32, #tpu.memory_space<vmem>>) semaphore(%dma_start3A_196 : memref<!tpu.dma_semaphore, #tpu.memory_space<semaphore_mem>>)
      } else {
      }
    }
    %scan3A_81 = arith.constant 20 : i32
    %barrier3A_82 = arith.constant 0 : index
    tpu.barrier barrier_id(%barrier3A_82)
    "tpu.region"() ({
      %run_scoped3A = tpu.sem_alloc : memref<!tpu.dma_semaphore, #tpu.memory_space<semaphore_mem>>
      %dma_start3A_83 = arith.constant 0 : i32
      %dma_start3A_84 = tpu.memref_slice %arg6[%arg0, %mul3A_2, %dma_start3A_83] : memref<2x10112x128xf32, #tpu.memory_space<hbm>> -> memref<1x632x128xf32, #tpu.memory_space<hbm>>
      %dma_start3A_85 = tpu.memref_squeeze %dma_start3A_84 : memref<1x632x128xf32, #tpu.memory_space<hbm>> -> memref<632x128xf32, #tpu.memory_space<hbm>>
      %dma_start3A_86 = arith.constant 0 : i32
      %dma_start3A_87 = tpu.memref_slice %arg10[%mul3A_2, %dma_start3A_86] : memref<10112x128xf32, #tpu.memory_space<vmem_shared>> -> memref<632x128xf32, #tpu.memory_space<vmem_shared>>
      tpu.enqueue_dma source(%dma_start3A_87 : memref<632x128xf32, #tpu.memory_space<vmem_shared>>) target(%dma_start3A_85 : memref<632x128xf32, #tpu.memory_space<hbm>>) target_semaphore(%run_scoped3A : memref<!tpu.dma_semaphore, #tpu.memory_space<semaphore_mem>>)
      %dma_wait3A_88 = arith.constant 0 : i32
      %dma_wait3A_89 = tpu.memref_slice %arg6[%arg0, %mul3A_2, %dma_wait3A_88] : memref<2x10112x128xf32, #tpu.memory_space<hbm>> -> memref<1x632x128xf32, #tpu.memory_space<hbm>>
      %dma_wait3A_90 = tpu.memref_squeeze %dma_wait3A_89 : memref<1x632x128xf32, #tpu.memory_space<hbm>> -> memref<632x128xf32, #tpu.memory_space<hbm>>
      %dma_wait3A_91 = arith.constant 0 : i32
      %dma_wait3A_92 = tpu.memref_slice %arg10[%mul3A_2, %dma_wait3A_91] : memref<10112x128xf32, #tpu.memory_space<vmem_shared>> -> memref<632x128xf32, #tpu.memory_space<vmem_shared>>
      tpu.wait_dma2 semaphore(%run_scoped3A : memref<!tpu.dma_semaphore, #tpu.memory_space<semaphore_mem>>) src(%dma_wait3A_92 : memref<632x128xf32, #tpu.memory_space<vmem_shared>>) dst(%dma_wait3A_90 : memref<632x128xf32, #tpu.memory_space<hbm>>)
      tpu.yield
    }) : () -> ()
    return
  }
}

#map = affine_map<(d0, d1) -> (0, 0)>
#map1 = affine_map<(d0, d1) -> (0, 0, 0)>
module attributes {stable_mosaic.version = 14 : i64} {
  func.func @k(%arg0: i32, %arg1: i32, %arg2: memref<10000x128xf32, #tpu.memory_space<hbm>>, %arg3: memref<32x80x128xi32, #tpu.memory_space<hbm>>, %arg4: memref<32x80x128xi32, #tpu.memory_space<hbm>>, %arg5: memref<632x128xf32, #tpu.memory_space<hbm>>, %arg6: memref<2x10112x128xf32, #tpu.memory_space<hbm>>, %arg7: memref<40x128xi32, #tpu.memory_space<vmem>>, %arg8: memref<40x128xi32, #tpu.memory_space<vmem>>, %arg9: memref<2x128x128xf32, #tpu.memory_space<vmem>>, %arg10: memref<10112x128xf32, #tpu.memory_space<vmem_shared>>, %arg11: memref<2x!tpu.dma_semaphore, #tpu.memory_space<semaphore_mem>>, %arg12: memref<2x!tpu.dma_semaphore, #tpu.memory_space<semaphore_mem>>, %arg13: memref<!tpu.dma_semaphore, #tpu.memory_space<semaphore_mem>>) attributes {dimension_semantics = [#tpu.dimension_semantics<core_parallel>, #tpu.dimension_semantics<subcore_parallel>], iteration_bounds = array<i64: 2, 16>, scalar_prefetch = 0 : i64, scratch_operands = 7 : i64, tpu.core_type = #tpu.core_type<sc_vector_subcore>, window_params = [{transform_indices = #map}, {transform_indices = #map1}, {transform_indices = #map1}, {transform_indices = #map}, {transform_indices = #map1}]} {
    %mul3A = arith.constant 2 : i32
    %mul3A_0 = arith.muli %arg1, %mul3A : i32
    %add3A = arith.addi %mul3A_0, %arg0 : i32
    %mul3A_1 = arith.constant 632 : i32
    %mul3A_2 = arith.muli %arg1, %mul3A_1 : i32
    %dma_start3A = arith.constant 0 : i32
    %dma_start3A_3 = tpu.memref_slice %arg10[%mul3A_2, %dma_start3A] : memref<10112x128xf32, #tpu.memory_space<vmem_shared>> -> memref<632x128xf32, #tpu.memory_space<vmem_shared>>
    %dma_start3A_4 = arith.constant 0 : i32
    %dma_start3A_5 = arith.constant 0 : i32
    %dma_start3A_6 = tpu.memref_slice %arg5[%dma_start3A_4, %dma_start3A_5] : memref<632x128xf32, #tpu.memory_space<hbm>> -> memref<632x128xf32, #tpu.memory_space<hbm>>
    tpu.enqueue_dma source(%dma_start3A_6 : memref<632x128xf32, #tpu.memory_space<hbm>>) target(%dma_start3A_3 : memref<632x128xf32, #tpu.memory_space<vmem_shared>>) target_semaphore(%arg13 : memref<!tpu.dma_semaphore, #tpu.memory_space<semaphore_mem>>)
    "tpu.region"() ({
      %run_scoped3A = tpu.sem_alloc : memref<!tpu.dma_semaphore, #tpu.memory_space<semaphore_mem>>
      %dma_start3A_83 = arith.constant 0 : i32
      %dma_start3A_84 = arith.constant 0 : i32
      %dma_start3A_85 = tpu.memref_slice %arg3[%add3A, %dma_start3A_83, %dma_start3A_84] : memref<32x80x128xi32, #tpu.memory_space<hbm>> -> memref<1x40x128xi32, #tpu.memory_space<hbm>>
      %dma_start3A_86 = tpu.memref_squeeze %dma_start3A_85 : memref<1x40x128xi32, #tpu.memory_space<hbm>> -> memref<40x128xi32, #tpu.memory_space<hbm>>
      %dma_start3A_87 = arith.constant 0 : i32
      %dma_start3A_88 = arith.constant 0 : i32
      %dma_start3A_89 = tpu.memref_slice %arg3[%add3A, %dma_start3A_87, %dma_start3A_88] : memref<32x80x128xi32, #tpu.memory_space<hbm>> -> memref<1x40x128xi32, #tpu.memory_space<hbm>>
      %dma_start3A_90 = tpu.memref_squeeze %dma_start3A_89 : memref<1x40x128xi32, #tpu.memory_space<hbm>> -> memref<40x128xi32, #tpu.memory_space<hbm>>
      tpu.enqueue_dma source(%dma_start3A_90 : memref<40x128xi32, #tpu.memory_space<hbm>>) target(%arg7 : memref<40x128xi32, #tpu.memory_space<vmem>>) target_semaphore(%run_scoped3A : memref<!tpu.dma_semaphore, #tpu.memory_space<semaphore_mem>>)
      %dma_wait3A_91 = arith.constant 0 : i32
      %dma_wait3A_92 = arith.constant 0 : i32
      %dma_wait3A_93 = tpu.memref_slice %arg3[%add3A, %dma_wait3A_91, %dma_wait3A_92] : memref<32x80x128xi32, #tpu.memory_space<hbm>> -> memref<1x40x128xi32, #tpu.memory_space<hbm>>
      %dma_wait3A_94 = tpu.memref_squeeze %dma_wait3A_93 : memref<1x40x128xi32, #tpu.memory_space<hbm>> -> memref<40x128xi32, #tpu.memory_space<hbm>>
      %dma_wait3A_95 = arith.constant 0 : i32
      %dma_wait3A_96 = arith.constant 0 : i32
      %dma_wait3A_97 = tpu.memref_slice %arg3[%add3A, %dma_wait3A_95, %dma_wait3A_96] : memref<32x80x128xi32, #tpu.memory_space<hbm>> -> memref<1x40x128xi32, #tpu.memory_space<hbm>>
      %dma_wait3A_98 = tpu.memref_squeeze %dma_wait3A_97 : memref<1x40x128xi32, #tpu.memory_space<hbm>> -> memref<40x128xi32, #tpu.memory_space<hbm>>
      tpu.wait_dma2 semaphore(%run_scoped3A : memref<!tpu.dma_semaphore, #tpu.memory_space<semaphore_mem>>) src(%dma_wait3A_98 : memref<40x128xi32, #tpu.memory_space<hbm>>) dst(%arg7 : memref<40x128xi32, #tpu.memory_space<vmem>>)
      tpu.yield
    }) : () -> ()
    "tpu.region"() ({
      %run_scoped3A = tpu.sem_alloc : memref<!tpu.dma_semaphore, #tpu.memory_space<semaphore_mem>>
      %dma_start3A_83 = arith.constant 0 : i32
      %dma_start3A_84 = arith.constant 0 : i32
      %dma_start3A_85 = tpu.memref_slice %arg4[%add3A, %dma_start3A_83, %dma_start3A_84] : memref<32x80x128xi32, #tpu.memory_space<hbm>> -> memref<1x40x128xi32, #tpu.memory_space<hbm>>
      %dma_start3A_86 = tpu.memref_squeeze %dma_start3A_85 : memref<1x40x128xi32, #tpu.memory_space<hbm>> -> memref<40x128xi32, #tpu.memory_space<hbm>>
      %dma_start3A_87 = arith.constant 0 : i32
      %dma_start3A_88 = arith.constant 0 : i32
      %dma_start3A_89 = tpu.memref_slice %arg4[%add3A, %dma_start3A_87, %dma_start3A_88] : memref<32x80x128xi32, #tpu.memory_space<hbm>> -> memref<1x40x128xi32, #tpu.memory_space<hbm>>
      %dma_start3A_90 = tpu.memref_squeeze %dma_start3A_89 : memref<1x40x128xi32, #tpu.memory_space<hbm>> -> memref<40x128xi32, #tpu.memory_space<hbm>>
      tpu.enqueue_dma source(%dma_start3A_90 : memref<40x128xi32, #tpu.memory_space<hbm>>) target(%arg8 : memref<40x128xi32, #tpu.memory_space<vmem>>) target_semaphore(%run_scoped3A : memref<!tpu.dma_semaphore, #tpu.memory_space<semaphore_mem>>)
      %dma_wait3A_91 = arith.constant 0 : i32
      %dma_wait3A_92 = arith.constant 0 : i32
      %dma_wait3A_93 = tpu.memref_slice %arg4[%add3A, %dma_wait3A_91, %dma_wait3A_92] : memref<32x80x128xi32, #tpu.memory_space<hbm>> -> memref<1x40x128xi32, #tpu.memory_space<hbm>>
      %dma_wait3A_94 = tpu.memref_squeeze %dma_wait3A_93 : memref<1x40x128xi32, #tpu.memory_space<hbm>> -> memref<40x128xi32, #tpu.memory_space<hbm>>
      %dma_wait3A_95 = arith.constant 0 : i32
      %dma_wait3A_96 = arith.constant 0 : i32
      %dma_wait3A_97 = tpu.memref_slice %arg4[%add3A, %dma_wait3A_95, %dma_wait3A_96] : memref<32x80x128xi32, #tpu.memory_space<hbm>> -> memref<1x40x128xi32, #tpu.memory_space<hbm>>
      %dma_wait3A_98 = tpu.memref_squeeze %dma_wait3A_97 : memref<1x40x128xi32, #tpu.memory_space<hbm>> -> memref<40x128xi32, #tpu.memory_space<hbm>>
      tpu.wait_dma2 semaphore(%run_scoped3A : memref<!tpu.dma_semaphore, #tpu.memory_space<semaphore_mem>>) src(%dma_wait3A_98 : memref<40x128xi32, #tpu.memory_space<hbm>>) dst(%arg8 : memref<40x128xi32, #tpu.memory_space<vmem>>)
      tpu.yield
    }) : () -> ()
    %dma_start3A_7 = arith.constant 0 : i32
    %dma_start3A_8 = arith.constant 0 : i32
    %dma_start3A_9 = arith.constant 0 : i32
    %dma_start3A_10 = arith.constant 0 : i32
    %dma_start3A_11 = arith.constant 0 : i32
    %dma_start3A_12 = tpu.memref_slice %arg9[%dma_start3A_8, %dma_start3A_10, %dma_start3A_11] : memref<2x128x128xf32, #tpu.memory_space<vmem>> -> memref<1x128x128xf32, #tpu.memory_space<vmem>>
    %dma_start3A_13 = tpu.memref_squeeze %dma_start3A_12 : memref<1x128x128xf32, #tpu.memory_space<vmem>> -> memref<128x128xf32, #tpu.memory_space<vmem>>
    %dma_start3A_14 = arith.constant 0 : i32
    %dma_start3A_15 = tpu.memref_slice %arg7[%dma_start3A_7, %dma_start3A_14] : memref<40x128xi32, #tpu.memory_space<vmem>> -> memref<1x128xi32, #tpu.memory_space<vmem>>
    %dma_start3A_16 = tpu.memref_squeeze %dma_start3A_15 : memref<1x128xi32, #tpu.memory_space<vmem>> -> memref<128xi32, #tpu.memory_space<vmem>>
    %dma_start3A_17 = arith.constant 0 : i32
    %dma_start3A_18 = arith.constant 0 : i32
    %dma_start3A_19 = tpu.memref_slice %arg2[%dma_start3A_17, %dma_start3A_18] : memref<10000x128xf32, #tpu.memory_space<hbm>> -> memref<10000x128xf32, #tpu.memory_space<hbm>>
    %dma_start3A_20 = tpu.memref_slice %arg11[%dma_start3A_9] : memref<2x!tpu.dma_semaphore, #tpu.memory_space<semaphore_mem>> -> memref<1x!tpu.dma_semaphore, #tpu.memory_space<semaphore_mem>>
    %dma_start3A_21 = tpu.memref_squeeze %dma_start3A_20 : memref<1x!tpu.dma_semaphore, #tpu.memory_space<semaphore_mem>> -> memref<!tpu.dma_semaphore, #tpu.memory_space<semaphore_mem>>
    tpu.enqueue_indirect_dma source(%dma_start3A_19 : memref<10000x128xf32, #tpu.memory_space<hbm>>) target(%dma_start3A_13 : memref<128x128xf32, #tpu.memory_space<vmem>>) offsets(%dma_start3A_16 : memref<128xi32, #tpu.memory_space<vmem>>) semaphore(%dma_start3A_21 : memref<!tpu.dma_semaphore, #tpu.memory_space<semaphore_mem>>)
    %dma_start3A_22 = arith.constant 1 : i32
    %dma_start3A_23 = arith.constant 1 : i32
    %dma_start3A_24 = arith.constant 1 : i32
    %dma_start3A_25 = arith.constant 0 : i32
    %dma_start3A_26 = arith.constant 0 : i32
    %dma_start3A_27 = tpu.memref_slice %arg9[%dma_start3A_23, %dma_start3A_25, %dma_start3A_26] : memref<2x128x128xf32, #tpu.memory_space<vmem>> -> memref<1x128x128xf32, #tpu.memory_space<vmem>>
    %dma_start3A_28 = tpu.memref_squeeze %dma_start3A_27 : memref<1x128x128xf32, #tpu.memory_space<vmem>> -> memref<128x128xf32, #tpu.memory_space<vmem>>
    %dma_start3A_29 = arith.constant 0 : i32
    %dma_start3A_30 = tpu.memref_slice %arg7[%dma_start3A_22, %dma_start3A_29] : memref<40x128xi32, #tpu.memory_space<vmem>> -> memref<1x128xi32, #tpu.memory_space<vmem>>
    %dma_start3A_31 = tpu.memref_squeeze %dma_start3A_30 : memref<1x128xi32, #tpu.memory_space<vmem>> -> memref<128xi32, #tpu.memory_space<vmem>>
    %dma_start3A_32 = arith.constant 0 : i32
    %dma_start3A_33 = arith.constant 0 : i32
    %dma_start3A_34 = tpu.memref_slice %arg2[%dma_start3A_32, %dma_start3A_33] : memref<10000x128xf32, #tpu.memory_space<hbm>> -> memref<10000x128xf32, #tpu.memory_space<hbm>>
    %dma_start3A_35 = tpu.memref_slice %arg11[%dma_start3A_24] : memref<2x!tpu.dma_semaphore, #tpu.memory_space<semaphore_mem>> -> memref<1x!tpu.dma_semaphore, #tpu.memory_space<semaphore_mem>>
    %dma_start3A_36 = tpu.memref_squeeze %dma_start3A_35 : memref<1x!tpu.dma_semaphore, #tpu.memory_space<semaphore_mem>> -> memref<!tpu.dma_semaphore, #tpu.memory_space<semaphore_mem>>
    tpu.enqueue_indirect_dma source(%dma_start3A_34 : memref<10000x128xf32, #tpu.memory_space<hbm>>) target(%dma_start3A_28 : memref<128x128xf32, #tpu.memory_space<vmem>>) offsets(%dma_start3A_31 : memref<128xi32, #tpu.memory_space<vmem>>) semaphore(%dma_start3A_36 : memref<!tpu.dma_semaphore, #tpu.memory_space<semaphore_mem>>)
    %dma_wait3A = arith.constant 0 : i32
    %dma_wait3A_37 = tpu.memref_slice %arg10[%mul3A_2, %dma_wait3A] : memref<10112x128xf32, #tpu.memory_space<vmem_shared>> -> memref<632x128xf32, #tpu.memory_space<vmem_shared>>
    %dma_wait3A_38 = arith.constant 0 : i32
    %dma_wait3A_39 = arith.constant 0 : i32
    %dma_wait3A_40 = tpu.memref_slice %arg5[%dma_wait3A_38, %dma_wait3A_39] : memref<632x128xf32, #tpu.memory_space<hbm>> -> memref<632x128xf32, #tpu.memory_space<hbm>>
    tpu.wait_dma2 semaphore(%arg13 : memref<!tpu.dma_semaphore, #tpu.memory_space<semaphore_mem>>) src(%dma_wait3A_40 : memref<632x128xf32, #tpu.memory_space<hbm>>) dst(%dma_wait3A_37 : memref<632x128xf32, #tpu.memory_space<vmem_shared>>)
    %barrier3A = arith.constant 0 : index
    tpu.barrier barrier_id(%barrier3A)
    %scan3A = arith.constant 0 : i32
    %scan3A_41 = arith.constant 0 : i32
    %scan3A_42 = arith.constant 20 : i32
    %scan3A_43 = arith.addi %scan3A_41, %scan3A_42 : i32
    %scan3A_44 = arith.constant 1 : i32
    scf.for %scan3A_83 = %scan3A_41 to %scan3A_43 step %scan3A_44  : i32 {
      %mul3A_84 = arith.constant 2 : i32
      %mul3A_85 = arith.muli %scan3A_83, %mul3A_84 : i32
      %add3A_86 = arith.constant 0 : i32
      %add3A_87 = arith.addi %mul3A_85, %add3A_86 : i32
      %dma_wait3A_88 = arith.constant 0 : i32
      %dma_wait3A_89 = arith.constant 0 : i32
      %dma_wait3A_90 = arith.constant 0 : i32
      %dma_wait3A_91 = arith.constant 0 : i32
      %dma_wait3A_92 = tpu.memref_slice %arg9[%dma_wait3A_88, %dma_wait3A_90, %dma_wait3A_91] : memref<2x128x128xf32, #tpu.memory_space<vmem>> -> memref<1x128x128xf32, #tpu.memory_space<vmem>>
      %dma_wait3A_93 = tpu.memref_squeeze %dma_wait3A_92 : memref<1x128x128xf32, #tpu.memory_space<vmem>> -> memref<128x128xf32, #tpu.memory_space<vmem>>
      %dma_wait3A_94 = arith.constant 0 : i32
      %dma_wait3A_95 = tpu.memref_slice %arg7[%add3A_87, %dma_wait3A_94] : memref<40x128xi32, #tpu.memory_space<vmem>> -> memref<1x128xi32, #tpu.memory_space<vmem>>
      %dma_wait3A_96 = tpu.memref_squeeze %dma_wait3A_95 : memref<1x128xi32, #tpu.memory_space<vmem>> -> memref<128xi32, #tpu.memory_space<vmem>>
      %dma_wait3A_97 = arith.constant 0 : i32
      %dma_wait3A_98 = arith.constant 0 : i32
      %dma_wait3A_99 = tpu.memref_slice %arg2[%dma_wait3A_97, %dma_wait3A_98] : memref<10000x128xf32, #tpu.memory_space<hbm>> -> memref<10000x128xf32, #tpu.memory_space<hbm>>
      %dma_wait3A_100 = tpu.memref_slice %arg11[%dma_wait3A_89] : memref<2x!tpu.dma_semaphore, #tpu.memory_space<semaphore_mem>> -> memref<1x!tpu.dma_semaphore, #tpu.memory_space<semaphore_mem>>
      %dma_wait3A_101 = tpu.memref_squeeze %dma_wait3A_100 : memref<1x!tpu.dma_semaphore, #tpu.memory_space<semaphore_mem>> -> memref<!tpu.dma_semaphore, #tpu.memory_space<semaphore_mem>>
      tpu.wait_indirect_dma semaphore(%dma_wait3A_101 : memref<!tpu.dma_semaphore, #tpu.memory_space<semaphore_mem>>) src(%dma_wait3A_99 : memref<10000x128xf32, #tpu.memory_space<hbm>>) dst(%dma_wait3A_93 : memref<128x128xf32, #tpu.memory_space<vmem>>)
      %dma_start3A_102 = arith.constant 0 : i32
      %dma_start3A_103 = arith.constant 0 : i32
      %dma_start3A_104 = arith.constant 0 : i32
      %dma_start3A_105 = arith.constant 0 : i32
      %dma_start3A_106 = tpu.memref_slice %arg9[%dma_start3A_102, %dma_start3A_104, %dma_start3A_105] : memref<2x128x128xf32, #tpu.memory_space<vmem>> -> memref<1x128x128xf32, #tpu.memory_space<vmem>>
      %dma_start3A_107 = tpu.memref_squeeze %dma_start3A_106 : memref<1x128x128xf32, #tpu.memory_space<vmem>> -> memref<128x128xf32, #tpu.memory_space<vmem>>
      %dma_start3A_108 = arith.constant 0 : i32
      %dma_start3A_109 = tpu.memref_slice %arg8[%add3A_87, %dma_start3A_108] : memref<40x128xi32, #tpu.memory_space<vmem>> -> memref<1x128xi32, #tpu.memory_space<vmem>>
      %dma_start3A_110 = tpu.memref_squeeze %dma_start3A_109 : memref<1x128xi32, #tpu.memory_space<vmem>> -> memref<128xi32, #tpu.memory_space<vmem>>
      %dma_start3A_111 = arith.constant 0 : i32
      %dma_start3A_112 = arith.constant 0 : i32
      %dma_start3A_113 = tpu.memref_slice %arg10[%dma_start3A_111, %dma_start3A_112] : memref<10112x128xf32, #tpu.memory_space<vmem_shared>> -> memref<10112x128xf32, #tpu.memory_space<vmem_shared>>
      %dma_start3A_114 = tpu.memref_slice %arg12[%dma_start3A_103] : memref<2x!tpu.dma_semaphore, #tpu.memory_space<semaphore_mem>> -> memref<1x!tpu.dma_semaphore, #tpu.memory_space<semaphore_mem>>
      %dma_start3A_115 = tpu.memref_squeeze %dma_start3A_114 : memref<1x!tpu.dma_semaphore, #tpu.memory_space<semaphore_mem>> -> memref<!tpu.dma_semaphore, #tpu.memory_space<semaphore_mem>>
      tpu.enqueue_indirect_dma source(%dma_start3A_107 : memref<128x128xf32, #tpu.memory_space<vmem>>) target(%dma_start3A_113 : memref<10112x128xf32, #tpu.memory_space<vmem_shared>>) offsets(%dma_start3A_110 : memref<128xi32, #tpu.memory_space<vmem>>) semaphore(%dma_start3A_115 : memref<!tpu.dma_semaphore, #tpu.memory_space<semaphore_mem>>) {add = true}
      %dma_wait3A_116 = arith.constant 0 : i32
      %dma_wait3A_117 = arith.constant 0 : i32
      %dma_wait3A_118 = arith.constant 0 : i32
      %dma_wait3A_119 = arith.constant 0 : i32
      %dma_wait3A_120 = tpu.memref_slice %arg9[%dma_wait3A_116, %dma_wait3A_118, %dma_wait3A_119] : memref<2x128x128xf32, #tpu.memory_space<vmem>> -> memref<1x128x128xf32, #tpu.memory_space<vmem>>
      %dma_wait3A_121 = tpu.memref_squeeze %dma_wait3A_120 : memref<1x128x128xf32, #tpu.memory_space<vmem>> -> memref<128x128xf32, #tpu.memory_space<vmem>>
      %dma_wait3A_122 = arith.constant 0 : i32
      %dma_wait3A_123 = tpu.memref_slice %arg8[%add3A_87, %dma_wait3A_122] : memref<40x128xi32, #tpu.memory_space<vmem>> -> memref<1x128xi32, #tpu.memory_space<vmem>>
      %dma_wait3A_124 = tpu.memref_squeeze %dma_wait3A_123 : memref<1x128xi32, #tpu.memory_space<vmem>> -> memref<128xi32, #tpu.memory_space<vmem>>
      %dma_wait3A_125 = arith.constant 0 : i32
      %dma_wait3A_126 = arith.constant 0 : i32
      %dma_wait3A_127 = tpu.memref_slice %arg10[%dma_wait3A_125, %dma_wait3A_126] : memref<10112x128xf32, #tpu.memory_space<vmem_shared>> -> memref<10112x128xf32, #tpu.memory_space<vmem_shared>>
      %dma_wait3A_128 = tpu.memref_slice %arg12[%dma_wait3A_117] : memref<2x!tpu.dma_semaphore, #tpu.memory_space<semaphore_mem>> -> memref<1x!tpu.dma_semaphore, #tpu.memory_space<semaphore_mem>>
      %dma_wait3A_129 = tpu.memref_squeeze %dma_wait3A_128 : memref<1x!tpu.dma_semaphore, #tpu.memory_space<semaphore_mem>> -> memref<!tpu.dma_semaphore, #tpu.memory_space<semaphore_mem>>
      tpu.wait_indirect_dma semaphore(%dma_wait3A_129 : memref<!tpu.dma_semaphore, #tpu.memory_space<semaphore_mem>>) src(%dma_wait3A_121 : memref<128x128xf32, #tpu.memory_space<vmem>>) dst(%dma_wait3A_127 : memref<10112x128xf32, #tpu.memory_space<vmem_shared>>)
      %lt3A = arith.constant 19 : i32
      %lt3A_130 = arith.cmpi slt, %scan3A_83, %lt3A : i32
      %convert_element_type3A = arith.extui %lt3A_130 : i1 to i32
      %cond3A = arith.constant 0 : i32
      %cond3A_131 = arith.cmpi ne, %convert_element_type3A, %cond3A : i32
      scf.if %cond3A_131 {
        %add3A_181 = arith.constant 2 : i32
        %add3A_182 = arith.addi %add3A_87, %add3A_181 : i32
        %dma_start3A_183 = arith.constant 0 : i32
        %dma_start3A_184 = arith.constant 0 : i32
        %dma_start3A_185 = arith.constant 0 : i32
        %dma_start3A_186 = arith.constant 0 : i32
        %dma_start3A_187 = tpu.memref_slice %arg9[%dma_start3A_183, %dma_start3A_185, %dma_start3A_186] : memref<2x128x128xf32, #tpu.memory_space<vmem>> -> memref<1x128x128xf32, #tpu.memory_space<vmem>>
        %dma_start3A_188 = tpu.memref_squeeze %dma_start3A_187 : memref<1x128x128xf32, #tpu.memory_space<vmem>> -> memref<128x128xf32, #tpu.memory_space<vmem>>
        %dma_start3A_189 = arith.constant 0 : i32
        %dma_start3A_190 = tpu.memref_slice %arg7[%add3A_182, %dma_start3A_189] : memref<40x128xi32, #tpu.memory_space<vmem>> -> memref<1x128xi32, #tpu.memory_space<vmem>>
        %dma_start3A_191 = tpu.memref_squeeze %dma_start3A_190 : memref<1x128xi32, #tpu.memory_space<vmem>> -> memref<128xi32, #tpu.memory_space<vmem>>
        %dma_start3A_192 = arith.constant 0 : i32
        %dma_start3A_193 = arith.constant 0 : i32
        %dma_start3A_194 = tpu.memref_slice %arg2[%dma_start3A_192, %dma_start3A_193] : memref<10000x128xf32, #tpu.memory_space<hbm>> -> memref<10000x128xf32, #tpu.memory_space<hbm>>
        %dma_start3A_195 = tpu.memref_slice %arg11[%dma_start3A_184] : memref<2x!tpu.dma_semaphore, #tpu.memory_space<semaphore_mem>> -> memref<1x!tpu.dma_semaphore, #tpu.memory_space<semaphore_mem>>
        %dma_start3A_196 = tpu.memref_squeeze %dma_start3A_195 : memref<1x!tpu.dma_semaphore, #tpu.memory_space<semaphore_mem>> -> memref<!tpu.dma_semaphore, #tpu.memory_space<semaphore_mem>>
        tpu.enqueue_indirect_dma source(%dma_start3A_194 : memref<10000x128xf32, #tpu.memory_space<hbm>>) target(%dma_start3A_188 : memref<128x128xf32, #tpu.memory_space<vmem>>) offsets(%dma_start3A_191 : memref<128xi32, #tpu.memory_space<vmem>>) semaphore(%dma_start3A_196 : memref<!tpu.dma_semaphore, #tpu.memory_space<semaphore_mem>>)
      } else {
      }
      %add3A_132 = arith.constant 1 : i32
      %add3A_133 = arith.addi %mul3A_85, %add3A_132 : i32
      %dma_wait3A_134 = arith.constant 1 : i32
      %dma_wait3A_135 = arith.constant 1 : i32
      %dma_wait3A_136 = arith.constant 0 : i32
      %dma_wait3A_137 = arith.constant 0 : i32
      %dma_wait3A_138 = tpu.memref_slice %arg9[%dma_wait3A_134, %dma_wait3A_136, %dma_wait3A_137] : memref<2x128x128xf32, #tpu.memory_space<vmem>> -> memref<1x128x128xf32, #tpu.memory_space<vmem>>
      %dma_wait3A_139 = tpu.memref_squeeze %dma_wait3A_138 : memref<1x128x128xf32, #tpu.memory_space<vmem>> -> memref<128x128xf32, #tpu.memory_space<vmem>>
      %dma_wait3A_140 = arith.constant 0 : i32
      %dma_wait3A_141 = tpu.memref_slice %arg7[%add3A_133, %dma_wait3A_140] : memref<40x128xi32, #tpu.memory_space<vmem>> -> memref<1x128xi32, #tpu.memory_space<vmem>>
      %dma_wait3A_142 = tpu.memref_squeeze %dma_wait3A_141 : memref<1x128xi32, #tpu.memory_space<vmem>> -> memref<128xi32, #tpu.memory_space<vmem>>
      %dma_wait3A_143 = arith.constant 0 : i32
      %dma_wait3A_144 = arith.constant 0 : i32
      %dma_wait3A_145 = tpu.memref_slice %arg2[%dma_wait3A_143, %dma_wait3A_144] : memref<10000x128xf32, #tpu.memory_space<hbm>> -> memref<10000x128xf32, #tpu.memory_space<hbm>>
      %dma_wait3A_146 = tpu.memref_slice %arg11[%dma_wait3A_135] : memref<2x!tpu.dma_semaphore, #tpu.memory_space<semaphore_mem>> -> memref<1x!tpu.dma_semaphore, #tpu.memory_space<semaphore_mem>>
      %dma_wait3A_147 = tpu.memref_squeeze %dma_wait3A_146 : memref<1x!tpu.dma_semaphore, #tpu.memory_space<semaphore_mem>> -> memref<!tpu.dma_semaphore, #tpu.memory_space<semaphore_mem>>
      tpu.wait_indirect_dma semaphore(%dma_wait3A_147 : memref<!tpu.dma_semaphore, #tpu.memory_space<semaphore_mem>>) src(%dma_wait3A_145 : memref<10000x128xf32, #tpu.memory_space<hbm>>) dst(%dma_wait3A_139 : memref<128x128xf32, #tpu.memory_space<vmem>>)
      %dma_start3A_148 = arith.constant 1 : i32
      %dma_start3A_149 = arith.constant 1 : i32
      %dma_start3A_150 = arith.constant 0 : i32
      %dma_start3A_151 = arith.constant 0 : i32
      %dma_start3A_152 = tpu.memref_slice %arg9[%dma_start3A_148, %dma_start3A_150, %dma_start3A_151] : memref<2x128x128xf32, #tpu.memory_space<vmem>> -> memref<1x128x128xf32, #tpu.memory_space<vmem>>
      %dma_start3A_153 = tpu.memref_squeeze %dma_start3A_152 : memref<1x128x128xf32, #tpu.memory_space<vmem>> -> memref<128x128xf32, #tpu.memory_space<vmem>>
      %dma_start3A_154 = arith.constant 0 : i32
      %dma_start3A_155 = tpu.memref_slice %arg8[%add3A_133, %dma_start3A_154] : memref<40x128xi32, #tpu.memory_space<vmem>> -> memref<1x128xi32, #tpu.memory_space<vmem>>
      %dma_start3A_156 = tpu.memref_squeeze %dma_start3A_155 : memref<1x128xi32, #tpu.memory_space<vmem>> -> memref<128xi32, #tpu.memory_space<vmem>>
      %dma_start3A_157 = arith.constant 0 : i32
      %dma_start3A_158 = arith.constant 0 : i32
      %dma_start3A_159 = tpu.memref_slice %arg10[%dma_start3A_157, %dma_start3A_158] : memref<10112x128xf32, #tpu.memory_space<vmem_shared>> -> memref<10112x128xf32, #tpu.memory_space<vmem_shared>>
      %dma_start3A_160 = tpu.memref_slice %arg12[%dma_start3A_149] : memref<2x!tpu.dma_semaphore, #tpu.memory_space<semaphore_mem>> -> memref<1x!tpu.dma_semaphore, #tpu.memory_space<semaphore_mem>>
      %dma_start3A_161 = tpu.memref_squeeze %dma_start3A_160 : memref<1x!tpu.dma_semaphore, #tpu.memory_space<semaphore_mem>> -> memref<!tpu.dma_semaphore, #tpu.memory_space<semaphore_mem>>
      tpu.enqueue_indirect_dma source(%dma_start3A_153 : memref<128x128xf32, #tpu.memory_space<vmem>>) target(%dma_start3A_159 : memref<10112x128xf32, #tpu.memory_space<vmem_shared>>) offsets(%dma_start3A_156 : memref<128xi32, #tpu.memory_space<vmem>>) semaphore(%dma_start3A_161 : memref<!tpu.dma_semaphore, #tpu.memory_space<semaphore_mem>>) {add = true}
      %dma_wait3A_162 = arith.constant 1 : i32
      %dma_wait3A_163 = arith.constant 1 : i32
      %dma_wait3A_164 = arith.constant 0 : i32
      %dma_wait3A_165 = arith.constant 0 : i32
      %dma_wait3A_166 = tpu.memref_slice %arg9[%dma_wait3A_162, %dma_wait3A_164, %dma_wait3A_165] : memref<2x128x128xf32, #tpu.memory_space<vmem>> -> memref<1x128x128xf32, #tpu.memory_space<vmem>>
      %dma_wait3A_167 = tpu.memref_squeeze %dma_wait3A_166 : memref<1x128x128xf32, #tpu.memory_space<vmem>> -> memref<128x128xf32, #tpu.memory_space<vmem>>
      %dma_wait3A_168 = arith.constant 0 : i32
      %dma_wait3A_169 = tpu.memref_slice %arg8[%add3A_133, %dma_wait3A_168] : memref<40x128xi32, #tpu.memory_space<vmem>> -> memref<1x128xi32, #tpu.memory_space<vmem>>
      %dma_wait3A_170 = tpu.memref_squeeze %dma_wait3A_169 : memref<1x128xi32, #tpu.memory_space<vmem>> -> memref<128xi32, #tpu.memory_space<vmem>>
      %dma_wait3A_171 = arith.constant 0 : i32
      %dma_wait3A_172 = arith.constant 0 : i32
      %dma_wait3A_173 = tpu.memref_slice %arg10[%dma_wait3A_171, %dma_wait3A_172] : memref<10112x128xf32, #tpu.memory_space<vmem_shared>> -> memref<10112x128xf32, #tpu.memory_space<vmem_shared>>
      %dma_wait3A_174 = tpu.memref_slice %arg12[%dma_wait3A_163] : memref<2x!tpu.dma_semaphore, #tpu.memory_space<semaphore_mem>> -> memref<1x!tpu.dma_semaphore, #tpu.memory_space<semaphore_mem>>
      %dma_wait3A_175 = tpu.memref_squeeze %dma_wait3A_174 : memref<1x!tpu.dma_semaphore, #tpu.memory_space<semaphore_mem>> -> memref<!tpu.dma_semaphore, #tpu.memory_space<semaphore_mem>>
      tpu.wait_indirect_dma semaphore(%dma_wait3A_175 : memref<!tpu.dma_semaphore, #tpu.memory_space<semaphore_mem>>) src(%dma_wait3A_167 : memref<128x128xf32, #tpu.memory_space<vmem>>) dst(%dma_wait3A_173 : memref<10112x128xf32, #tpu.memory_space<vmem_shared>>)
      %lt3A_176 = arith.constant 19 : i32
      %lt3A_177 = arith.cmpi slt, %scan3A_83, %lt3A_176 : i32
      %convert_element_type3A_178 = arith.extui %lt3A_177 : i1 to i32
      %cond3A_179 = arith.constant 0 : i32
      %cond3A_180 = arith.cmpi ne, %convert_element_type3A_178, %cond3A_179 : i32
      scf.if %cond3A_180 {
        %add3A_181 = arith.constant 2 : i32
        %add3A_182 = arith.addi %add3A_133, %add3A_181 : i32
        %dma_start3A_183 = arith.constant 1 : i32
        %dma_start3A_184 = arith.constant 1 : i32
        %dma_start3A_185 = arith.constant 0 : i32
        %dma_start3A_186 = arith.constant 0 : i32
        %dma_start3A_187 = tpu.memref_slice %arg9[%dma_start3A_183, %dma_start3A_185, %dma_start3A_186] : memref<2x128x128xf32, #tpu.memory_space<vmem>> -> memref<1x128x128xf32, #tpu.memory_space<vmem>>
        %dma_start3A_188 = tpu.memref_squeeze %dma_start3A_187 : memref<1x128x128xf32, #tpu.memory_space<vmem>> -> memref<128x128xf32, #tpu.memory_space<vmem>>
        %dma_start3A_189 = arith.constant 0 : i32
        %dma_start3A_190 = tpu.memref_slice %arg7[%add3A_182, %dma_start3A_189] : memref<40x128xi32, #tpu.memory_space<vmem>> -> memref<1x128xi32, #tpu.memory_space<vmem>>
        %dma_start3A_191 = tpu.memref_squeeze %dma_start3A_190 : memref<1x128xi32, #tpu.memory_space<vmem>> -> memref<128xi32, #tpu.memory_space<vmem>>
        %dma_start3A_192 = arith.constant 0 : i32
        %dma_start3A_193 = arith.constant 0 : i32
        %dma_start3A_194 = tpu.memref_slice %arg2[%dma_start3A_192, %dma_start3A_193] : memref<10000x128xf32, #tpu.memory_space<hbm>> -> memref<10000x128xf32, #tpu.memory_space<hbm>>
        %dma_start3A_195 = tpu.memref_slice %arg11[%dma_start3A_184] : memref<2x!tpu.dma_semaphore, #tpu.memory_space<semaphore_mem>> -> memref<1x!tpu.dma_semaphore, #tpu.memory_space<semaphore_mem>>
        %dma_start3A_196 = tpu.memref_squeeze %dma_start3A_195 : memref<1x!tpu.dma_semaphore, #tpu.memory_space<semaphore_mem>> -> memref<!tpu.dma_semaphore, #tpu.memory_space<semaphore_mem>>
        tpu.enqueue_indirect_dma source(%dma_start3A_194 : memref<10000x128xf32, #tpu.memory_space<hbm>>) target(%dma_start3A_188 : memref<128x128xf32, #tpu.memory_space<vmem>>) offsets(%dma_start3A_191 : memref<128xi32, #tpu.memory_space<vmem>>) semaphore(%dma_start3A_196 : memref<!tpu.dma_semaphore, #tpu.memory_space<semaphore_mem>>)
      } else {
      }
    }
    %scan3A_45 = arith.constant 20 : i32
    "tpu.region"() ({
      %run_scoped3A = tpu.sem_alloc : memref<!tpu.dma_semaphore, #tpu.memory_space<semaphore_mem>>
      %dma_start3A_83 = arith.constant 40 : i32
      %dma_start3A_84 = arith.constant 0 : i32
      %dma_start3A_85 = tpu.memref_slice %arg3[%add3A, %dma_start3A_83, %dma_start3A_84] : memref<32x80x128xi32, #tpu.memory_space<hbm>> -> memref<1x40x128xi32, #tpu.memory_space<hbm>>
      %dma_start3A_86 = tpu.memref_squeeze %dma_start3A_85 : memref<1x40x128xi32, #tpu.memory_space<hbm>> -> memref<40x128xi32, #tpu.memory_space<hbm>>
      %dma_start3A_87 = arith.constant 40 : i32
      %dma_start3A_88 = arith.constant 0 : i32
      %dma_start3A_89 = tpu.memref_slice %arg3[%add3A, %dma_start3A_87, %dma_start3A_88] : memref<32x80x128xi32, #tpu.memory_space<hbm>> -> memref<1x40x128xi32, #tpu.memory_space<hbm>>
      %dma_start3A_90 = tpu.memref_squeeze %dma_start3A_89 : memref<1x40x128xi32, #tpu.memory_space<hbm>> -> memref<40x128xi32, #tpu.memory_space<hbm>>
      tpu.enqueue_dma source(%dma_start3A_90 : memref<40x128xi32, #tpu.memory_space<hbm>>) target(%arg7 : memref<40x128xi32, #tpu.memory_space<vmem>>) target_semaphore(%run_scoped3A : memref<!tpu.dma_semaphore, #tpu.memory_space<semaphore_mem>>)
      %dma_wait3A_91 = arith.constant 40 : i32
      %dma_wait3A_92 = arith.constant 0 : i32
      %dma_wait3A_93 = tpu.memref_slice %arg3[%add3A, %dma_wait3A_91, %dma_wait3A_92] : memref<32x80x128xi32, #tpu.memory_space<hbm>> -> memref<1x40x128xi32, #tpu.memory_space<hbm>>
      %dma_wait3A_94 = tpu.memref_squeeze %dma_wait3A_93 : memref<1x40x128xi32, #tpu.memory_space<hbm>> -> memref<40x128xi32, #tpu.memory_space<hbm>>
      %dma_wait3A_95 = arith.constant 40 : i32
      %dma_wait3A_96 = arith.constant 0 : i32
      %dma_wait3A_97 = tpu.memref_slice %arg3[%add3A, %dma_wait3A_95, %dma_wait3A_96] : memref<32x80x128xi32, #tpu.memory_space<hbm>> -> memref<1x40x128xi32, #tpu.memory_space<hbm>>
      %dma_wait3A_98 = tpu.memref_squeeze %dma_wait3A_97 : memref<1x40x128xi32, #tpu.memory_space<hbm>> -> memref<40x128xi32, #tpu.memory_space<hbm>>
      tpu.wait_dma2 semaphore(%run_scoped3A : memref<!tpu.dma_semaphore, #tpu.memory_space<semaphore_mem>>) src(%dma_wait3A_98 : memref<40x128xi32, #tpu.memory_space<hbm>>) dst(%arg7 : memref<40x128xi32, #tpu.memory_space<vmem>>)
      tpu.yield
    }) : () -> ()
    "tpu.region"() ({
      %run_scoped3A = tpu.sem_alloc : memref<!tpu.dma_semaphore, #tpu.memory_space<semaphore_mem>>
      %dma_start3A_83 = arith.constant 40 : i32
      %dma_start3A_84 = arith.constant 0 : i32
      %dma_start3A_85 = tpu.memref_slice %arg4[%add3A, %dma_start3A_83, %dma_start3A_84] : memref<32x80x128xi32, #tpu.memory_space<hbm>> -> memref<1x40x128xi32, #tpu.memory_space<hbm>>
      %dma_start3A_86 = tpu.memref_squeeze %dma_start3A_85 : memref<1x40x128xi32, #tpu.memory_space<hbm>> -> memref<40x128xi32, #tpu.memory_space<hbm>>
      %dma_start3A_87 = arith.constant 40 : i32
      %dma_start3A_88 = arith.constant 0 : i32
      %dma_start3A_89 = tpu.memref_slice %arg4[%add3A, %dma_start3A_87, %dma_start3A_88] : memref<32x80x128xi32, #tpu.memory_space<hbm>> -> memref<1x40x128xi32, #tpu.memory_space<hbm>>
      %dma_start3A_90 = tpu.memref_squeeze %dma_start3A_89 : memref<1x40x128xi32, #tpu.memory_space<hbm>> -> memref<40x128xi32, #tpu.memory_space<hbm>>
      tpu.enqueue_dma source(%dma_start3A_90 : memref<40x128xi32, #tpu.memory_space<hbm>>) target(%arg8 : memref<40x128xi32, #tpu.memory_space<vmem>>) target_semaphore(%run_scoped3A : memref<!tpu.dma_semaphore, #tpu.memory_space<semaphore_mem>>)
      %dma_wait3A_91 = arith.constant 40 : i32
      %dma_wait3A_92 = arith.constant 0 : i32
      %dma_wait3A_93 = tpu.memref_slice %arg4[%add3A, %dma_wait3A_91, %dma_wait3A_92] : memref<32x80x128xi32, #tpu.memory_space<hbm>> -> memref<1x40x128xi32, #tpu.memory_space<hbm>>
      %dma_wait3A_94 = tpu.memref_squeeze %dma_wait3A_93 : memref<1x40x128xi32, #tpu.memory_space<hbm>> -> memref<40x128xi32, #tpu.memory_space<hbm>>
      %dma_wait3A_95 = arith.constant 40 : i32
      %dma_wait3A_96 = arith.constant 0 : i32
      %dma_wait3A_97 = tpu.memref_slice %arg4[%add3A, %dma_wait3A_95, %dma_wait3A_96] : memref<32x80x128xi32, #tpu.memory_space<hbm>> -> memref<1x40x128xi32, #tpu.memory_space<hbm>>
      %dma_wait3A_98 = tpu.memref_squeeze %dma_wait3A_97 : memref<1x40x128xi32, #tpu.memory_space<hbm>> -> memref<40x128xi32, #tpu.memory_space<hbm>>
      tpu.wait_dma2 semaphore(%run_scoped3A : memref<!tpu.dma_semaphore, #tpu.memory_space<semaphore_mem>>) src(%dma_wait3A_98 : memref<40x128xi32, #tpu.memory_space<hbm>>) dst(%arg8 : memref<40x128xi32, #tpu.memory_space<vmem>>)
      tpu.yield
    }) : () -> ()
    %dma_start3A_46 = arith.constant 0 : i32
    %dma_start3A_47 = arith.constant 0 : i32
    %dma_start3A_48 = arith.constant 0 : i32
    %dma_start3A_49 = arith.constant 0 : i32
    %dma_start3A_50 = arith.constant 0 : i32
    %dma_start3A_51 = tpu.memref_slice %arg9[%dma_start3A_47, %dma_start3A_49, %dma_start3A_50] : memref<2x128x128xf32, #tpu.memory_space<vmem>> -> memref<1x128x128xf32, #tpu.memory_space<vmem>>
    %dma_start3A_52 = tpu.memref_squeeze %dma_start3A_51 : memref<1x128x128xf32, #tpu.memory_space<vmem>> -> memref<128x128xf32, #tpu.memory_space<vmem>>
    %dma_start3A_53 = arith.constant 0 : i32
    %dma_start3A_54 = tpu.memref_slice %arg7[%dma_start3A_46, %dma_start3A_53] : memref<40x128xi32, #tpu.memory_space<vmem>> -> memref<1x128xi32, #tpu.memory_space<vmem>>
    %dma_start3A_55 = tpu.memref_squeeze %dma_start3A_54 : memref<1x128xi32, #tpu.memory_space<vmem>> -> memref<128xi32, #tpu.memory_space<vmem>>
    %dma_start3A_56 = arith.constant 0 : i32
    %dma_start3A_57 = arith.constant 0 : i32
    %dma_start3A_58 = tpu.memref_slice %arg2[%dma_start3A_56, %dma_start3A_57] : memref<10000x128xf32, #tpu.memory_space<hbm>> -> memref<10000x128xf32, #tpu.memory_space<hbm>>
    %dma_start3A_59 = tpu.memref_slice %arg11[%dma_start3A_48] : memref<2x!tpu.dma_semaphore, #tpu.memory_space<semaphore_mem>> -> memref<1x!tpu.dma_semaphore, #tpu.memory_space<semaphore_mem>>
    %dma_start3A_60 = tpu.memref_squeeze %dma_start3A_59 : memref<1x!tpu.dma_semaphore, #tpu.memory_space<semaphore_mem>> -> memref<!tpu.dma_semaphore, #tpu.memory_space<semaphore_mem>>
    tpu.enqueue_indirect_dma source(%dma_start3A_58 : memref<10000x128xf32, #tpu.memory_space<hbm>>) target(%dma_start3A_52 : memref<128x128xf32, #tpu.memory_space<vmem>>) offsets(%dma_start3A_55 : memref<128xi32, #tpu.memory_space<vmem>>) semaphore(%dma_start3A_60 : memref<!tpu.dma_semaphore, #tpu.memory_space<semaphore_mem>>)
    %dma_start3A_61 = arith.constant 1 : i32
    %dma_start3A_62 = arith.constant 1 : i32
    %dma_start3A_63 = arith.constant 1 : i32
    %dma_start3A_64 = arith.constant 0 : i32
    %dma_start3A_65 = arith.constant 0 : i32
    %dma_start3A_66 = tpu.memref_slice %arg9[%dma_start3A_62, %dma_start3A_64, %dma_start3A_65] : memref<2x128x128xf32, #tpu.memory_space<vmem>> -> memref<1x128x128xf32, #tpu.memory_space<vmem>>
    %dma_start3A_67 = tpu.memref_squeeze %dma_start3A_66 : memref<1x128x128xf32, #tpu.memory_space<vmem>> -> memref<128x128xf32, #tpu.memory_space<vmem>>
    %dma_start3A_68 = arith.constant 0 : i32
    %dma_start3A_69 = tpu.memref_slice %arg7[%dma_start3A_61, %dma_start3A_68] : memref<40x128xi32, #tpu.memory_space<vmem>> -> memref<1x128xi32, #tpu.memory_space<vmem>>
    %dma_start3A_70 = tpu.memref_squeeze %dma_start3A_69 : memref<1x128xi32, #tpu.memory_space<vmem>> -> memref<128xi32, #tpu.memory_space<vmem>>
    %dma_start3A_71 = arith.constant 0 : i32
    %dma_start3A_72 = arith.constant 0 : i32
    %dma_start3A_73 = tpu.memref_slice %arg2[%dma_start3A_71, %dma_start3A_72] : memref<10000x128xf32, #tpu.memory_space<hbm>> -> memref<10000x128xf32, #tpu.memory_space<hbm>>
    %dma_start3A_74 = tpu.memref_slice %arg11[%dma_start3A_63] : memref<2x!tpu.dma_semaphore, #tpu.memory_space<semaphore_mem>> -> memref<1x!tpu.dma_semaphore, #tpu.memory_space<semaphore_mem>>
    %dma_start3A_75 = tpu.memref_squeeze %dma_start3A_74 : memref<1x!tpu.dma_semaphore, #tpu.memory_space<semaphore_mem>> -> memref<!tpu.dma_semaphore, #tpu.memory_space<semaphore_mem>>
    tpu.enqueue_indirect_dma source(%dma_start3A_73 : memref<10000x128xf32, #tpu.memory_space<hbm>>) target(%dma_start3A_67 : memref<128x128xf32, #tpu.memory_space<vmem>>) offsets(%dma_start3A_70 : memref<128xi32, #tpu.memory_space<vmem>>) semaphore(%dma_start3A_75 : memref<!tpu.dma_semaphore, #tpu.memory_space<semaphore_mem>>)
    %scan3A_76 = arith.constant 0 : i32
    %scan3A_77 = arith.constant 0 : i32
    %scan3A_78 = arith.constant 20 : i32
    %scan3A_79 = arith.addi %scan3A_77, %scan3A_78 : i32
    %scan3A_80 = arith.constant 1 : i32
    scf.for %scan3A_83 = %scan3A_77 to %scan3A_79 step %scan3A_80  : i32 {
      %mul3A_84 = arith.constant 2 : i32
      %mul3A_85 = arith.muli %scan3A_83, %mul3A_84 : i32
      %add3A_86 = arith.constant 0 : i32
      %add3A_87 = arith.addi %mul3A_85, %add3A_86 : i32
      %dma_wait3A_88 = arith.constant 0 : i32
      %dma_wait3A_89 = arith.constant 0 : i32
      %dma_wait3A_90 = arith.constant 0 : i32
      %dma_wait3A_91 = arith.constant 0 : i32
      %dma_wait3A_92 = tpu.memref_slice %arg9[%dma_wait3A_88, %dma_wait3A_90, %dma_wait3A_91] : memref<2x128x128xf32, #tpu.memory_space<vmem>> -> memref<1x128x128xf32, #tpu.memory_space<vmem>>
      %dma_wait3A_93 = tpu.memref_squeeze %dma_wait3A_92 : memref<1x128x128xf32, #tpu.memory_space<vmem>> -> memref<128x128xf32, #tpu.memory_space<vmem>>
      %dma_wait3A_94 = arith.constant 0 : i32
      %dma_wait3A_95 = tpu.memref_slice %arg7[%add3A_87, %dma_wait3A_94] : memref<40x128xi32, #tpu.memory_space<vmem>> -> memref<1x128xi32, #tpu.memory_space<vmem>>
      %dma_wait3A_96 = tpu.memref_squeeze %dma_wait3A_95 : memref<1x128xi32, #tpu.memory_space<vmem>> -> memref<128xi32, #tpu.memory_space<vmem>>
      %dma_wait3A_97 = arith.constant 0 : i32
      %dma_wait3A_98 = arith.constant 0 : i32
      %dma_wait3A_99 = tpu.memref_slice %arg2[%dma_wait3A_97, %dma_wait3A_98] : memref<10000x128xf32, #tpu.memory_space<hbm>> -> memref<10000x128xf32, #tpu.memory_space<hbm>>
      %dma_wait3A_100 = tpu.memref_slice %arg11[%dma_wait3A_89] : memref<2x!tpu.dma_semaphore, #tpu.memory_space<semaphore_mem>> -> memref<1x!tpu.dma_semaphore, #tpu.memory_space<semaphore_mem>>
      %dma_wait3A_101 = tpu.memref_squeeze %dma_wait3A_100 : memref<1x!tpu.dma_semaphore, #tpu.memory_space<semaphore_mem>> -> memref<!tpu.dma_semaphore, #tpu.memory_space<semaphore_mem>>
      tpu.wait_indirect_dma semaphore(%dma_wait3A_101 : memref<!tpu.dma_semaphore, #tpu.memory_space<semaphore_mem>>) src(%dma_wait3A_99 : memref<10000x128xf32, #tpu.memory_space<hbm>>) dst(%dma_wait3A_93 : memref<128x128xf32, #tpu.memory_space<vmem>>)
      %dma_start3A_102 = arith.constant 0 : i32
      %dma_start3A_103 = arith.constant 0 : i32
      %dma_start3A_104 = arith.constant 0 : i32
      %dma_start3A_105 = arith.constant 0 : i32
      %dma_start3A_106 = tpu.memref_slice %arg9[%dma_start3A_102, %dma_start3A_104, %dma_start3A_105] : memref<2x128x128xf32, #tpu.memory_space<vmem>> -> memref<1x128x128xf32, #tpu.memory_space<vmem>>
      %dma_start3A_107 = tpu.memref_squeeze %dma_start3A_106 : memref<1x128x128xf32, #tpu.memory_space<vmem>> -> memref<128x128xf32, #tpu.memory_space<vmem>>
      %dma_start3A_108 = arith.constant 0 : i32
      %dma_start3A_109 = tpu.memref_slice %arg8[%add3A_87, %dma_start3A_108] : memref<40x128xi32, #tpu.memory_space<vmem>> -> memref<1x128xi32, #tpu.memory_space<vmem>>
      %dma_start3A_110 = tpu.memref_squeeze %dma_start3A_109 : memref<1x128xi32, #tpu.memory_space<vmem>> -> memref<128xi32, #tpu.memory_space<vmem>>
      %dma_start3A_111 = arith.constant 0 : i32
      %dma_start3A_112 = arith.constant 0 : i32
      %dma_start3A_113 = tpu.memref_slice %arg10[%dma_start3A_111, %dma_start3A_112] : memref<10112x128xf32, #tpu.memory_space<vmem_shared>> -> memref<10112x128xf32, #tpu.memory_space<vmem_shared>>
      %dma_start3A_114 = tpu.memref_slice %arg12[%dma_start3A_103] : memref<2x!tpu.dma_semaphore, #tpu.memory_space<semaphore_mem>> -> memref<1x!tpu.dma_semaphore, #tpu.memory_space<semaphore_mem>>
      %dma_start3A_115 = tpu.memref_squeeze %dma_start3A_114 : memref<1x!tpu.dma_semaphore, #tpu.memory_space<semaphore_mem>> -> memref<!tpu.dma_semaphore, #tpu.memory_space<semaphore_mem>>
      tpu.enqueue_indirect_dma source(%dma_start3A_107 : memref<128x128xf32, #tpu.memory_space<vmem>>) target(%dma_start3A_113 : memref<10112x128xf32, #tpu.memory_space<vmem_shared>>) offsets(%dma_start3A_110 : memref<128xi32, #tpu.memory_space<vmem>>) semaphore(%dma_start3A_115 : memref<!tpu.dma_semaphore, #tpu.memory_space<semaphore_mem>>) {add = true}
      %dma_wait3A_116 = arith.constant 0 : i32
      %dma_wait3A_117 = arith.constant 0 : i32
      %dma_wait3A_118 = arith.constant 0 : i32
      %dma_wait3A_119 = arith.constant 0 : i32
      %dma_wait3A_120 = tpu.memref_slice %arg9[%dma_wait3A_116, %dma_wait3A_118, %dma_wait3A_119] : memref<2x128x128xf32, #tpu.memory_space<vmem>> -> memref<1x128x128xf32, #tpu.memory_space<vmem>>
      %dma_wait3A_121 = tpu.memref_squeeze %dma_wait3A_120 : memref<1x128x128xf32, #tpu.memory_space<vmem>> -> memref<128x128xf32, #tpu.memory_space<vmem>>
      %dma_wait3A_122 = arith.constant 0 : i32
      %dma_wait3A_123 = tpu.memref_slice %arg8[%add3A_87, %dma_wait3A_122] : memref<40x128xi32, #tpu.memory_space<vmem>> -> memref<1x128xi32, #tpu.memory_space<vmem>>
      %dma_wait3A_124 = tpu.memref_squeeze %dma_wait3A_123 : memref<1x128xi32, #tpu.memory_space<vmem>> -> memref<128xi32, #tpu.memory_space<vmem>>
      %dma_wait3A_125 = arith.constant 0 : i32
      %dma_wait3A_126 = arith.constant 0 : i32
      %dma_wait3A_127 = tpu.memref_slice %arg10[%dma_wait3A_125, %dma_wait3A_126] : memref<10112x128xf32, #tpu.memory_space<vmem_shared>> -> memref<10112x128xf32, #tpu.memory_space<vmem_shared>>
      %dma_wait3A_128 = tpu.memref_slice %arg12[%dma_wait3A_117] : memref<2x!tpu.dma_semaphore, #tpu.memory_space<semaphore_mem>> -> memref<1x!tpu.dma_semaphore, #tpu.memory_space<semaphore_mem>>
      %dma_wait3A_129 = tpu.memref_squeeze %dma_wait3A_128 : memref<1x!tpu.dma_semaphore, #tpu.memory_space<semaphore_mem>> -> memref<!tpu.dma_semaphore, #tpu.memory_space<semaphore_mem>>
      tpu.wait_indirect_dma semaphore(%dma_wait3A_129 : memref<!tpu.dma_semaphore, #tpu.memory_space<semaphore_mem>>) src(%dma_wait3A_121 : memref<128x128xf32, #tpu.memory_space<vmem>>) dst(%dma_wait3A_127 : memref<10112x128xf32, #tpu.memory_space<vmem_shared>>)
      %lt3A = arith.constant 19 : i32
      %lt3A_130 = arith.cmpi slt, %scan3A_83, %lt3A : i32
      %convert_element_type3A = arith.extui %lt3A_130 : i1 to i32
      %cond3A = arith.constant 0 : i32
      %cond3A_131 = arith.cmpi ne, %convert_element_type3A, %cond3A : i32
      scf.if %cond3A_131 {
        %add3A_181 = arith.constant 2 : i32
        %add3A_182 = arith.addi %add3A_87, %add3A_181 : i32
        %dma_start3A_183 = arith.constant 0 : i32
        %dma_start3A_184 = arith.constant 0 : i32
        %dma_start3A_185 = arith.constant 0 : i32
        %dma_start3A_186 = arith.constant 0 : i32
        %dma_start3A_187 = tpu.memref_slice %arg9[%dma_start3A_183, %dma_start3A_185, %dma_start3A_186] : memref<2x128x128xf32, #tpu.memory_space<vmem>> -> memref<1x128x128xf32, #tpu.memory_space<vmem>>
        %dma_start3A_188 = tpu.memref_squeeze %dma_start3A_187 : memref<1x128x128xf32, #tpu.memory_space<vmem>> -> memref<128x128xf32, #tpu.memory_space<vmem>>
        %dma_start3A_189 = arith.constant 0 : i32
        %dma_start3A_190 = tpu.memref_slice %arg7[%add3A_182, %dma_start3A_189] : memref<40x128xi32, #tpu.memory_space<vmem>> -> memref<1x128xi32, #tpu.memory_space<vmem>>
        %dma_start3A_191 = tpu.memref_squeeze %dma_start3A_190 : memref<1x128xi32, #tpu.memory_space<vmem>> -> memref<128xi32, #tpu.memory_space<vmem>>
        %dma_start3A_192 = arith.constant 0 : i32
        %dma_start3A_193 = arith.constant 0 : i32
        %dma_start3A_194 = tpu.memref_slice %arg2[%dma_start3A_192, %dma_start3A_193] : memref<10000x128xf32, #tpu.memory_space<hbm>> -> memref<10000x128xf32, #tpu.memory_space<hbm>>
        %dma_start3A_195 = tpu.memref_slice %arg11[%dma_start3A_184] : memref<2x!tpu.dma_semaphore, #tpu.memory_space<semaphore_mem>> -> memref<1x!tpu.dma_semaphore, #tpu.memory_space<semaphore_mem>>
        %dma_start3A_196 = tpu.memref_squeeze %dma_start3A_195 : memref<1x!tpu.dma_semaphore, #tpu.memory_space<semaphore_mem>> -> memref<!tpu.dma_semaphore, #tpu.memory_space<semaphore_mem>>
        tpu.enqueue_indirect_dma source(%dma_start3A_194 : memref<10000x128xf32, #tpu.memory_space<hbm>>) target(%dma_start3A_188 : memref<128x128xf32, #tpu.memory_space<vmem>>) offsets(%dma_start3A_191 : memref<128xi32, #tpu.memory_space<vmem>>) semaphore(%dma_start3A_196 : memref<!tpu.dma_semaphore, #tpu.memory_space<semaphore_mem>>)
      } else {
      }
      %add3A_132 = arith.constant 1 : i32
      %add3A_133 = arith.addi %mul3A_85, %add3A_132 : i32
      %dma_wait3A_134 = arith.constant 1 : i32
      %dma_wait3A_135 = arith.constant 1 : i32
      %dma_wait3A_136 = arith.constant 0 : i32
      %dma_wait3A_137 = arith.constant 0 : i32
      %dma_wait3A_138 = tpu.memref_slice %arg9[%dma_wait3A_134, %dma_wait3A_136, %dma_wait3A_137] : memref<2x128x128xf32, #tpu.memory_space<vmem>> -> memref<1x128x128xf32, #tpu.memory_space<vmem>>
      %dma_wait3A_139 = tpu.memref_squeeze %dma_wait3A_138 : memref<1x128x128xf32, #tpu.memory_space<vmem>> -> memref<128x128xf32, #tpu.memory_space<vmem>>
      %dma_wait3A_140 = arith.constant 0 : i32
      %dma_wait3A_141 = tpu.memref_slice %arg7[%add3A_133, %dma_wait3A_140] : memref<40x128xi32, #tpu.memory_space<vmem>> -> memref<1x128xi32, #tpu.memory_space<vmem>>
      %dma_wait3A_142 = tpu.memref_squeeze %dma_wait3A_141 : memref<1x128xi32, #tpu.memory_space<vmem>> -> memref<128xi32, #tpu.memory_space<vmem>>
      %dma_wait3A_143 = arith.constant 0 : i32
      %dma_wait3A_144 = arith.constant 0 : i32
      %dma_wait3A_145 = tpu.memref_slice %arg2[%dma_wait3A_143, %dma_wait3A_144] : memref<10000x128xf32, #tpu.memory_space<hbm>> -> memref<10000x128xf32, #tpu.memory_space<hbm>>
      %dma_wait3A_146 = tpu.memref_slice %arg11[%dma_wait3A_135] : memref<2x!tpu.dma_semaphore, #tpu.memory_space<semaphore_mem>> -> memref<1x!tpu.dma_semaphore, #tpu.memory_space<semaphore_mem>>
      %dma_wait3A_147 = tpu.memref_squeeze %dma_wait3A_146 : memref<1x!tpu.dma_semaphore, #tpu.memory_space<semaphore_mem>> -> memref<!tpu.dma_semaphore, #tpu.memory_space<semaphore_mem>>
      tpu.wait_indirect_dma semaphore(%dma_wait3A_147 : memref<!tpu.dma_semaphore, #tpu.memory_space<semaphore_mem>>) src(%dma_wait3A_145 : memref<10000x128xf32, #tpu.memory_space<hbm>>) dst(%dma_wait3A_139 : memref<128x128xf32, #tpu.memory_space<vmem>>)
      %dma_start3A_148 = arith.constant 1 : i32
      %dma_start3A_149 = arith.constant 1 : i32
      %dma_start3A_150 = arith.constant 0 : i32
      %dma_start3A_151 = arith.constant 0 : i32
      %dma_start3A_152 = tpu.memref_slice %arg9[%dma_start3A_148, %dma_start3A_150, %dma_start3A_151] : memref<2x128x128xf32, #tpu.memory_space<vmem>> -> memref<1x128x128xf32, #tpu.memory_space<vmem>>
      %dma_start3A_153 = tpu.memref_squeeze %dma_start3A_152 : memref<1x128x128xf32, #tpu.memory_space<vmem>> -> memref<128x128xf32, #tpu.memory_space<vmem>>
      %dma_start3A_154 = arith.constant 0 : i32
      %dma_start3A_155 = tpu.memref_slice %arg8[%add3A_133, %dma_start3A_154] : memref<40x128xi32, #tpu.memory_space<vmem>> -> memref<1x128xi32, #tpu.memory_space<vmem>>
      %dma_start3A_156 = tpu.memref_squeeze %dma_start3A_155 : memref<1x128xi32, #tpu.memory_space<vmem>> -> memref<128xi32, #tpu.memory_space<vmem>>
      %dma_start3A_157 = arith.constant 0 : i32
      %dma_start3A_158 = arith.constant 0 : i32
      %dma_start3A_159 = tpu.memref_slice %arg10[%dma_start3A_157, %dma_start3A_158] : memref<10112x128xf32, #tpu.memory_space<vmem_shared>> -> memref<10112x128xf32, #tpu.memory_space<vmem_shared>>
      %dma_start3A_160 = tpu.memref_slice %arg12[%dma_start3A_149] : memref<2x!tpu.dma_semaphore, #tpu.memory_space<semaphore_mem>> -> memref<1x!tpu.dma_semaphore, #tpu.memory_space<semaphore_mem>>
      %dma_start3A_161 = tpu.memref_squeeze %dma_start3A_160 : memref<1x!tpu.dma_semaphore, #tpu.memory_space<semaphore_mem>> -> memref<!tpu.dma_semaphore, #tpu.memory_space<semaphore_mem>>
      tpu.enqueue_indirect_dma source(%dma_start3A_153 : memref<128x128xf32, #tpu.memory_space<vmem>>) target(%dma_start3A_159 : memref<10112x128xf32, #tpu.memory_space<vmem_shared>>) offsets(%dma_start3A_156 : memref<128xi32, #tpu.memory_space<vmem>>) semaphore(%dma_start3A_161 : memref<!tpu.dma_semaphore, #tpu.memory_space<semaphore_mem>>) {add = true}
      %dma_wait3A_162 = arith.constant 1 : i32
      %dma_wait3A_163 = arith.constant 1 : i32
      %dma_wait3A_164 = arith.constant 0 : i32
      %dma_wait3A_165 = arith.constant 0 : i32
      %dma_wait3A_166 = tpu.memref_slice %arg9[%dma_wait3A_162, %dma_wait3A_164, %dma_wait3A_165] : memref<2x128x128xf32, #tpu.memory_space<vmem>> -> memref<1x128x128xf32, #tpu.memory_space<vmem>>
      %dma_wait3A_167 = tpu.memref_squeeze %dma_wait3A_166 : memref<1x128x128xf32, #tpu.memory_space<vmem>> -> memref<128x128xf32, #tpu.memory_space<vmem>>
      %dma_wait3A_168 = arith.constant 0 : i32
      %dma_wait3A_169 = tpu.memref_slice %arg8[%add3A_133, %dma_wait3A_168] : memref<40x128xi32, #tpu.memory_space<vmem>> -> memref<1x128xi32, #tpu.memory_space<vmem>>
      %dma_wait3A_170 = tpu.memref_squeeze %dma_wait3A_169 : memref<1x128xi32, #tpu.memory_space<vmem>> -> memref<128xi32, #tpu.memory_space<vmem>>
      %dma_wait3A_171 = arith.constant 0 : i32
      %dma_wait3A_172 = arith.constant 0 : i32
      %dma_wait3A_173 = tpu.memref_slice %arg10[%dma_wait3A_171, %dma_wait3A_172] : memref<10112x128xf32, #tpu.memory_space<vmem_shared>> -> memref<10112x128xf32, #tpu.memory_space<vmem_shared>>
      %dma_wait3A_174 = tpu.memref_slice %arg12[%dma_wait3A_163] : memref<2x!tpu.dma_semaphore, #tpu.memory_space<semaphore_mem>> -> memref<1x!tpu.dma_semaphore, #tpu.memory_space<semaphore_mem>>
      %dma_wait3A_175 = tpu.memref_squeeze %dma_wait3A_174 : memref<1x!tpu.dma_semaphore, #tpu.memory_space<semaphore_mem>> -> memref<!tpu.dma_semaphore, #tpu.memory_space<semaphore_mem>>
      tpu.wait_indirect_dma semaphore(%dma_wait3A_175 : memref<!tpu.dma_semaphore, #tpu.memory_space<semaphore_mem>>) src(%dma_wait3A_167 : memref<128x128xf32, #tpu.memory_space<vmem>>) dst(%dma_wait3A_173 : memref<10112x128xf32, #tpu.memory_space<vmem_shared>>)
      %lt3A_176 = arith.constant 19 : i32
      %lt3A_177 = arith.cmpi slt, %scan3A_83, %lt3A_176 : i32
      %convert_element_type3A_178 = arith.extui %lt3A_177 : i1 to i32
      %cond3A_179 = arith.constant 0 : i32
      %cond3A_180 = arith.cmpi ne, %convert_element_type3A_178, %cond3A_179 : i32
      scf.if %cond3A_180 {
        %add3A_181 = arith.constant 2 : i32
        %add3A_182 = arith.addi %add3A_133, %add3A_181 : i32
        %dma_start3A_183 = arith.constant 1 : i32
        %dma_start3A_184 = arith.constant 1 : i32
        %dma_start3A_185 = arith.constant 0 : i32
        %dma_start3A_186 = arith.constant 0 : i32
        %dma_start3A_187 = tpu.memref_slice %arg9[%dma_start3A_183, %dma_start3A_185, %dma_start3A_186] : memref<2x128x128xf32, #tpu.memory_space<vmem>> -> memref<1x128x128xf32, #tpu.memory_space<vmem>>
        %dma_start3A_188 = tpu.memref_squeeze %dma_start3A_187 : memref<1x128x128xf32, #tpu.memory_space<vmem>> -> memref<128x128xf32, #tpu.memory_space<vmem>>
        %dma_start3A_189 = arith.constant 0 : i32
        %dma_start3A_190 = tpu.memref_slice %arg7[%add3A_182, %dma_start3A_189] : memref<40x128xi32, #tpu.memory_space<vmem>> -> memref<1x128xi32, #tpu.memory_space<vmem>>
        %dma_start3A_191 = tpu.memref_squeeze %dma_start3A_190 : memref<1x128xi32, #tpu.memory_space<vmem>> -> memref<128xi32, #tpu.memory_space<vmem>>
        %dma_start3A_192 = arith.constant 0 : i32
        %dma_start3A_193 = arith.constant 0 : i32
        %dma_start3A_194 = tpu.memref_slice %arg2[%dma_start3A_192, %dma_start3A_193] : memref<10000x128xf32, #tpu.memory_space<hbm>> -> memref<10000x128xf32, #tpu.memory_space<hbm>>
        %dma_start3A_195 = tpu.memref_slice %arg11[%dma_start3A_184] : memref<2x!tpu.dma_semaphore, #tpu.memory_space<semaphore_mem>> -> memref<1x!tpu.dma_semaphore, #tpu.memory_space<semaphore_mem>>
        %dma_start3A_196 = tpu.memref_squeeze %dma_start3A_195 : memref<1x!tpu.dma_semaphore, #tpu.memory_space<semaphore_mem>> -> memref<!tpu.dma_semaphore, #tpu.memory_space<semaphore_mem>>
        tpu.enqueue_indirect_dma source(%dma_start3A_194 : memref<10000x128xf32, #tpu.memory_space<hbm>>) target(%dma_start3A_188 : memref<128x128xf32, #tpu.memory_space<vmem>>) offsets(%dma_start3A_191 : memref<128xi32, #tpu.memory_space<vmem>>) semaphore(%dma_start3A_196 : memref<!tpu.dma_semaphore, #tpu.memory_space<semaphore_mem>>)
      } else {
      }
    }
    %scan3A_81 = arith.constant 20 : i32
    %barrier3A_82 = arith.constant 0 : index
    tpu.barrier barrier_id(%barrier3A_82)
    "tpu.region"() ({
      %run_scoped3A = tpu.sem_alloc : memref<!tpu.dma_semaphore, #tpu.memory_space<semaphore_mem>>
      %dma_start3A_83 = arith.constant 0 : i32
      %dma_start3A_84 = tpu.memref_slice %arg6[%arg0, %mul3A_2, %dma_start3A_83] : memref<2x10112x128xf32, #tpu.memory_space<hbm>> -> memref<1x632x128xf32, #tpu.memory_space<hbm>>
      %dma_start3A_85 = tpu.memref_squeeze %dma_start3A_84 : memref<1x632x128xf32, #tpu.memory_space<hbm>> -> memref<632x128xf32, #tpu.memory_space<hbm>>
      %dma_start3A_86 = arith.constant 0 : i32
      %dma_start3A_87 = tpu.memref_slice %arg10[%mul3A_2, %dma_start3A_86] : memref<10112x128xf32, #tpu.memory_space<vmem_shared>> -> memref<632x128xf32, #tpu.memory_space<vmem_shared>>
      tpu.enqueue_dma source(%dma_start3A_87 : memref<632x128xf32, #tpu.memory_space<vmem_shared>>) target(%dma_start3A_85 : memref<632x128xf32, #tpu.memory_space<hbm>>) target_semaphore(%run_scoped3A : memref<!tpu.dma_semaphore, #tpu.memory_space<semaphore_mem>>)
      %dma_wait3A_88 = arith.constant 0 : i32
      %dma_wait3A_89 = tpu.memref_slice %arg6[%arg0, %mul3A_2, %dma_wait3A_88] : memref<2x10112x128xf32, #tpu.memory_space<hbm>> -> memref<1x632x128xf32, #tpu.memory_space<hbm>>
      %dma_wait3A_90 = tpu.memref_squeeze %dma_wait3A_89 : memref<1x632x128xf32, #tpu.memory_space<hbm>> -> memref<632x128xf32, #tpu.memory_space<hbm>>
      %dma_wait3A_91 = arith.constant 0 : i32
      %dma_wait3A_92 = tpu.memref_slice %arg10[%mul3A_2, %dma_wait3A_91] : memref<10112x128xf32, #tpu.memory_space<vmem_shared>> -> memref<632x128xf32, #tpu.memory_space<vmem_shared>>
      tpu.wait_dma2 semaphore(%run_scoped3A : memref<!tpu.dma_semaphore, #tpu.memory_space<semaphore_mem>>) src(%dma_wait3A_92 : memref<632x128xf32, #tpu.memory_space<vmem_shared>>) dst(%dma_wait3A_90 : memref<632x128xf32, #tpu.memory_space<hbm>>)
      tpu.yield
    }) : () -> ()
    return
  }
}

module attributes {stable_mosaic.version = 14 : i64} {
  func.func @_mlp_body(%arg0: i32, %arg1: memref<1x128xf32, #tpu.memory_space<vmem>>, %arg2: memref<400x128xf32, #tpu.memory_space<vmem>>, %arg3: memref<2x400x128xf32, #tpu.memory_space<vmem>>, %arg4: memref<128x128xf32, #tpu.memory_space<vmem>>, %arg5: memref<1x128xf32, #tpu.memory_space<vmem>>, %arg6: memref<128x128xf32, #tpu.memory_space<vmem>>, %arg7: memref<1x128xf32, #tpu.memory_space<vmem>>, %arg8: memref<400x128xf32, #tpu.memory_space<vmem>>) attributes {dimension_semantics = [#tpu.dimension_semantics<arbitrary>], iteration_bounds = array<i64: 25>, scalar_prefetch = 0 : i64, scratch_operands = 0 : i64, tpu.core_type = #tpu.core_type<tc>, window_params = [{pipeline_mode = #tpu.pipeline_mode<synchronous>, transform_indices = @transform_0, window_bounds = array<i64: 1, 128>}, {transform_indices = @transform_1, window_bounds = array<i64: 400, 128>}, {transform_indices = @transform_2, window_bounds = array<i64: 2, 400, 128>}, {pipeline_mode = #tpu.pipeline_mode<synchronous>, transform_indices = @transform_3, window_bounds = array<i64: 128, 128>}, {pipeline_mode = #tpu.pipeline_mode<synchronous>, transform_indices = @transform_4, window_bounds = array<i64: 1, 128>}, {pipeline_mode = #tpu.pipeline_mode<synchronous>, transform_indices = @transform_5, window_bounds = array<i64: 128, 128>}, {pipeline_mode = #tpu.pipeline_mode<synchronous>, transform_indices = @transform_6, window_bounds = array<i64: 1, 128>}, {transform_indices = @transform_7, window_bounds = array<i64: 400, 128>}]} {
    %get3A = arith.constant 0 : index
    %get3A_0 = arith.constant 0 : index
    %get3A_1 = vector.load %arg2[%get3A, %get3A_0] : memref<400x128xf32, #tpu.memory_space<vmem>>, vector<400x128xf32>
    %get3A_2 = arith.constant 0 : index
    %get3A_3 = arith.constant 0 : index
    %get3A_4 = vector.load %arg1[%get3A_2, %get3A_3] : memref<1x128xf32, #tpu.memory_space<vmem>>, vector<1x128xf32>
    %mul3A = vector.broadcast %get3A_4 : vector<1x128xf32> to vector<400x128xf32>
    %mul3A_5 = arith.mulf %get3A_1, %mul3A : vector<400x128xf32>
    %get3A_6 = arith.constant 0 : index
    %get3A_7 = arith.constant 0 : index
    %get3A_8 = arith.constant 0 : index
    %get3A_9 = vector.load %arg3[%get3A_6, %get3A_7, %get3A_8] : memref<2x400x128xf32, #tpu.memory_space<vmem>>, vector<1x400x128xf32>
    %get3A_10 = vector.shape_cast %get3A_9 : vector<1x400x128xf32> to vector<400x128xf32>
    %add3A = arith.addf %mul3A_5, %get3A_10 : vector<400x128xf32>
    %get3A_11 = arith.constant 1 : index
    %get3A_12 = arith.constant 0 : index
    %get3A_13 = arith.constant 0 : index
    %get3A_14 = vector.load %arg3[%get3A_11, %get3A_12, %get3A_13] : memref<2x400x128xf32, #tpu.memory_space<vmem>>, vector<1x400x128xf32>
    %get3A_15 = vector.shape_cast %get3A_14 : vector<1x400x128xf32> to vector<400x128xf32>
    %add3A_16 = arith.addf %add3A, %get3A_15 : vector<400x128xf32>
    %get3A_17 = arith.constant 0 : index
    %get3A_18 = arith.constant 0 : index
    %get3A_19 = vector.load %arg4[%get3A_17, %get3A_18] : memref<128x128xf32, #tpu.memory_space<vmem>>, vector<128x128xf32>
    %dot_general3A = arith.constant dense<0.000000e+00> : vector<400x128xf32>
    %dot_general3A_20 = tpu.matmul %add3A_16, %get3A_19, %dot_general3A {dimension_numbers = #tpu.dot_dimension_numbers<[1], [0], [0], [1], [0, 0, 1, 1], [], []>, transpose_lhs_hint = false} : vector<400x128xf32>, vector<128x128xf32>, vector<400x128xf32> -> vector<400x128xf32>
    %get3A_21 = arith.constant 0 : index
    %get3A_22 = arith.constant 0 : index
    %get3A_23 = vector.load %arg5[%get3A_21, %get3A_22] : memref<1x128xf32, #tpu.memory_space<vmem>>, vector<1x128xf32>
    %add3A_24 = vector.broadcast %get3A_23 : vector<1x128xf32> to vector<400x128xf32>
    %add3A_25 = arith.addf %dot_general3A_20, %add3A_24 : vector<400x128xf32>
    %max3A = arith.constant 0.000000e+00 : f32
    %max3A_26 = vector.broadcast %max3A : f32 to vector<400x128xf32>
    %max3A_27 = arith.maximumf %add3A_25, %max3A_26 : vector<400x128xf32>
    %get3A_28 = arith.constant 0 : index
    %get3A_29 = arith.constant 0 : index
    %get3A_30 = vector.load %arg6[%get3A_28, %get3A_29] : memref<128x128xf32, #tpu.memory_space<vmem>>, vector<128x128xf32>
    %dot_general3A_31 = arith.constant dense<0.000000e+00> : vector<400x128xf32>
    %dot_general3A_32 = tpu.matmul %max3A_27, %get3A_30, %dot_general3A_31 {dimension_numbers = #tpu.dot_dimension_numbers<[1], [0], [0], [1], [0, 0, 1, 1], [], []>, transpose_lhs_hint = false} : vector<400x128xf32>, vector<128x128xf32>, vector<400x128xf32> -> vector<400x128xf32>
    %get3A_33 = arith.constant 0 : index
    %get3A_34 = arith.constant 0 : index
    %get3A_35 = vector.load %arg7[%get3A_33, %get3A_34] : memref<1x128xf32, #tpu.memory_space<vmem>>, vector<1x128xf32>
    %add3A_36 = vector.broadcast %get3A_35 : vector<1x128xf32> to vector<400x128xf32>
    %add3A_37 = arith.addf %dot_general3A_32, %add3A_36 : vector<400x128xf32>
    %max3A_38 = arith.constant 0.000000e+00 : f32
    %max3A_39 = vector.broadcast %max3A_38 : f32 to vector<400x128xf32>
    %max3A_40 = arith.maximumf %add3A_37, %max3A_39 : vector<400x128xf32>
    %swap3A = arith.constant 0 : index
    %swap3A_41 = arith.constant 0 : index
    %swap3A_42 = vector.load %arg8[%swap3A, %swap3A_41] : memref<400x128xf32, #tpu.memory_space<vmem>>, vector<400x128xf32>
    tpu.vector_store %arg8[%swap3A, %swap3A_41], %max3A_40 {strides = array<i32>} : memref<400x128xf32, #tpu.memory_space<vmem>>, vector<400x128xf32>,
    return
  }
  func.func @transform_0(%arg0: i32) -> (i32, i32) {
    %c0_i32 = arith.constant 0 : i32
    %c0_i32_0 = arith.constant 0 : i32
    %c0_i32_1 = arith.constant 0 : i32
    return %c0_i32, %c0_i32_0 : i32, i32
  }
  func.func @transform_1(%arg0: i32) -> (i32, i32) {
    %c0_i32 = arith.constant 0 : i32
    %c0_i32_0 = arith.constant 0 : i32
    return %arg0, %c0_i32 : i32, i32
  }
  func.func @transform_2(%arg0: i32) -> (i32, i32, i32) {
    %c0_i32 = arith.constant 0 : i32
    %c0_i32_0 = arith.constant 0 : i32
    %c0_i32_1 = arith.constant 0 : i32
    return %c0_i32, %arg0, %c0_i32_0 : i32, i32, i32
  }
  func.func @transform_3(%arg0: i32) -> (i32, i32) {
    %c0_i32 = arith.constant 0 : i32
    %c0_i32_0 = arith.constant 0 : i32
    %c0_i32_1 = arith.constant 0 : i32
    return %c0_i32, %c0_i32_0 : i32, i32
  }
  func.func @transform_4(%arg0: i32) -> (i32, i32) {
    %c0_i32 = arith.constant 0 : i32
    %c0_i32_0 = arith.constant 0 : i32
    %c0_i32_1 = arith.constant 0 : i32
    return %c0_i32, %c0_i32_0 : i32, i32
  }
  func.func @transform_5(%arg0: i32) -> (i32, i32) {
    %c0_i32 = arith.constant 0 : i32
    %c0_i32_0 = arith.constant 0 : i32
    %c0_i32_1 = arith.constant 0 : i32
    return %c0_i32, %c0_i32_0 : i32, i32
  }
  func.func @transform_6(%arg0: i32) -> (i32, i32) {
    %c0_i32 = arith.constant 0 : i32
    %c0_i32_0 = arith.constant 0 : i32
    %c0_i32_1 = arith.constant 0 : i32
    return %c0_i32, %c0_i32_0 : i32, i32
  }
  func.func @transform_7(%arg0: i32) -> (i32, i32) {
    %c0_i32 = arith.constant 0 : i32
    %c0_i32_0 = arith.constant 0 : i32
    return %arg0, %c0_i32 : i32, i32
  }
}

module attributes {stable_mosaic.version = 14 : i64} {
  func.func @_head_body(%arg0: i32, %arg1: memref<400x128xf32, #tpu.memory_space<vmem>>, %arg2: memref<400x64xf32, #tpu.memory_space<vmem>>, %arg3: memref<128x128xf32, #tpu.memory_space<vmem>>, %arg4: memref<1x128xf32, #tpu.memory_space<vmem>>, %arg5: memref<128x64xf32, #tpu.memory_space<vmem>>, %arg6: memref<1x64xf32, #tpu.memory_space<vmem>>, %arg7: memref<64x64xf32, #tpu.memory_space<vmem>>, %arg8: memref<64x128xf32, #tpu.memory_space<vmem>>) attributes {dimension_semantics = [#tpu.dimension_semantics<arbitrary>], iteration_bounds = array<i64: 25>, scalar_prefetch = 0 : i64, scratch_operands = 1 : i64, tpu.core_type = #tpu.core_type<tc>, window_params = [{transform_indices = @transform_0, window_bounds = array<i64: 400, 128>}, {transform_indices = @transform_1, window_bounds = array<i64: 400, 64>}, {pipeline_mode = #tpu.pipeline_mode<synchronous>, transform_indices = @transform_2, window_bounds = array<i64: 128, 128>}, {pipeline_mode = #tpu.pipeline_mode<synchronous>, transform_indices = @transform_3, window_bounds = array<i64: 1, 128>}, {pipeline_mode = #tpu.pipeline_mode<synchronous>, transform_indices = @transform_4, window_bounds = array<i64: 128, 64>}, {pipeline_mode = #tpu.pipeline_mode<synchronous>, transform_indices = @transform_5, window_bounds = array<i64: 1, 64>}, {pipeline_mode = #tpu.pipeline_mode<synchronous>, transform_indices = @transform_6, window_bounds = array<i64: 64, 64>}]} {
    %eq3A = arith.constant 0 : i32
    %eq3A_0 = arith.cmpi eq, %arg0, %eq3A : i32
    %convert_element_type3A = arith.extui %eq3A_0 : i1 to i32
    %cond3A = arith.constant 0 : i32
    %cond3A_1 = arith.cmpi ne, %convert_element_type3A, %cond3A : i32
    scf.if %cond3A_1 {
      %broadcast_in_dim3A = arith.constant 0.000000e+00 : f32
      %broadcast_in_dim3A_18 = vector.broadcast %broadcast_in_dim3A : f32 to vector<64x128xf32>
      %swap3A_19 = arith.constant 0 : index
      %swap3A_20 = arith.constant 0 : index
      %swap3A_21 = vector.load %arg8[%swap3A_19, %swap3A_20] : memref<64x128xf32, #tpu.memory_space<vmem>>, vector<64x128xf32>
      tpu.vector_store %arg8[%swap3A_19, %swap3A_20], %broadcast_in_dim3A_18 {strides = array<i32>} : memref<64x128xf32, #tpu.memory_space<vmem>>, vector<64x128xf32>,
    } else {
    }
    %get3A = arith.constant 0 : index
    %get3A_2 = arith.constant 0 : index
    %get3A_3 = vector.load %arg8[%get3A, %get3A_2] : memref<64x128xf32, #tpu.memory_space<vmem>>, vector<64x128xf32>
    %get3A_4 = arith.constant 0 : index
    %get3A_5 = arith.constant 0 : index
    %get3A_6 = vector.load %arg2[%get3A_4, %get3A_5] : memref<400x64xf32, #tpu.memory_space<vmem>>, vector<400x64xf32>
    %get3A_7 = arith.constant 0 : index
    %get3A_8 = arith.constant 0 : index
    %get3A_9 = vector.load %arg1[%get3A_7, %get3A_8] : memref<400x128xf32, #tpu.memory_space<vmem>>, vector<400x128xf32>
    %dot_general3A = arith.constant dense<0.000000e+00> : vector<64x128xf32>
    %dot_general3A_10 = tpu.matmul %get3A_6, %get3A_9, %dot_general3A {dimension_numbers = #tpu.dot_dimension_numbers<[0], [0], [1], [1], [0, 1, 1, 1], [], []>, transpose_lhs_hint = false} : vector<400x64xf32>, vector<400x128xf32>, vector<64x128xf32> -> vector<64x128xf32>
    %add3A = arith.addf %get3A_3, %dot_general3A_10 : vector<64x128xf32>
    %swap3A = arith.constant 0 : index
    %swap3A_11 = arith.constant 0 : index
    %swap3A_12 = vector.load %arg8[%swap3A, %swap3A_11] : memref<64x128xf32, #tpu.memory_space<vmem>>, vector<64x128xf32>
    tpu.vector_store %arg8[%swap3A, %swap3A_11], %add3A {strides = array<i32>} : memref<64x128xf32, #tpu.memory_space<vmem>>, vector<64x128xf32>,
    %eq3A_13 = arith.constant 24 : i32
    %eq3A_14 = arith.cmpi eq, %arg0, %eq3A_13 : i32
    %convert_element_type3A_15 = arith.extui %eq3A_14 : i1 to i32
    %cond3A_16 = arith.constant 0 : i32
    %cond3A_17 = arith.cmpi ne, %convert_element_type3A_15, %cond3A_16 : i32
    scf.if %cond3A_17 {
      %get3A_18 = arith.constant 0 : index
      %get3A_19 = arith.constant 0 : index
      %get3A_20 = vector.load %arg8[%get3A_18, %get3A_19] : memref<64x128xf32, #tpu.memory_space<vmem>>, vector<64x128xf32>
      %get3A_21 = arith.constant 0 : index
      %get3A_22 = arith.constant 0 : index
      %get3A_23 = vector.load %arg3[%get3A_21, %get3A_22] : memref<128x128xf32, #tpu.memory_space<vmem>>, vector<128x128xf32>
      %dot_general3A_24 = arith.constant dense<0.000000e+00> : vector<64x128xf32>
      %dot_general3A_25 = tpu.matmul %get3A_20, %get3A_23, %dot_general3A_24 {dimension_numbers = #tpu.dot_dimension_numbers<[1], [0], [0], [1], [0, 0, 1, 1], [], []>, transpose_lhs_hint = false} : vector<64x128xf32>, vector<128x128xf32>, vector<64x128xf32> -> vector<64x128xf32>
      %get3A_26 = arith.constant 0 : index
      %get3A_27 = arith.constant 0 : index
      %get3A_28 = vector.load %arg4[%get3A_26, %get3A_27] : memref<1x128xf32, #tpu.memory_space<vmem>>, vector<1x128xf32>
      %add3A_29 = vector.broadcast %get3A_28 : vector<1x128xf32> to vector<64x128xf32>
      %add3A_30 = arith.addf %dot_general3A_25, %add3A_29 : vector<64x128xf32>
      %max3A = arith.constant 0.000000e+00 : f32
      %max3A_31 = vector.broadcast %max3A : f32 to vector<64x128xf32>
      %max3A_32 = arith.maximumf %add3A_30, %max3A_31 : vector<64x128xf32>
      %get3A_33 = arith.constant 0 : index
      %get3A_34 = arith.constant 0 : index
      %get3A_35 = vector.load %arg5[%get3A_33, %get3A_34] : memref<128x64xf32, #tpu.memory_space<vmem>>, vector<128x64xf32>
      %dot_general3A_36 = arith.constant dense<0.000000e+00> : vector<64x64xf32>
      %dot_general3A_37 = tpu.matmul %max3A_32, %get3A_35, %dot_general3A_36 {dimension_numbers = #tpu.dot_dimension_numbers<[1], [0], [0], [1], [0, 0, 1, 1], [], []>, transpose_lhs_hint = false} : vector<64x128xf32>, vector<128x64xf32>, vector<64x64xf32> -> vector<64x64xf32>
      %get3A_38 = arith.constant 0 : index
      %get3A_39 = arith.constant 0 : index
      %get3A_40 = vector.load %arg6[%get3A_38, %get3A_39] : memref<1x64xf32, #tpu.memory_space<vmem>>, vector<1x64xf32>
      %add3A_41 = vector.broadcast %get3A_40 : vector<1x64xf32> to vector<64x64xf32>
      %add3A_42 = arith.addf %dot_general3A_37, %add3A_41 : vector<64x64xf32>
      %swap3A_43 = arith.constant 0 : index
      %swap3A_44 = arith.constant 0 : index
      %swap3A_45 = vector.load %arg7[%swap3A_43, %swap3A_44] : memref<64x64xf32, #tpu.memory_space<vmem>>, vector<64x64xf32>
      tpu.vector_store %arg7[%swap3A_43, %swap3A_44], %add3A_42 {strides = array<i32>} : memref<64x64xf32, #tpu.memory_space<vmem>>, vector<64x64xf32>,
    } else {
    }
    return
  }
  func.func @transform_0(%arg0: i32) -> (i32, i32) {
    %c0_i32 = arith.constant 0 : i32
    %c0_i32_0 = arith.constant 0 : i32
    return %arg0, %c0_i32 : i32, i32
  }
  func.func @transform_1(%arg0: i32) -> (i32, i32) {
    %c0_i32 = arith.constant 0 : i32
    %c0_i32_0 = arith.constant 0 : i32
    return %arg0, %c0_i32 : i32, i32
  }
  func.func @transform_2(%arg0: i32) -> (i32, i32) {
    %c0_i32 = arith.constant 0 : i32
    %c0_i32_0 = arith.constant 0 : i32
    %c0_i32_1 = arith.constant 0 : i32
    return %c0_i32, %c0_i32_0 : i32, i32
  }
  func.func @transform_3(%arg0: i32) -> (i32, i32) {
    %c0_i32 = arith.constant 0 : i32
    %c0_i32_0 = arith.constant 0 : i32
    %c0_i32_1 = arith.constant 0 : i32
    return %c0_i32, %c0_i32_0 : i32, i32
  }
  func.func @transform_4(%arg0: i32) -> (i32, i32) {
    %c0_i32 = arith.constant 0 : i32
    %c0_i32_0 = arith.constant 0 : i32
    %c0_i32_1 = arith.constant 0 : i32
    return %c0_i32, %c0_i32_0 : i32, i32
  }
  func.func @transform_5(%arg0: i32) -> (i32, i32) {
    %c0_i32 = arith.constant 0 : i32
    %c0_i32_0 = arith.constant 0 : i32
    %c0_i32_1 = arith.constant 0 : i32
    return %c0_i32, %c0_i32_0 : i32, i32
  }
  func.func @transform_6(%arg0: i32) -> (i32, i32) {
    %c0_i32 = arith.constant 0 : i32
    %c0_i32_0 = arith.constant 0 : i32
    %c0_i32_1 = arith.constant 0 : i32
    return %c0_i32, %c0_i32_0 : i32, i32
  }
}

</mosaic_0001>

<sc_bundles>
// kernel: kernel.12.cloned.1.call-start
scs
__scs_entry_jumppad:
0x0: {  	(pc) =	sbr.rel $0x88, $3  }
0x1: {  	(tag) =	ssettag $0x0;
	lr =	simm.s32 $0x1  }
0x2: {  	[smem:$0x3F91] =	sst lr;
	_ =	strace $0xD0000000  }
0x3: {  	_ = 	snop  }
0x4: {  	_ = 	snop  }
0x5: {  	_ = 	snop  }
0x6: {  	_ = 	snop  }
0x7: {  	_ = 	snop  }
__scs_overlays_trampoline_lowered:
0x8: {  	[smem:$0x3FA0] =	sst s0  }
0x9: {  	[smem:$0x3FA1] =	sst s1  }
0xa: {  	[smem:$0x3FA2] =	sst s2  }
0xb: {  	[smem:$0x3FA3] =	sst s3  }
0xc: {  	[smem:$0x3FA4] =	sst s4  }
0xd: {  	[smem:$0x3FA5] =	sst s5  }
0xe: {  	[smem:$0x3FA6] =	sst s6  }
0xf: {  	[smem:$0x3FA7] =	sst s7  }
0x10: {  	[smem:$0x3FA8] =	sst s8  }
0x11: {  	[smem:$0x3FA9] =	sst s9;
	s0 =	simm.s32 @!p0 $0x0  }
0x12: {  	s1 =	sld [smem:$0x3F8F];
	s0 =	simm.s32 @p0 $0x1  }
0x13: {  	[smem:$0x3FAA] =	sst s0;
	s0 =	simm.s32 @!p1 $0x0  }
0x14: {  	s2 =	sld [smem:$0x3F8E];
	s0 =	simm.s32 @p1 $0x1  }
0x15: {  	[smem:$0x3FAB] =	sst s0;
	s0 =	simm.s32 @!p2 $0x0  }
0x16: {  	s3 =	sld [smem:$0x3FDB];
	s0 =	simm.s32 @p2 $0x1  }
0x17: {  	s4 =	simm.s32 $0x1BF5;
	[smem:$0x3FAD] =	sst s0  }
0x18: {  	s0 =	sld [smem:$0x3F90];
	_ =	swait.ge [sflag:s4], $0x0  }
0x19: {  	s7 =	sld [smem:$0x3F91]  }
0x1a: {  	s8 =	sadd.s32 $0xFFFFE003, lr  }
0x1b: {  	s9 =	sadd.s32 $0xFFFFFEF7, lr;
	s5 =	simm.s32 $0xFFFFFFFF;
	p2 =	slt.u32 s8, $0xFFFFF086  }
0x1c: {  	p1 =	slt.u32 s9, $0xF7A;
	s5 =	simm.s32 @!p2 $0x0  }
0x1d: {  	s5 =	simm.s32 @p1 $0x1;
	p0 =	seq.s32 s7, s2  }
0x1e: {  	s7 =	smul.u32 @!p0 $0xF7A, s2;
	p2 =	seq.s32 @!p0 s5, $0x0  }
0x1f: {  	s9 =	smul.u32 $0xF7A, s1;
	s8 =	simm.s32 @!p0 $0x1BF5;
	p2 =	por !p2, p0  }
0x20: {  	[sflag:s8] =	ssyncset.s32 @!p0 $0xFFFFF086;
	s6 =	sadd.s32 @!p0 s3, s7;
	s7 =	simm.s32 @!p0 $0x108  }
0x21: {  	s3 =	sadd.s32 s3, s9;
	s6 =	sadd.s32 @!p0 $0x88, s6;
	s7 =	simm.s32 @p2 $0x1082  }
0x22: {  	[simem:s7], [sflag:s8] =	dma.local @!p0 [hbm:s6], $0xF7A  }
0x23: {  	s9 =	sor.u32 $0xD0000000, s2;
	s6 =	simm.s32 $0x108;
	_ =	swait.ge @!p0 [sflag:s8], $0x0  }
0x24: {  	s3 =	sadd.s32 $0x88, s3;
	s6 =	simm.s32 @!p1 $0x1082;
	[sflag:s4] =	ssyncset.s32 $0xFFFFF086  }
0x25: {  	[simem:s6], [sflag:s4] =	dma.local [hbm:s3], $0xF7A  }
0x26: {  	[smem:$0x3F91] =	sst s1;
	(tag) =	ssettag s2;
	_ =	strace s9  }
0x27: {  	s1 =	sld [smem:$0x3FA1]  }
0x28: {  	s2 =	sld [smem:$0x3FA2]  }
0x29: {  	s4 =	sld [smem:$0x3FA4]  }
0x2a: {  	p0 =	seq.s32 s5, $0x0;
	s5 =	sld [smem:$0x3FA5]  }
0x2b: {  	s6 =	sld [smem:$0x3FA6]  }
0x2c: {  	s7 =	sld [smem:$0x3FA7]  }
0x2d: {  	s3 =	simm.s32 $0x108;
	s8 =	sld [smem:$0x3FA8]  }
0x2e: {  	s3 =	simm.s32 @!p0 $0x1082;
	s9 =	sld [smem:$0x3FA9]  }
0x2f: {  	lr =	sadd.s32 s0, s3;
	s0 =	sld [smem:$0x3FA0]  }
0x30: {  	s3 =	sld [smem:$0x3FA3]  }
0x31: {  	[smem:$0x3FAC] =	sst s10  }
0x32: {  	s10 =	sld [smem:$0x3FAA];
	_ =	sdelay $0x3  }
0x33: {  	p0 =	seq.s32 s10, $0x1;
	s10 =	sld [smem:$0x3FAC];
	_ =	sdelay $0x3  }
0x34: {  	[smem:$0x3FAC] =	sst s10  }
0x35: {  	s10 =	sld [smem:$0x3FAB];
	_ =	sdelay $0x3  }
0x36: {  	p1 =	seq.s32 s10, $0x1;
	s10 =	sld [smem:$0x3FAC];
	_ =	sdelay $0x3  }
0x37: {  	[smem:$0x3FAC] =	sst s10  }
0x38: {  	s10 =	sld [smem:$0x3FAD]  }
0x39: {  	_ = 	snop;
	(pc) =	sbr.ind lr, $3  }
0x3a: {  	_ = 	snop  }
0x3b: {  	_ = 	snop  }
0x3c: {  	p2 =	seq.s32 s10, $0x1;
	s10 =	sld [smem:$0x3FAC]  }
0x3d: {  	_ =	shalt  }
0x3e: {  	_ =	shalt  }
0x3f: {  	_ =	shalt  }
0x40: {  	_ =	shalt  }
0x41: {  	_ =	shalt  }
0x42: {  	_ =	shalt  }
0x43: {  	_ =	shalt  }
0x44: {  	_ =	shalt  }
0x45: {  	_ =	shalt  }
0x46: {  	_ =	shalt  }
0x47: {  	_ =	shalt  }
0x48: {  	_ =	shalt  }
0x49: {  	_ =	shalt  }
0x4a: {  	_ =	shalt  }
0x4b: {  	_ =	shalt  }
0x4c: {  	_ =	shalt  }
0x4d: {  	_ =	shalt  }
0x4e: {  	_ =	shalt  }
0x4f: {  	_ =	shalt  }
0x50: {  	_ =	shalt  }
0x51: {  	_ =	shalt  }
0x52: {  	_ =	shalt  }
0x53: {  	_ =	shalt  }
0x54: {  	_ =	shalt  }
0x55: {  	_ =	shalt  }
0x56: {  	_ =	shalt  }
0x57: {  	_ =	shalt  }
0x58: {  	_ =	shalt  }
0x59: {  	_ =	shalt  }
0x5a: {  	_ =	shalt  }
0x5b: {  	_ =	shalt  }
0x5c: {  	_ =	shalt  }
0x5d: {  	_ =	shalt  }
0x5e: {  	_ =	shalt  }
0x5f: {  	_ =	shalt  }
0x60: {  	_ =	shalt  }
0x61: {  	_ =	shalt  }
0x62: {  	_ =	shalt  }
0x63: {  	_ =	shalt  }
0x64: {  	_ =	shalt  }
0x65: {  	_ =	shalt  }
0x66: {  	_ =	shalt  }
0x67: {  	_ =	shalt  }
0x68: {  	_ =	shalt  }
0x69: {  	_ =	shalt  }
0x6a: {  	_ =	shalt  }
0x6b: {  	_ =	shalt  }
0x6c: {  	_ =	shalt  }
0x6d: {  	_ =	shalt  }
0x6e: {  	_ =	shalt  }
0x6f: {  	_ =	shalt  }
0x70: {  	_ =	shalt  }
0x71: {  	_ =	shalt  }
0x72: {  	_ =	shalt  }
0x73: {  	_ =	shalt  }
0x74: {  	_ =	shalt  }
0x75: {  	_ =	shalt  }
0x76: {  	_ =	shalt  }
0x77: {  	_ =	shalt  }
0x78: {  	_ =	shalt  }
0x79: {  	_ =	shalt  }
0x7a: {  	_ =	shalt  }
0x7b: {  	_ =	shalt  }
0x7c: {  	_ =	shalt  }
0x7d: {  	_ =	shalt  }
0x7e: {  	_ =	shalt  }
0x7f: {  	_ =	shalt  }
0x80: {  	_ =	shalt  }
0x81: {  	_ =	shalt  }
0x82: {  	_ =	shalt  }
0x83: {  	_ =	shalt  }
0x84: {  	_ =	shalt  }
0x85: {  	_ =	shalt  }
0x86: {  	_ =	shalt  }
0x87: {  	_ =	shalt  }
.Lfunc_end0:
.L_simem_size_0:
called_computation.1_lowered:
.L_overlay_start_0:
0x88: {  	s2 =	sld [smem:$0x3FD9]  }
0x89: {  	s3 =	sld [smem:$0x3FFE];
	_ =	sdelay $0x1  }
0x8a: {  	s1 =	srdreg.scid  }
0x8b: {  	s0 =	sand.u32 $0x1, s1  }
0x8c: {  	s16 =	sshll.u32 s0, $0xA;
	s2 =	sadd.s32 s3, s2  }
0x8d: {  	s2 =	sadd.s32 s2, s16  }
0x8e: {  	[smem:$0x3FB8] =	sst s2  }
0x8f: {  	_ = 	snop  }
0x90: {  	(tm) =	ssettm $0x1  }
0x91: {  	s17 =	sld [smem:$0x3FFB];
	_ =	sdelay $0x3  }
0x92: {  	_ =	strace s17  }
0x93: {  	s2 =	sld [smem:$0x3FFC];
	_ =	sdelay $0x3  }
0x94: {  	_ =	strace s2  }
0x95: {  	s2 =	sld [smem:$0x3FFD];
	_ =	sdelay $0x3  }
0x96: {  	_ =	strace s2  }
0x97: {  	_ =	strace $0x8FFFFFFF  }
0x98: {  	s18 =	sld [smem:$0x3FDB];
	_ =	sdelay $0x1  }
0x99: {  	s19 =	simm.s32 $_scs_section_size  }
0x9a: {  	s4 =	simm.s32 $_size__tile_overlayer_lowered;
	s5 =	simm.s32 $_tile_overlayer_lowered  }
0x9b: {  	s22 =	simm.s32 $0x1BFF;
	s21 =	sshll.u32 s5, $0x1;
	s2 =	sadd.s32 s19, s18  }
0x9c: {  	s6 =	simm.s32 $0x0;
	s20 =	sshll.u32 s4, $0x1;
	s4 =	sadd.s32 s21, s2  }
0x9d: {  	[timem:s6], [sflag:s22] =	dma.local [hbm:s4], s20  }
0x9e: {  	_ =	swait.ge [sflag:s22], s20  }
0x9f: {  	s3 =	ssub.s32 $0x0, s20;
	[sflag:s22] =	ssyncset.done $0x0  }
0xa0: {  	[sflag:s22] =	ssyncadd.s32 s3;
	_ =	sdelay $0x1  }
0xa1: {  	s23 =	simm.s32 $0x1B8B  }
0xa2: {  	_ =	swait.ge [sflag:s23], $0x1  }
0xa3: {  	[sflag:s23] =	ssyncset.done $0x0  }
0xa4: {  	s25 =	simm.s32 $0x1B8E;
	s24 =	sld [smem:$0x3FFE];
	[sflag:s23] =	ssyncadd.s32 $0xFFFFFFFF  }
0xa5: {  	s26 =	simm.s32 $execute0_lowered;
	[smem:$0x3FD2] =	sst s25  }
0xa6: {  	s4 =	sshll.u32 s26, $0x1;
	_ =	strace $0x80000049;
	[dreg:$0x1] =	wrdreg $0xFFFFFFFF  }
0xa7: {  	s28 =	simm.s32 $_size_execute0_lowered;
	s2 =	sadd.s32 s2, s4;
	[dreg:$0x0] =	wrdreg $0x0  }
0xa8: {  	s4 =	sshll.u32 s28, $0x1;
	[dreg:$0x2] =	wrdreg s2  }
0xa9: {  	[dreg:$0x3] =	wrdreg s4  }
0xaa: {  	[dreg:$0x4] =	wrdreg $0xC0  }
0xab: {  	_ =	task [dreg:s6], $0x5FFFF  }
0xac: {  	[dreg:$0x1] =	wrdreg $0xFFFFFFFF  }
0xad: {  	[dreg:$0x0] =	wrdreg $0x60  }
0xae: {  	[dreg:$0x2] =	wrdreg s24  }
0xaf: {  	[dreg:$0x3] =	wrdreg $0xA8000  }
0xb0: {  	[dreg:$0x4] =	wrdreg $0x9  }
0xb1: {  	_ =	task.clear_ibuf [dreg:s6], $0x5FFFF;
	_ =	strace $0x90000049  }
0xb2: {  	s29 =	simm.s32 $0x9;
	_ =	strace $0x8000004B  }
0xb3: {  	_ =	swait.ge [sflag:s29], $0x1  }
0xb4: {  	[sflag:s29] =	ssyncadd.s32 $0xFFFFFFFF  }
0xb5: {  	_ =	strace $0x9000004B  }
0xb6: {  	_ =	sfence  }
0xb7: {  	s30 =	sld [smem:$0x0];
	_ =	sdelay $0x2  }
0xb8: {  	s31 =	sshll.u32 s1, $0xD;
	s1 =	sshrl.u32 s1, $0x2  }
0xb9: {  	s3 =	sand.u32 $0x4000, s31;
	s1 =	sadd.s32 s1, s30  }
0xba: {  	s0 =	sor.u32 s3, s0;
	s1 =	sshll.u32 s1, $0x11  }
0xbb: {  	s0 =	sor.u32 s1, s0  }
0xbc: {  	s0 =	sadd.s32 $0x8F2B, s0  }
0xbd: {  	[sflag:s0] =	ssyncadd.remote.s32 $0x1  }
0xbe: {  	_ =	sfence.sel $0xFFFF  }
0xbf: {  	[dreg:$0x0] =	wrdreg $0xFFFFFFFF;
	(pc) =	sbr.abs _section_cstart, $3  }
0xc0: {  	[dreg:$0x1] =	wrdreg $0xFFFFFFFF  }
0xc1: {  	_ =	task.clear_ibuf [dreg:s6], $0x2FFFF;
	_ =	strace $0x9FFFFFFF  }
0xc2: {  	(tm) =	ssettm $0x7FFFFFFF  }
0xc3: {  	_ =	shalt  }
tec
execute0_lowered:
.L_overlay_start_1:
0x0: {  	(tag) =	ssettag $0x1  }
0x1: {  	s6 =	rddreg [dreg:$0x0]  }
0x2: {  	s1 =	rddreg [dreg:$0x1];
	s2 =	srdreg.scid  }
0x3: {  	s0 =	rddreg [dreg:$0x2];
	s3 =	simm.s32 $0x0;
	s16 =	simm.s32 $0x1400  }
0x4: {  	s17 =	simm.s32 $0x80;
	s18 =	simm.s32 $0x2800;
	s19 =	simm.s32 $0x6800  }
0x5: {  	s20 =	simm.s32 $0x5;
	s21 =	simm.s32 $0x1;
	s22 =	simm.s32 $0x3  }
0x6: {  	s23 =	simm.s32 $0x2;
	s24 =	simm.s32 $0x4;
	s28 =	simm.s32 $0x0  }
0x7: {  	s7 =	sand.u32 $0x1, s2;
	s2 =	stileid.u32;
	[smem:$0x7FF] =	sst s3  }
0x8: {  	s4 =	sadd.s32 $0x1A800, s6;
	s10 =	sadd.s32 $0x4000, s6;
	s5 =	smul.u32 $0x13C000, s7  }
0x9: {  	s11 =	sadd.s32 $0xE000, s6;
	s8 =	smul.u32 $0x13C00, s2;
	_ =	strace $0x8000004A  }
0xa: {  	s9 =	sshll.u32 s2, $0x1;
	s12 =	ssub.s32 $0x2, s7;
	s25 =	smul.u32 $0x4F000, s2  }
0xb: {  	s7 =	sor.u32 s7, s9;
	s26 =	sshrl.u32 s12, $0x1;
	s8 =	sadd.s32 s8, s5  }
0xc: {  	s5 =	sadd.s32 $0x18000, s6;
	s29 =	smul.u32 $0x2800, s7;
	s14 =	ssub.s32 s12, s26  }
0xd: {  	s30 =	sshrl.u32 s25, $0x2;
	s25 =	simm.s32 $0x2700;
	s8 =	sshrl.u32 s8, $0x3  }
0xe: {  	s26 =	simm.s32 $0x2780;
	s13 =	sadd.s32 s8, s6;
	s6 =	sshll.u32 s2, $0x6  }
0xf: {  	s15 =	sadd.s32 s30, s1;
	s31 =	sshrl.u32 s29, $0x3;
	s7 =	sor.u32 $0x1C05, s6  }
0x10: {  	s8 =	sadd.s32 s10, s31;
	s9 =	sadd.s32 s11, s31;
	s12 =	sadd.s32 $0x280, s31  }
0x11: {  	s10 =	sadd.s32 s10, s12;
	s11 =	sadd.s32 s11, s12;
	s12 =	sadd.s32 $0x69C00, s13  }
0x12: {  	s13 =	smax.u32 s14, $0x1;
	s14 =	sshrl.u32 s15, $0x3;
	s15 =	simm.s32 $0x6  }
.LBB2_1:
0x13: {  	[spmem:s14], [sflag:s7] =	dma.local [hbm:s5], $0x2780  }
0x14: {  	[tilespmem:s3], [sflag:$0x6] =	stream.linear.gather [hbm4b:s8+s3], $0x1400, $0x38;
	[tilespmem:$0x1E400] =	vst v63  }
0x15: {  	_ =	swait.ge [sflag:s15], $0x1400  }
0x16: {  	[sflag:s15] =	ssyncset.done $0x0  }
0x17: {  	[sflag:s15] =	ssyncadd.s32 $0xFFFFEC00  }
0x18: {  	[tilespmem:s16], [sflag:$0x6] =	stream.linear.gather [hbm4b:s9+s3], $0x1400, $0x38;
	[tilespmem:$0x1E400] =	vst v63  }
0x19: {  	_ =	swait.ge [sflag:s15], $0x1400  }
0x1a: {  	[sflag:s15] =	ssyncset.done $0x0  }
0x1b: {  	[sflag:s15] =	ssyncadd.s32 $0xFFFFEC00  }
0x1c: {  	[tilespmem:s18], [sflag:$0x1] =	stream.indirect.gather [hbm4b:s4+s17], $0x80, s3, s17, $0xb8;
	[tilespmem:$0x1E400] =	vst v63  }
0x1d: {  	_ = 	snop  }
0x1e: {  	[tilespmem:s19], [sflag:$0x2] =	stream.indirect.gather [hbm4b:s4+s17], $0x80, s17, s17, $0xb8;
	[tilespmem:$0x1E400] =	vst v63  }
0x1f: {  	_ =	swait.ge [sflag:s20], $0x2780  }
0x20: {  	[sflag:s20] =	ssyncset.done $0x0  }
0x21: {  	[sflag:s20] =	ssyncadd.s32 $0xFFFFD880  }
0x22: {  	[bflag:$0x0] =	sbarrier.arrive $0xFFFF  }
0x23: {  	_ =	swait.ge [sflag:s21], $0x4000  }
0x24: {  	[sflag:s21] =	ssyncset.done $0x0  }
0x25: {  	s29 =	simm.s32 $0x1400;
	[sflag:s21] =	ssyncadd.s32 $0xFFFFC000  }
0x26: {  	[spmem:s1] =	stream.indirect.scatter.add.f32 [tilespmem:s18], [sflag:$0x3], $0x80, s29, s17, $0xb8;
	[tilespmem:$0x1E400] =	vst v63  }
0x27: {  	_ =	swait.ge [sflag:s22], $0x4000  }
0x28: {  	[sflag:s22] =	ssyncset.done $0x0  }
0x29: {  	s29 =	simm.s32 $0x100;
	[sflag:s22] =	ssyncadd.s32 $0xFFFFC000  }
0x2a: {  	[tilespmem:s18], [sflag:$0x1] =	stream.indirect.gather [hbm4b:s4+s17], $0x80, s29, s17, $0xb8;
	[tilespmem:$0x1E400] =	vst v63  }
0x2b: {  	_ =	swait.ge [sflag:s23], $0x4000  }
0x2c: {  	[sflag:s23] =	ssyncset.done $0x0  }
0x2d: {  	s29 =	simm.s32 $0x1480;
	[sflag:s23] =	ssyncadd.s32 $0xFFFFC000  }
0x2e: {  	[spmem:s1] =	stream.indirect.scatter.add.f32 [tilespmem:s19], [sflag:$0x4], $0x80, s29, s17, $0xb8;
	[tilespmem:$0x1E400] =	vst v63  }
0x2f: {  	_ =	swait.ge [sflag:s24], $0x4000  }
0x30: {  	[sflag:s24] =	ssyncset.done $0x0  }
0x31: {  	s30 =	simm.s32 $0x180;
	s29 =	simm.s32 $0x400;
	[sflag:s24] =	ssyncadd.s32 $0xFFFFC000  }
.LBB2_2:
0x32: {  	[tilespmem:s19], [sflag:$0x2] =	stream.indirect.gather [hbm4b:s4+s17], $0x80, s30, s17, $0xb8;
	[tilespmem:$0x1E400] =	vst v63  }
0x33: {  	s30 =	smov.u32 s29  }
0x34: {  	p0 =	sne.s32 s29, $0x4800;
	s29 =	sadd.s32 $0x400, s29;
	_ =	swait.ge [sflag:s21], $0x4000  }
0x35: {  	s30 =	sshra.s32 s30, $0x2;
	[sflag:s21] =	ssyncset.done $0x0  }
0x36: {  	s31 =	sadd.s32 $0x1400, s30;
	[sflag:s21] =	ssyncadd.s32 $0xFFFFC000  }
0x37: {  	[spmem:s1] =	stream.indirect.scatter.add.f32 [tilespmem:s18], [sflag:$0x3], $0x80, s31, s17, $0xb8;
	[tilespmem:$0x1E400] =	vst v63  }
0x38: {  	_ =	swait.ge [sflag:s22], $0x4000  }
0x39: {  	[sflag:s22] =	ssyncset.done $0x0  }
0x3a: {  	s31 =	sadd.s32 $0x100, s30;
	[sflag:s22] =	ssyncadd.s32 $0xFFFFC000  }
0x3b: {  	[tilespmem:s18], [sflag:$0x1] =	stream.indirect.gather [hbm4b:s4+s17], $0x80, s31, s17, $0xb8;
	[tilespmem:$0x1E400] =	vst v63  }
0x3c: {  	_ =	swait.ge [sflag:s23], $0x4000  }
0x3d: {  	[sflag:s23] =	ssyncset.done $0x0  }
.Ltmp0:
0x3e: {  	s31 =	sadd.s32 $0x1480, s30;
	[sflag:s23] =	ssyncadd.s32 $0xFFFFC000;
	(pc) =	sbr.rel @p0 .LBB2_2-.Ltmp0, $4  }
0x3f: {  	[spmem:s1] =	stream.indirect.scatter.add.f32 [tilespmem:s19], [sflag:$0x4], $0x80, s31, s17, $0xb8;
	[tilespmem:$0x1E400] =	vst v63  }
0x40: {  	_ =	swait.ge [sflag:s24], $0x4000  }
0x41: {  	[sflag:s24] =	ssyncset.done $0x0  }
0x42: {  	s30 =	sadd.s32 $0x180, s30;
	[sflag:s24] =	ssyncadd.s32 $0xFFFFC000  }
0x43: {  	[tilespmem:s19], [sflag:$0x2] =	stream.indirect.gather [hbm4b:s4+s17], $0x80, s30, s17, $0xb8;
	[tilespmem:$0x1E400] =	vst v63  }
0x44: {  	_ =	swait.ge [sflag:s21], $0x4000  }
0x45: {  	[sflag:s21] =	ssyncset.done $0x0  }
0x46: {  	[sflag:s21] =	ssyncadd.s32 $0xFFFFC000  }
0x47: {  	[spmem:s1] =	stream.indirect.scatter.add.f32 [tilespmem:s18], [sflag:$0x3], $0x80, s25, s17, $0xb8;
	[tilespmem:$0x1E400] =	vst v63  }
0x48: {  	_ =	swait.ge [sflag:s22], $0x4000  }
0x49: {  	[sflag:s22] =	ssyncset.done $0x0  }
0x4a: {  	[sflag:s22] =	ssyncadd.s32 $0xFFFFC000  }
0x4b: {  	_ =	swait.ge [sflag:s23], $0x4000  }
0x4c: {  	[sflag:s23] =	ssyncset.done $0x0  }
0x4d: {  	[sflag:s23] =	ssyncadd.s32 $0xFFFFC000  }
0x4e: {  	[spmem:s1] =	stream.indirect.scatter.add.f32 [tilespmem:s19], [sflag:$0x4], $0x80, s26, s17, $0xb8;
	[tilespmem:$0x1E400] =	vst v63  }
0x4f: {  	_ =	swait.ge [sflag:s24], $0x4000  }
0x50: {  	[sflag:s24] =	ssyncset.done $0x0  }
0x51: {  	s29 =	simm.s32 $0x0;
	[sflag:s24] =	ssyncadd.s32 $0xFFFFC000  }
0x52: {  	[tilespmem:s29], [sflag:$0x6] =	stream.linear.gather [hbm4b:s10+s29], $0x1400, $0x38;
	[tilespmem:$0x1E400] =	vst v63  }
0x53: {  	_ =	swait.ge [sflag:s15], $0x1400  }
0x54: {  	[sflag:s15] =	ssyncset.done $0x0  }
0x55: {  	[sflag:s15] =	ssyncadd.s32 $0xFFFFEC00  }
0x56: {  	[tilespmem:s16], [sflag:$0x6] =	stream.linear.gather [hbm4b:s11+s29], $0x1400, $0x38;
	[tilespmem:$0x1E400] =	vst v63  }
0x57: {  	_ =	swait.ge [sflag:s15], $0x1400  }
0x58: {  	[sflag:s15] =	ssyncset.done $0x0  }
0x59: {  	[sflag:s15] =	ssyncadd.s32 $0xFFFFEC00  }
0x5a: {  	[tilespmem:s18], [sflag:$0x1] =	stream.indirect.gather [hbm4b:s4+s17], $0x80, s29, s17, $0xb8;
	[tilespmem:$0x1E400] =	vst v63  }
0x5b: {  	_ = 	snop  }
0x5c: {  	[tilespmem:s19], [sflag:$0x2] =	stream.indirect.gather [hbm4b:s4+s17], $0x80, s17, s17, $0xb8;
	[tilespmem:$0x1E400] =	vst v63  }
0x5d: {  	_ =	swait.ge [sflag:s21], $0x4000  }
0x5e: {  	[sflag:s21] =	ssyncset.done $0x0  }
0x5f: {  	s29 =	simm.s32 $0x1400;
	[sflag:s21] =	ssyncadd.s32 $0xFFFFC000  }
0x60: {  	[spmem:s1] =	stream.indirect.scatter.add.f32 [tilespmem:s18], [sflag:$0x3], $0x80, s29, s17, $0xb8;
	[tilespmem:$0x1E400] =	vst v63  }
0x61: {  	_ =	swait.ge [sflag:s22], $0x4000  }
0x62: {  	[sflag:s22] =	ssyncset.done $0x0  }
0x63: {  	s29 =	simm.s32 $0x100;
	[sflag:s22] =	ssyncadd.s32 $0xFFFFC000  }
0x64: {  	[tilespmem:s18], [sflag:$0x1] =	stream.indirect.gather [hbm4b:s4+s17], $0x80, s29, s17, $0xb8;
	[tilespmem:$0x1E400] =	vst v63  }
0x65: {  	_ =	swait.ge [sflag:s23], $0x4000  }
0x66: {  	[sflag:s23] =	ssyncset.done $0x0  }
0x67: {  	s29 =	simm.s32 $0x1480;
	[sflag:s23] =	ssyncadd.s32 $0xFFFFC000  }
0x68: {  	[spmem:s1] =	stream.indirect.scatter.add.f32 [tilespmem:s19], [sflag:$0x4], $0x80, s29, s17, $0xb8;
	[tilespmem:$0x1E400] =	vst v63  }
0x69: {  	_ =	swait.ge [sflag:s24], $0x4000  }
0x6a: {  	[sflag:s24] =	ssyncset.done $0x0  }
0x6b: {  	s30 =	simm.s32 $0x180;
	s29 =	simm.s32 $0x400;
	[sflag:s24] =	ssyncadd.s32 $0xFFFFC000  }
.LBB2_4:
0x6c: {  	[tilespmem:s19], [sflag:$0x2] =	stream.indirect.gather [hbm4b:s4+s17], $0x80, s30, s17, $0xb8;
	[tilespmem:$0x1E400] =	vst v63  }
0x6d: {  	s30 =	smov.u32 s29  }
0x6e: {  	p0 =	sne.s32 s29, $0x4800;
	s29 =	sadd.s32 $0x400, s29;
	_ =	swait.ge [sflag:s21], $0x4000  }
0x6f: {  	s30 =	sshra.s32 s30, $0x2;
	[sflag:s21] =	ssyncset.done $0x0  }
0x70: {  	s31 =	sadd.s32 $0x1400, s30;
	[sflag:s21] =	ssyncadd.s32 $0xFFFFC000  }
0x71: {  	[spmem:s1] =	stream.indirect.scatter.add.f32 [tilespmem:s18], [sflag:$0x3], $0x80, s31, s17, $0xb8;
	[tilespmem:$0x1E400] =	vst v63  }
0x72: {  	_ =	swait.ge [sflag:s22], $0x4000  }
0x73: {  	[sflag:s22] =	ssyncset.done $0x0  }
0x74: {  	s31 =	sadd.s32 $0x100, s30;
	[sflag:s22] =	ssyncadd.s32 $0xFFFFC000  }
0x75: {  	[tilespmem:s18], [sflag:$0x1] =	stream.indirect.gather [hbm4b:s4+s17], $0x80, s31, s17, $0xb8;
	[tilespmem:$0x1E400] =	vst v63  }
0x76: {  	_ =	swait.ge [sflag:s23], $0x4000  }
0x77: {  	[sflag:s23] =	ssyncset.done $0x0  }
.Ltmp1:
0x78: {  	s31 =	sadd.s32 $0x1480, s30;
	[sflag:s23] =	ssyncadd.s32 $0xFFFFC000;
	(pc) =	sbr.rel @p0 .LBB2_4-.Ltmp1, $4  }
0x79: {  	[spmem:s1] =	stream.indirect.scatter.add.f32 [tilespmem:s19], [sflag:$0x4], $0x80, s31, s17, $0xb8;
	[tilespmem:$0x1E400] =	vst v63  }
0x7a: {  	_ =	swait.ge [sflag:s24], $0x4000  }
0x7b: {  	[sflag:s24] =	ssyncset.done $0x0  }
0x7c: {  	s30 =	sadd.s32 $0x180, s30;
	[sflag:s24] =	ssyncadd.s32 $0xFFFFC000  }
0x7d: {  	[tilespmem:s19], [sflag:$0x2] =	stream.indirect.gather [hbm4b:s4+s17], $0x80, s30, s17, $0xb8;
	[tilespmem:$0x1E400] =	vst v63  }
0x7e: {  	_ =	swait.ge [sflag:s21], $0x4000  }
0x7f: {  	[sflag:s21] =	ssyncset.done $0x0  }
0x80: {  	[sflag:s21] =	ssyncadd.s32 $0xFFFFC000  }
0x81: {  	[spmem:s1] =	stream.indirect.scatter.add.f32 [tilespmem:s18], [sflag:$0x3], $0x80, s25, s17, $0xb8;
	[tilespmem:$0x1E400] =	vst v63  }
0x82: {  	_ =	swait.ge [sflag:s22], $0x4000  }
0x83: {  	[sflag:s22] =	ssyncset.done $0x0  }
0x84: {  	[sflag:s22] =	ssyncadd.s32 $0xFFFFC000  }
0x85: {  	_ =	swait.ge [sflag:s23], $0x4000  }
0x86: {  	[sflag:s23] =	ssyncset.done $0x0  }
0x87: {  	[sflag:s23] =	ssyncadd.s32 $0xFFFFC000  }
0x88: {  	[spmem:s1] =	stream.indirect.scatter.add.f32 [tilespmem:s19], [sflag:$0x4], $0x80, s26, s17, $0xb8;
	[tilespmem:$0x1E400] =	vst v63  }
0x89: {  	_ =	swait.ge [sflag:s24], $0x4000  }
0x8a: {  	s28 =	sadd.s32 $0x1, s28;
	[sflag:s24] =	ssyncset.done $0x0  }
0x8b: {  	p0 =	sne.s32 s28, s13;
	[sflag:s24] =	ssyncadd.s32 $0xFFFFC000  }
.Ltmp2:
0x8c: {  	s29 =	sor.u32 $0x1C06, s6;
	[bflag:$0x0] =	sbarrier.arrive $0xFFFF;
	(pc) =	sbr.rel @p0 .LBB2_1-.Ltmp2, $4  }
0x8d: {  	[hbm:s12], [sflag:s29] =	dma.local [spmem:s14], $0x2780  }
0x8e: {  	_ =	swait.ge [sflag:s15], $0x2780  }
0x8f: {  	[sflag:s15] =	ssyncset.done $0x0  }
0x90: {  	[sflag:s15] =	ssyncadd.s32 $0xFFFFD880  }
0x91: {  	_ =	sfence.sel $0x180000  }
0x92: {  	[bflag:$0x0] =	sbarrier.arrive $0xFFFF  }
0x93: {  	p0 =	sne.s32 s2, $0x0;
	_ =	strace $0x9000004A  }
0x94: {  	s0 =	sadd.s32 @!p0 $0x100000, s0;
	[bflag:$0x2] =	sbarrier.arrive $0xFFFF  }
0x95: {  	[sflag:s0] =	ssyncadd.tile.s32 @!p0 $0x1;
	_ =	shalt  }
.Lfunc_end2:
_tile_overlayer_lowered:
.L_overlay_start_2:
0x96: {  	(tag) =	ssettag $0x2  }
0x97: {  	s0 =	rddreg [dreg:$0x0];
	s2 =	stileid.u32  }
0x98: {  	s1 =	rddreg [dreg:$0x1];
	p0 =	sne.s32 s2, $0x0  }
0x99: {  	s3 =	rddreg [dreg:$0x2];
	[bflag:$0x3] =	sbarrier.arrive $0xFFFF;
	s2 =	simm.s32 @!p0 $0x1C06  }
0x9a: {  	[timem:s3], [sflag:s2] =	dma.local @!p0 [hbm:s0], s1  }
0x9b: {  	s0 =	simm.s32 @!p0 $0x6  }
0x9c: {  	_ =	swait.ge @!p0 [sflag:s0], s1  }
0x9d: {  	s1 =	ssub.s32 @!p0 $0x0, s1;
	[sflag:s0] =	ssyncset.done @!p0 $0x0  }
0x9e: {  	[sflag:s0] =	ssyncadd.s32 @!p0 s1  }
0x9f: {  	[bflag:$0x3] =	sbarrier.arrive $0xFFFF  }
0xa0: {  	_ =	shalt  }

// kernel: kernel.15.cloned.1.call-start
scs
__scs_entry_jumppad:
0x0: {  	(pc) =	sbr.rel $0x88, $3  }
0x1: {  	(tag) =	ssettag $0x0;
	lr =	simm.s32 $0x1  }
0x2: {  	[smem:$0x3F91] =	sst lr;
	_ =	strace $0xD0000000  }
0x3: {  	_ = 	snop  }
0x4: {  	_ = 	snop  }
0x5: {  	_ = 	snop  }
0x6: {  	_ = 	snop  }
0x7: {  	_ = 	snop  }
__scs_overlays_trampoline_lowered:
0x8: {  	[smem:$0x3FA0] =	sst s0  }
0x9: {  	[smem:$0x3FA1] =	sst s1  }
0xa: {  	[smem:$0x3FA2] =	sst s2  }
0xb: {  	[smem:$0x3FA3] =	sst s3  }
0xc: {  	[smem:$0x3FA4] =	sst s4  }
0xd: {  	[smem:$0x3FA5] =	sst s5  }
0xe: {  	[smem:$0x3FA6] =	sst s6  }
0xf: {  	[smem:$0x3FA7] =	sst s7  }
0x10: {  	[smem:$0x3FA8] =	sst s8  }
0x11: {  	[smem:$0x3FA9] =	sst s9;
	s0 =	simm.s32 @!p0 $0x0  }
0x12: {  	s1 =	sld [smem:$0x3F8F];
	s0 =	simm.s32 @p0 $0x1  }
0x13: {  	[smem:$0x3FAA] =	sst s0;
	s0 =	simm.s32 @!p1 $0x0  }
0x14: {  	s2 =	sld [smem:$0x3F8E];
	s0 =	simm.s32 @p1 $0x1  }
0x15: {  	[smem:$0x3FAB] =	sst s0;
	s0 =	simm.s32 @!p2 $0x0  }
0x16: {  	s3 =	sld [smem:$0x3FDB];
	s0 =	simm.s32 @p2 $0x1  }
0x17: {  	s4 =	simm.s32 $0x1BF5;
	[smem:$0x3FAD] =	sst s0  }
0x18: {  	s0 =	sld [smem:$0x3F90];
	_ =	swait.ge [sflag:s4], $0x0  }
0x19: {  	s7 =	sld [smem:$0x3F91]  }
0x1a: {  	s8 =	sadd.s32 $0xFFFFE003, lr  }
0x1b: {  	s9 =	sadd.s32 $0xFFFFFEF7, lr;
	s5 =	simm.s32 $0xFFFFFFFF;
	p2 =	slt.u32 s8, $0xFFFFF086  }
0x1c: {  	p1 =	slt.u32 s9, $0xF7A;
	s5 =	simm.s32 @!p2 $0x0  }
0x1d: {  	s5 =	simm.s32 @p1 $0x1;
	p0 =	seq.s32 s7, s2  }
0x1e: {  	s7 =	smul.u32 @!p0 $0xF7A, s2;
	p2 =	seq.s32 @!p0 s5, $0x0  }
0x1f: {  	s9 =	smul.u32 $0xF7A, s1;
	s8 =	simm.s32 @!p0 $0x1BF5;
	p2 =	por !p2, p0  }
0x20: {  	[sflag:s8] =	ssyncset.s32 @!p0 $0xFFFFF086;
	s6 =	sadd.s32 @!p0 s3, s7;
	s7 =	simm.s32 @!p0 $0x108  }
0x21: {  	s3 =	sadd.s32 s3, s9;
	s6 =	sadd.s32 @!p0 $0x88, s6;
	s7 =	simm.s32 @p2 $0x1082  }
0x22: {  	[simem:s7], [sflag:s8] =	dma.local @!p0 [hbm:s6], $0xF7A  }
0x23: {  	s9 =	sor.u32 $0xD0000000, s2;
	s6 =	simm.s32 $0x108;
	_ =	swait.ge @!p0 [sflag:s8], $0x0  }
0x24: {  	s3 =	sadd.s32 $0x88, s3;
	s6 =	simm.s32 @!p1 $0x1082;
	[sflag:s4] =	ssyncset.s32 $0xFFFFF086  }
0x25: {  	[simem:s6], [sflag:s4] =	dma.local [hbm:s3], $0xF7A  }
0x26: {  	[smem:$0x3F91] =	sst s1;
	(tag) =	ssettag s2;
	_ =	strace s9  }
0x27: {  	s1 =	sld [smem:$0x3FA1]  }
0x28: {  	s2 =	sld [smem:$0x3FA2]  }
0x29: {  	s4 =	sld [smem:$0x3FA4]  }
0x2a: {  	p0 =	seq.s32 s5, $0x0;
	s5 =	sld [smem:$0x3FA5]  }
0x2b: {  	s6 =	sld [smem:$0x3FA6]  }
0x2c: {  	s7 =	sld [smem:$0x3FA7]  }
0x2d: {  	s3 =	simm.s32 $0x108;
	s8 =	sld [smem:$0x3FA8]  }
0x2e: {  	s3 =	simm.s32 @!p0 $0x1082;
	s9 =	sld [smem:$0x3FA9]  }
0x2f: {  	lr =	sadd.s32 s0, s3;
	s0 =	sld [smem:$0x3FA0]  }
0x30: {  	s3 =	sld [smem:$0x3FA3]  }
0x31: {  	[smem:$0x3FAC] =	sst s10  }
0x32: {  	s10 =	sld [smem:$0x3FAA];
	_ =	sdelay $0x3  }
0x33: {  	p0 =	seq.s32 s10, $0x1;
	s10 =	sld [smem:$0x3FAC];
	_ =	sdelay $0x3  }
0x34: {  	[smem:$0x3FAC] =	sst s10  }
0x35: {  	s10 =	sld [smem:$0x3FAB];
	_ =	sdelay $0x3  }
0x36: {  	p1 =	seq.s32 s10, $0x1;
	s10 =	sld [smem:$0x3FAC];
	_ =	sdelay $0x3  }
0x37: {  	[smem:$0x3FAC] =	sst s10  }
0x38: {  	s10 =	sld [smem:$0x3FAD]  }
0x39: {  	_ = 	snop;
	(pc) =	sbr.ind lr, $3  }
0x3a: {  	_ = 	snop  }
0x3b: {  	_ = 	snop  }
0x3c: {  	p2 =	seq.s32 s10, $0x1;
	s10 =	sld [smem:$0x3FAC]  }
0x3d: {  	_ =	shalt  }
0x3e: {  	_ =	shalt  }
0x3f: {  	_ =	shalt  }
0x40: {  	_ =	shalt  }
0x41: {  	_ =	shalt  }
0x42: {  	_ =	shalt  }
0x43: {  	_ =	shalt  }
0x44: {  	_ =	shalt  }
0x45: {  	_ =	shalt  }
0x46: {  	_ =	shalt  }
0x47: {  	_ =	shalt  }
0x48: {  	_ =	shalt  }
0x49: {  	_ =	shalt  }
0x4a: {  	_ =	shalt  }
0x4b: {  	_ =	shalt  }
0x4c: {  	_ =	shalt  }
0x4d: {  	_ =	shalt  }
0x4e: {  	_ =	shalt  }
0x4f: {  	_ =	shalt  }
0x50: {  	_ =	shalt  }
0x51: {  	_ =	shalt  }
0x52: {  	_ =	shalt  }
0x53: {  	_ =	shalt  }
0x54: {  	_ =	shalt  }
0x55: {  	_ =	shalt  }
0x56: {  	_ =	shalt  }
0x57: {  	_ =	shalt  }
0x58: {  	_ =	shalt  }
0x59: {  	_ =	shalt  }
0x5a: {  	_ =	shalt  }
0x5b: {  	_ =	shalt  }
0x5c: {  	_ =	shalt  }
0x5d: {  	_ =	shalt  }
0x5e: {  	_ =	shalt  }
0x5f: {  	_ =	shalt  }
0x60: {  	_ =	shalt  }
0x61: {  	_ =	shalt  }
0x62: {  	_ =	shalt  }
0x63: {  	_ =	shalt  }
0x64: {  	_ =	shalt  }
0x65: {  	_ =	shalt  }
0x66: {  	_ =	shalt  }
0x67: {  	_ =	shalt  }
0x68: {  	_ =	shalt  }
0x69: {  	_ =	shalt  }
0x6a: {  	_ =	shalt  }
0x6b: {  	_ =	shalt  }
0x6c: {  	_ =	shalt  }
0x6d: {  	_ =	shalt  }
0x6e: {  	_ =	shalt  }
0x6f: {  	_ =	shalt  }
0x70: {  	_ =	shalt  }
0x71: {  	_ =	shalt  }
0x72: {  	_ =	shalt  }
0x73: {  	_ =	shalt  }
0x74: {  	_ =	shalt  }
0x75: {  	_ =	shalt  }
0x76: {  	_ =	shalt  }
0x77: {  	_ =	shalt  }
0x78: {  	_ =	shalt  }
0x79: {  	_ =	shalt  }
0x7a: {  	_ =	shalt  }
0x7b: {  	_ =	shalt  }
0x7c: {  	_ =	shalt  }
0x7d: {  	_ =	shalt  }
0x7e: {  	_ =	shalt  }
0x7f: {  	_ =	shalt  }
0x80: {  	_ =	shalt  }
0x81: {  	_ =	shalt  }
0x82: {  	_ =	shalt  }
0x83: {  	_ =	shalt  }
0x84: {  	_ =	shalt  }
0x85: {  	_ =	shalt  }
0x86: {  	_ =	shalt  }
0x87: {  	_ =	shalt  }
.Lfunc_end0:
.L_simem_size_0:
called_computation.2_lowered:
.L_overlay_start_0:
0x88: {  	s2 =	sld [smem:$0x3FD9]  }
0x89: {  	s3 =	sld [smem:$0x3FFE];
	_ =	sdelay $0x1  }
0x8a: {  	s1 =	srdreg.scid  }
0x8b: {  	s0 =	sand.u32 $0x1, s1  }
0x8c: {  	s16 =	sshll.u32 s0, $0xA;
	s2 =	sadd.s32 s3, s2  }
0x8d: {  	s2 =	sadd.s32 s2, s16  }
0x8e: {  	[smem:$0x3FB8] =	sst s2  }
0x8f: {  	_ = 	snop  }
0x90: {  	(tm) =	ssettm $0x1  }
0x91: {  	s17 =	sld [smem:$0x3FFB];
	_ =	sdelay $0x3  }
0x92: {  	_ =	strace s17  }
0x93: {  	s2 =	sld [smem:$0x3FFC];
	_ =	sdelay $0x3  }
0x94: {  	_ =	strace s2  }
0x95: {  	s2 =	sld [smem:$0x3FFD];
	_ =	sdelay $0x3  }
0x96: {  	_ =	strace s2  }
0x97: {  	_ =	strace $0x8FFFFFFF  }
0x98: {  	s18 =	sld [smem:$0x3FDB];
	_ =	sdelay $0x1  }
0x99: {  	s19 =	simm.s32 $_scs_section_size  }
0x9a: {  	s4 =	simm.s32 $_size__tile_overlayer_lowered;
	s5 =	simm.s32 $_tile_overlayer_lowered  }
0x9b: {  	s22 =	simm.s32 $0x1BFF;
	s21 =	sshll.u32 s5, $0x1;
	s2 =	sadd.s32 s19, s18  }
0x9c: {  	s6 =	simm.s32 $0x0;
	s20 =	sshll.u32 s4, $0x1;
	s4 =	sadd.s32 s21, s2  }
0x9d: {  	[timem:s6], [sflag:s22] =	dma.local [hbm:s4], s20  }
0x9e: {  	_ =	swait.ge [sflag:s22], s20  }
0x9f: {  	s3 =	ssub.s32 $0x0, s20;
	[sflag:s22] =	ssyncset.done $0x0  }
0xa0: {  	[sflag:s22] =	ssyncadd.s32 s3;
	_ =	sdelay $0x1  }
0xa1: {  	s23 =	simm.s32 $0x1B8B  }
0xa2: {  	_ =	swait.ge [sflag:s23], $0x1  }
0xa3: {  	[sflag:s23] =	ssyncset.done $0x0  }
0xa4: {  	s25 =	simm.s32 $0x1B8E;
	s24 =	sld [smem:$0x3FFE];
	[sflag:s23] =	ssyncadd.s32 $0xFFFFFFFF  }
0xa5: {  	s26 =	simm.s32 $execute0_lowered;
	[smem:$0x3FD2] =	sst s25  }
0xa6: {  	s4 =	sshll.u32 s26, $0x1;
	_ =	strace $0x8000004C;
	[dreg:$0x1] =	wrdreg $0xFFFFFFFF  }
0xa7: {  	s28 =	simm.s32 $_size_execute0_lowered;
	s2 =	sadd.s32 s2, s4;
	[dreg:$0x0] =	wrdreg $0x0  }
0xa8: {  	s4 =	sshll.u32 s28, $0x1;
	[dreg:$0x2] =	wrdreg s2  }
0xa9: {  	[dreg:$0x3] =	wrdreg s4  }
0xaa: {  	[dreg:$0x4] =	wrdreg $0xC0  }
0xab: {  	_ =	task [dreg:s6], $0x5FFFF  }
0xac: {  	[dreg:$0x1] =	wrdreg $0xFFFFFFFF  }
0xad: {  	[dreg:$0x0] =	wrdreg $0x60  }
0xae: {  	[dreg:$0x2] =	wrdreg s24  }
0xaf: {  	[dreg:$0x3] =	wrdreg $0xA8000  }
0xb0: {  	[dreg:$0x4] =	wrdreg $0x9  }
0xb1: {  	_ =	task.clear_ibuf [dreg:s6], $0x5FFFF;
	_ =	strace $0x9000004C  }
0xb2: {  	s29 =	simm.s32 $0x9;
	_ =	strace $0x8000004E  }
0xb3: {  	_ =	swait.ge [sflag:s29], $0x1  }
0xb4: {  	[sflag:s29] =	ssyncadd.s32 $0xFFFFFFFF  }
0xb5: {  	_ =	strace $0x9000004E  }
0xb6: {  	_ =	sfence  }
0xb7: {  	s30 =	sld [smem:$0x0];
	_ =	sdelay $0x2  }
0xb8: {  	s31 =	sshll.u32 s1, $0xD;
	s1 =	sshrl.u32 s1, $0x2  }
0xb9: {  	s3 =	sand.u32 $0x4000, s31;
	s1 =	sadd.s32 s1, s30  }
0xba: {  	s0 =	sor.u32 s3, s0;
	s1 =	sshll.u32 s1, $0x11  }
0xbb: {  	s0 =	sor.u32 s1, s0  }
0xbc: {  	s0 =	sadd.s32 $0x8F2B, s0  }
0xbd: {  	[sflag:s0] =	ssyncadd.remote.s32 $0x1  }
0xbe: {  	_ =	sfence.sel $0xFFFF  }
0xbf: {  	[dreg:$0x0] =	wrdreg $0xFFFFFFFF;
	(pc) =	sbr.abs _section_cstart, $3  }
0xc0: {  	[dreg:$0x1] =	wrdreg $0xFFFFFFFF  }
0xc1: {  	_ =	task.clear_ibuf [dreg:s6], $0x2FFFF;
	_ =	strace $0x9FFFFFFF  }
0xc2: {  	(tm) =	ssettm $0x7FFFFFFF  }
0xc3: {  	_ =	shalt  }
tec
execute0_lowered:
.L_overlay_start_1:
0x0: {  	(tag) =	ssettag $0x1  }
0x1: {  	s6 =	rddreg [dreg:$0x0]  }
0x2: {  	s1 =	rddreg [dreg:$0x1];
	s2 =	srdreg.scid  }
0x3: {  	s0 =	rddreg [dreg:$0x2];
	s3 =	simm.s32 $0x0;
	s16 =	simm.s32 $0x1400  }
0x4: {  	s17 =	simm.s32 $0x80;
	s18 =	simm.s32 $0x2800;
	s19 =	simm.s32 $0x6800  }
0x5: {  	s20 =	simm.s32 $0x5;
	s21 =	simm.s32 $0x1;
	s22 =	simm.s32 $0x3  }
0x6: {  	s23 =	simm.s32 $0x2;
	s24 =	simm.s32 $0x4;
	s28 =	simm.s32 $0x0  }
0x7: {  	s7 =	sand.u32 $0x1, s2;
	s2 =	stileid.u32;
	[smem:$0x7FF] =	sst s3  }
0x8: {  	s4 =	sadd.s32 $0x1A800, s6;
	s10 =	sadd.s32 $0x4000, s6;
	s5 =	smul.u32 $0x13C000, s7  }
0x9: {  	s11 =	sadd.s32 $0xE000, s6;
	s8 =	smul.u32 $0x13C00, s2;
	_ =	strace $0x8000004D  }
0xa: {  	s9 =	sshll.u32 s2, $0x1;
	s12 =	ssub.s32 $0x2, s7;
	s25 =	smul.u32 $0x4F000, s2  }
0xb: {  	s7 =	sor.u32 s7, s9;
	s26 =	sshrl.u32 s12, $0x1;
	s8 =	sadd.s32 s8, s5  }
0xc: {  	s5 =	sadd.s32 $0x18000, s6;
	s29 =	smul.u32 $0x2800, s7;
	s14 =	ssub.s32 s12, s26  }
0xd: {  	s30 =	sshrl.u32 s25, $0x2;
	s25 =	simm.s32 $0x2700;
	s8 =	sshrl.u32 s8, $0x3  }
0xe: {  	s26 =	simm.s32 $0x2780;
	s13 =	sadd.s32 s8, s6;
	s6 =	sshll.u32 s2, $0x6  }
0xf: {  	s15 =	sadd.s32 s30, s1;
	s31 =	sshrl.u32 s29, $0x3;
	s7 =	sor.u32 $0x1C05, s6  }
0x10: {  	s8 =	sadd.s32 s10, s31;
	s9 =	sadd.s32 s11, s31;
	s12 =	sadd.s32 $0x280, s31  }
0x11: {  	s10 =	sadd.s32 s10, s12;
	s11 =	sadd.s32 s11, s12;
	s12 =	sadd.s32 $0x69C00, s13  }
0x12: {  	s13 =	smax.u32 s14, $0x1;
	s14 =	sshrl.u32 s15, $0x3;
	s15 =	simm.s32 $0x6  }
.LBB2_1:
0x13: {  	[spmem:s14], [sflag:s7] =	dma.local [hbm:s5], $0x2780  }
0x14: {  	[tilespmem:s3], [sflag:$0x6] =	stream.linear.gather [hbm4b:s8+s3], $0x1400, $0x38;
	[tilespmem:$0x1E400] =	vst v63  }
0x15: {  	_ =	swait.ge [sflag:s15], $0x1400  }
0x16: {  	[sflag:s15] =	ssyncset.done $0x0  }
0x17: {  	[sflag:s15] =	ssyncadd.s32 $0xFFFFEC00  }
0x18: {  	[tilespmem:s16], [sflag:$0x6] =	stream.linear.gather [hbm4b:s9+s3], $0x1400, $0x38;
	[tilespmem:$0x1E400] =	vst v63  }
0x19: {  	_ =	swait.ge [sflag:s15], $0x1400  }
0x1a: {  	[sflag:s15] =	ssyncset.done $0x0  }
0x1b: {  	[sflag:s15] =	ssyncadd.s32 $0xFFFFEC00  }
0x1c: {  	[tilespmem:s18], [sflag:$0x1] =	stream.indirect.gather [hbm4b:s4+s17], $0x80, s3, s17, $0xb8;
	[tilespmem:$0x1E400] =	vst v63  }
0x1d: {  	_ = 	snop  }
0x1e: {  	[tilespmem:s19], [sflag:$0x2] =	stream.indirect.gather [hbm4b:s4+s17], $0x80, s17, s17, $0xb8;
	[tilespmem:$0x1E400] =	vst v63  }
0x1f: {  	_ =	swait.ge [sflag:s20], $0x2780  }
0x20: {  	[sflag:s20] =	ssyncset.done $0x0  }
0x21: {  	[sflag:s20] =	ssyncadd.s32 $0xFFFFD880  }
0x22: {  	[bflag:$0x0] =	sbarrier.arrive $0xFFFF  }
0x23: {  	_ =	swait.ge [sflag:s21], $0x4000  }
0x24: {  	[sflag:s21] =	ssyncset.done $0x0  }
0x25: {  	s29 =	simm.s32 $0x1400;
	[sflag:s21] =	ssyncadd.s32 $0xFFFFC000  }
0x26: {  	[spmem:s1] =	stream.indirect.scatter.add.f32 [tilespmem:s18], [sflag:$0x3], $0x80, s29, s17, $0xb8;
	[tilespmem:$0x1E400] =	vst v63  }
0x27: {  	_ =	swait.ge [sflag:s22], $0x4000  }
0x28: {  	[sflag:s22] =	ssyncset.done $0x0  }
0x29: {  	s29 =	simm.s32 $0x100;
	[sflag:s22] =	ssyncadd.s32 $0xFFFFC000  }
0x2a: {  	[tilespmem:s18], [sflag:$0x1] =	stream.indirect.gather [hbm4b:s4+s17], $0x80, s29, s17, $0xb8;
	[tilespmem:$0x1E400] =	vst v63  }
0x2b: {  	_ =	swait.ge [sflag:s23], $0x4000  }
0x2c: {  	[sflag:s23] =	ssyncset.done $0x0  }
0x2d: {  	s29 =	simm.s32 $0x1480;
	[sflag:s23] =	ssyncadd.s32 $0xFFFFC000  }
0x2e: {  	[spmem:s1] =	stream.indirect.scatter.add.f32 [tilespmem:s19], [sflag:$0x4], $0x80, s29, s17, $0xb8;
	[tilespmem:$0x1E400] =	vst v63  }
0x2f: {  	_ =	swait.ge [sflag:s24], $0x4000  }
0x30: {  	[sflag:s24] =	ssyncset.done $0x0  }
0x31: {  	s30 =	simm.s32 $0x180;
	s29 =	simm.s32 $0x400;
	[sflag:s24] =	ssyncadd.s32 $0xFFFFC000  }
.LBB2_2:
0x32: {  	[tilespmem:s19], [sflag:$0x2] =	stream.indirect.gather [hbm4b:s4+s17], $0x80, s30, s17, $0xb8;
	[tilespmem:$0x1E400] =	vst v63  }
0x33: {  	s30 =	smov.u32 s29  }
0x34: {  	p0 =	sne.s32 s29, $0x4800;
	s29 =	sadd.s32 $0x400, s29;
	_ =	swait.ge [sflag:s21], $0x4000  }
0x35: {  	s30 =	sshra.s32 s30, $0x2;
	[sflag:s21] =	ssyncset.done $0x0  }
0x36: {  	s31 =	sadd.s32 $0x1400, s30;
	[sflag:s21] =	ssyncadd.s32 $0xFFFFC000  }
0x37: {  	[spmem:s1] =	stream.indirect.scatter.add.f32 [tilespmem:s18], [sflag:$0x3], $0x80, s31, s17, $0xb8;
	[tilespmem:$0x1E400] =	vst v63  }
0x38: {  	_ =	swait.ge [sflag:s22], $0x4000  }
0x39: {  	[sflag:s22] =	ssyncset.done $0x0  }
0x3a: {  	s31 =	sadd.s32 $0x100, s30;
	[sflag:s22] =	ssyncadd.s32 $0xFFFFC000  }
0x3b: {  	[tilespmem:s18], [sflag:$0x1] =	stream.indirect.gather [hbm4b:s4+s17], $0x80, s31, s17, $0xb8;
	[tilespmem:$0x1E400] =	vst v63  }
0x3c: {  	_ =	swait.ge [sflag:s23], $0x4000  }
0x3d: {  	[sflag:s23] =	ssyncset.done $0x0  }
.Ltmp0:
0x3e: {  	s31 =	sadd.s32 $0x1480, s30;
	[sflag:s23] =	ssyncadd.s32 $0xFFFFC000;
	(pc) =	sbr.rel @p0 .LBB2_2-.Ltmp0, $4  }
0x3f: {  	[spmem:s1] =	stream.indirect.scatter.add.f32 [tilespmem:s19], [sflag:$0x4], $0x80, s31, s17, $0xb8;
	[tilespmem:$0x1E400] =	vst v63  }
0x40: {  	_ =	swait.ge [sflag:s24], $0x4000  }
0x41: {  	[sflag:s24] =	ssyncset.done $0x0  }
0x42: {  	s30 =	sadd.s32 $0x180, s30;
	[sflag:s24] =	ssyncadd.s32 $0xFFFFC000  }
0x43: {  	[tilespmem:s19], [sflag:$0x2] =	stream.indirect.gather [hbm4b:s4+s17], $0x80, s30, s17, $0xb8;
	[tilespmem:$0x1E400] =	vst v63  }
0x44: {  	_ =	swait.ge [sflag:s21], $0x4000  }
0x45: {  	[sflag:s21] =	ssyncset.done $0x0  }
0x46: {  	[sflag:s21] =	ssyncadd.s32 $0xFFFFC000  }
0x47: {  	[spmem:s1] =	stream.indirect.scatter.add.f32 [tilespmem:s18], [sflag:$0x3], $0x80, s25, s17, $0xb8;
	[tilespmem:$0x1E400] =	vst v63  }
0x48: {  	_ =	swait.ge [sflag:s22], $0x4000  }
0x49: {  	[sflag:s22] =	ssyncset.done $0x0  }
0x4a: {  	[sflag:s22] =	ssyncadd.s32 $0xFFFFC000  }
0x4b: {  	_ =	swait.ge [sflag:s23], $0x4000  }
0x4c: {  	[sflag:s23] =	ssyncset.done $0x0  }
0x4d: {  	[sflag:s23] =	ssyncadd.s32 $0xFFFFC000  }
0x4e: {  	[spmem:s1] =	stream.indirect.scatter.add.f32 [tilespmem:s19], [sflag:$0x4], $0x80, s26, s17, $0xb8;
	[tilespmem:$0x1E400] =	vst v63  }
0x4f: {  	_ =	swait.ge [sflag:s24], $0x4000  }
0x50: {  	[sflag:s24] =	ssyncset.done $0x0  }
0x51: {  	s29 =	simm.s32 $0x0;
	[sflag:s24] =	ssyncadd.s32 $0xFFFFC000  }
0x52: {  	[tilespmem:s29], [sflag:$0x6] =	stream.linear.gather [hbm4b:s10+s29], $0x1400, $0x38;
	[tilespmem:$0x1E400] =	vst v63  }
0x53: {  	_ =	swait.ge [sflag:s15], $0x1400  }
0x54: {  	[sflag:s15] =	ssyncset.done $0x0  }
0x55: {  	[sflag:s15] =	ssyncadd.s32 $0xFFFFEC00  }
0x56: {  	[tilespmem:s16], [sflag:$0x6] =	stream.linear.gather [hbm4b:s11+s29], $0x1400, $0x38;
	[tilespmem:$0x1E400] =	vst v63  }
0x57: {  	_ =	swait.ge [sflag:s15], $0x1400  }
0x58: {  	[sflag:s15] =	ssyncset.done $0x0  }
0x59: {  	[sflag:s15] =	ssyncadd.s32 $0xFFFFEC00  }
0x5a: {  	[tilespmem:s18], [sflag:$0x1] =	stream.indirect.gather [hbm4b:s4+s17], $0x80, s29, s17, $0xb8;
	[tilespmem:$0x1E400] =	vst v63  }
0x5b: {  	_ = 	snop  }
0x5c: {  	[tilespmem:s19], [sflag:$0x2] =	stream.indirect.gather [hbm4b:s4+s17], $0x80, s17, s17, $0xb8;
	[tilespmem:$0x1E400] =	vst v63  }
0x5d: {  	_ =	swait.ge [sflag:s21], $0x4000  }
0x5e: {  	[sflag:s21] =	ssyncset.done $0x0  }
0x5f: {  	s29 =	simm.s32 $0x1400;
	[sflag:s21] =	ssyncadd.s32 $0xFFFFC000  }
0x60: {  	[spmem:s1] =	stream.indirect.scatter.add.f32 [tilespmem:s18], [sflag:$0x3], $0x80, s29, s17, $0xb8;
	[tilespmem:$0x1E400] =	vst v63  }
0x61: {  	_ =	swait.ge [sflag:s22], $0x4000  }
0x62: {  	[sflag:s22] =	ssyncset.done $0x0  }
0x63: {  	s29 =	simm.s32 $0x100;
	[sflag:s22] =	ssyncadd.s32 $0xFFFFC000  }
0x64: {  	[tilespmem:s18], [sflag:$0x1] =	stream.indirect.gather [hbm4b:s4+s17], $0x80, s29, s17, $0xb8;
	[tilespmem:$0x1E400] =	vst v63  }
0x65: {  	_ =	swait.ge [sflag:s23], $0x4000  }
0x66: {  	[sflag:s23] =	ssyncset.done $0x0  }
0x67: {  	s29 =	simm.s32 $0x1480;
	[sflag:s23] =	ssyncadd.s32 $0xFFFFC000  }
0x68: {  	[spmem:s1] =	stream.indirect.scatter.add.f32 [tilespmem:s19], [sflag:$0x4], $0x80, s29, s17, $0xb8;
	[tilespmem:$0x1E400] =	vst v63  }
0x69: {  	_ =	swait.ge [sflag:s24], $0x4000  }
0x6a: {  	[sflag:s24] =	ssyncset.done $0x0  }
0x6b: {  	s30 =	simm.s32 $0x180;
	s29 =	simm.s32 $0x400;
	[sflag:s24] =	ssyncadd.s32 $0xFFFFC000  }
.LBB2_4:
0x6c: {  	[tilespmem:s19], [sflag:$0x2] =	stream.indirect.gather [hbm4b:s4+s17], $0x80, s30, s17, $0xb8;
	[tilespmem:$0x1E400] =	vst v63  }
0x6d: {  	s30 =	smov.u32 s29  }
0x6e: {  	p0 =	sne.s32 s29, $0x4800;
	s29 =	sadd.s32 $0x400, s29;
	_ =	swait.ge [sflag:s21], $0x4000  }
0x6f: {  	s30 =	sshra.s32 s30, $0x2;
	[sflag:s21] =	ssyncset.done $0x0  }
0x70: {  	s31 =	sadd.s32 $0x1400, s30;
	[sflag:s21] =	ssyncadd.s32 $0xFFFFC000  }
0x71: {  	[spmem:s1] =	stream.indirect.scatter.add.f32 [tilespmem:s18], [sflag:$0x3], $0x80, s31, s17, $0xb8;
	[tilespmem:$0x1E400] =	vst v63  }
0x72: {  	_ =	swait.ge [sflag:s22], $0x4000  }
0x73: {  	[sflag:s22] =	ssyncset.done $0x0  }
0x74: {  	s31 =	sadd.s32 $0x100, s30;
	[sflag:s22] =	ssyncadd.s32 $0xFFFFC000  }
0x75: {  	[tilespmem:s18], [sflag:$0x1] =	stream.indirect.gather [hbm4b:s4+s17], $0x80, s31, s17, $0xb8;
	[tilespmem:$0x1E400] =	vst v63  }
0x76: {  	_ =	swait.ge [sflag:s23], $0x4000  }
0x77: {  	[sflag:s23] =	ssyncset.done $0x0  }
.Ltmp1:
0x78: {  	s31 =	sadd.s32 $0x1480, s30;
	[sflag:s23] =	ssyncadd.s32 $0xFFFFC000;
	(pc) =	sbr.rel @p0 .LBB2_4-.Ltmp1, $4  }
0x79: {  	[spmem:s1] =	stream.indirect.scatter.add.f32 [tilespmem:s19], [sflag:$0x4], $0x80, s31, s17, $0xb8;
	[tilespmem:$0x1E400] =	vst v63  }
0x7a: {  	_ =	swait.ge [sflag:s24], $0x4000  }
0x7b: {  	[sflag:s24] =	ssyncset.done $0x0  }
0x7c: {  	s30 =	sadd.s32 $0x180, s30;
	[sflag:s24] =	ssyncadd.s32 $0xFFFFC000  }
0x7d: {  	[tilespmem:s19], [sflag:$0x2] =	stream.indirect.gather [hbm4b:s4+s17], $0x80, s30, s17, $0xb8;
	[tilespmem:$0x1E400] =	vst v63  }
0x7e: {  	_ =	swait.ge [sflag:s21], $0x4000  }
0x7f: {  	[sflag:s21] =	ssyncset.done $0x0  }
0x80: {  	[sflag:s21] =	ssyncadd.s32 $0xFFFFC000  }
0x81: {  	[spmem:s1] =	stream.indirect.scatter.add.f32 [tilespmem:s18], [sflag:$0x3], $0x80, s25, s17, $0xb8;
	[tilespmem:$0x1E400] =	vst v63  }
0x82: {  	_ =	swait.ge [sflag:s22], $0x4000  }
0x83: {  	[sflag:s22] =	ssyncset.done $0x0  }
0x84: {  	[sflag:s22] =	ssyncadd.s32 $0xFFFFC000  }
0x85: {  	_ =	swait.ge [sflag:s23], $0x4000  }
0x86: {  	[sflag:s23] =	ssyncset.done $0x0  }
0x87: {  	[sflag:s23] =	ssyncadd.s32 $0xFFFFC000  }
0x88: {  	[spmem:s1] =	stream.indirect.scatter.add.f32 [tilespmem:s19], [sflag:$0x4], $0x80, s26, s17, $0xb8;
	[tilespmem:$0x1E400] =	vst v63  }
0x89: {  	_ =	swait.ge [sflag:s24], $0x4000  }
0x8a: {  	s28 =	sadd.s32 $0x1, s28;
	[sflag:s24] =	ssyncset.done $0x0  }
0x8b: {  	p0 =	sne.s32 s28, s13;
	[sflag:s24] =	ssyncadd.s32 $0xFFFFC000  }
.Ltmp2:
0x8c: {  	s29 =	sor.u32 $0x1C06, s6;
	[bflag:$0x0] =	sbarrier.arrive $0xFFFF;
	(pc) =	sbr.rel @p0 .LBB2_1-.Ltmp2, $4  }
0x8d: {  	[hbm:s12], [sflag:s29] =	dma.local [spmem:s14], $0x2780  }
0x8e: {  	_ =	swait.ge [sflag:s15], $0x2780  }
0x8f: {  	[sflag:s15] =	ssyncset.done $0x0  }
0x90: {  	[sflag:s15] =	ssyncadd.s32 $0xFFFFD880  }
0x91: {  	_ =	sfence.sel $0x180000  }
0x92: {  	[bflag:$0x0] =	sbarrier.arrive $0xFFFF  }
0x93: {  	p0 =	sne.s32 s2, $0x0;
	_ =	strace $0x9000004D  }
0x94: {  	s0 =	sadd.s32 @!p0 $0x100000, s0;
	[bflag:$0x2] =	sbarrier.arrive $0xFFFF  }
0x95: {  	[sflag:s0] =	ssyncadd.tile.s32 @!p0 $0x1;
	_ =	shalt  }
.Lfunc_end2:
_tile_overlayer_lowered:
.L_overlay_start_2:
0x96: {  	(tag) =	ssettag $0x2  }
0x97: {  	s0 =	rddreg [dreg:$0x0];
	s2 =	stileid.u32  }
0x98: {  	s1 =	rddreg [dreg:$0x1];
	p0 =	sne.s32 s2, $0x0  }
0x99: {  	s3 =	rddreg [dreg:$0x2];
	[bflag:$0x3] =	sbarrier.arrive $0xFFFF;
	s2 =	simm.s32 @!p0 $0x1C06  }
0x9a: {  	[timem:s3], [sflag:s2] =	dma.local @!p0 [hbm:s0], s1  }
0x9b: {  	s0 =	simm.s32 @!p0 $0x6  }
0x9c: {  	_ =	swait.ge @!p0 [sflag:s0], s1  }
0x9d: {  	s1 =	ssub.s32 @!p0 $0x0, s1;
	[sflag:s0] =	ssyncset.done @!p0 $0x0  }
0x9e: {  	[sflag:s0] =	ssyncadd.s32 @!p0 s1  }
0x9f: {  	[bflag:$0x3] =	sbarrier.arrive $0xFFFF  }
0xa0: {  	_ =	shalt  }

// kernel: kernel.9.cloned.1.call-start
scs
__scs_entry_jumppad:
0x0: {  	(pc) =	sbr.rel $0x88, $3  }
0x1: {  	(tag) =	ssettag $0x0;
	lr =	simm.s32 $0x1  }
0x2: {  	[smem:$0x3F91] =	sst lr;
	_ =	strace $0xD0000000  }
0x3: {  	_ = 	snop  }
0x4: {  	_ = 	snop  }
0x5: {  	_ = 	snop  }
0x6: {  	_ = 	snop  }
0x7: {  	_ = 	snop  }
__scs_overlays_trampoline_lowered:
0x8: {  	[smem:$0x3FA0] =	sst s0  }
0x9: {  	[smem:$0x3FA1] =	sst s1  }
0xa: {  	[smem:$0x3FA2] =	sst s2  }
0xb: {  	[smem:$0x3FA3] =	sst s3  }
0xc: {  	[smem:$0x3FA4] =	sst s4  }
0xd: {  	[smem:$0x3FA5] =	sst s5  }
0xe: {  	[smem:$0x3FA6] =	sst s6  }
0xf: {  	[smem:$0x3FA7] =	sst s7  }
0x10: {  	[smem:$0x3FA8] =	sst s8  }
0x11: {  	[smem:$0x3FA9] =	sst s9;
	s0 =	simm.s32 @!p0 $0x0  }
0x12: {  	s1 =	sld [smem:$0x3F8F];
	s0 =	simm.s32 @p0 $0x1  }
0x13: {  	[smem:$0x3FAA] =	sst s0;
	s0 =	simm.s32 @!p1 $0x0  }
0x14: {  	s2 =	sld [smem:$0x3F8E];
	s0 =	simm.s32 @p1 $0x1  }
0x15: {  	[smem:$0x3FAB] =	sst s0;
	s0 =	simm.s32 @!p2 $0x0  }
0x16: {  	s3 =	sld [smem:$0x3FDB];
	s0 =	simm.s32 @p2 $0x1  }
0x17: {  	s4 =	simm.s32 $0x1BF5;
	[smem:$0x3FAD] =	sst s0  }
0x18: {  	s0 =	sld [smem:$0x3F90];
	_ =	swait.ge [sflag:s4], $0x0  }
0x19: {  	s7 =	sld [smem:$0x3F91]  }
0x1a: {  	s8 =	sadd.s32 $0xFFFFE003, lr  }
0x1b: {  	s9 =	sadd.s32 $0xFFFFFEF7, lr;
	s5 =	simm.s32 $0xFFFFFFFF;
	p2 =	slt.u32 s8, $0xFFFFF086  }
0x1c: {  	p1 =	slt.u32 s9, $0xF7A;
	s5 =	simm.s32 @!p2 $0x0  }
0x1d: {  	s5 =	simm.s32 @p1 $0x1;
	p0 =	seq.s32 s7, s2  }
0x1e: {  	s7 =	smul.u32 @!p0 $0xF7A, s2;
	p2 =	seq.s32 @!p0 s5, $0x0  }
0x1f: {  	s9 =	smul.u32 $0xF7A, s1;
	s8 =	simm.s32 @!p0 $0x1BF5;
	p2 =	por !p2, p0  }
0x20: {  	[sflag:s8] =	ssyncset.s32 @!p0 $0xFFFFF086;
	s6 =	sadd.s32 @!p0 s3, s7;
	s7 =	simm.s32 @!p0 $0x108  }
0x21: {  	s3 =	sadd.s32 s3, s9;
	s6 =	sadd.s32 @!p0 $0x88, s6;
	s7 =	simm.s32 @p2 $0x1082  }
0x22: {  	[simem:s7], [sflag:s8] =	dma.local @!p0 [hbm:s6], $0xF7A  }
0x23: {  	s9 =	sor.u32 $0xD0000000, s2;
	s6 =	simm.s32 $0x108;
	_ =	swait.ge @!p0 [sflag:s8], $0x0  }
0x24: {  	s3 =	sadd.s32 $0x88, s3;
	s6 =	simm.s32 @!p1 $0x1082;
	[sflag:s4] =	ssyncset.s32 $0xFFFFF086  }
0x25: {  	[simem:s6], [sflag:s4] =	dma.local [hbm:s3], $0xF7A  }
0x26: {  	[smem:$0x3F91] =	sst s1;
	(tag) =	ssettag s2;
	_ =	strace s9  }
0x27: {  	s1 =	sld [smem:$0x3FA1]  }
0x28: {  	s2 =	sld [smem:$0x3FA2]  }
0x29: {  	s4 =	sld [smem:$0x3FA4]  }
0x2a: {  	p0 =	seq.s32 s5, $0x0;
	s5 =	sld [smem:$0x3FA5]  }
0x2b: {  	s6 =	sld [smem:$0x3FA6]  }
0x2c: {  	s7 =	sld [smem:$0x3FA7]  }
0x2d: {  	s3 =	simm.s32 $0x108;
	s8 =	sld [smem:$0x3FA8]  }
0x2e: {  	s3 =	simm.s32 @!p0 $0x1082;
	s9 =	sld [smem:$0x3FA9]  }
0x2f: {  	lr =	sadd.s32 s0, s3;
	s0 =	sld [smem:$0x3FA0]  }
0x30: {  	s3 =	sld [smem:$0x3FA3]  }
0x31: {  	[smem:$0x3FAC] =	sst s10  }
0x32: {  	s10 =	sld [smem:$0x3FAA];
	_ =	sdelay $0x3  }
0x33: {  	p0 =	seq.s32 s10, $0x1;
	s10 =	sld [smem:$0x3FAC];
	_ =	sdelay $0x3  }
0x34: {  	[smem:$0x3FAC] =	sst s10  }
0x35: {  	s10 =	sld [smem:$0x3FAB];
	_ =	sdelay $0x3  }
0x36: {  	p1 =	seq.s32 s10, $0x1;
	s10 =	sld [smem:$0x3FAC];
	_ =	sdelay $0x3  }
0x37: {  	[smem:$0x3FAC] =	sst s10  }
0x38: {  	s10 =	sld [smem:$0x3FAD]  }
0x39: {  	_ = 	snop;
	(pc) =	sbr.ind lr, $3  }
0x3a: {  	_ = 	snop  }
0x3b: {  	_ = 	snop  }
0x3c: {  	p2 =	seq.s32 s10, $0x1;
	s10 =	sld [smem:$0x3FAC]  }
0x3d: {  	_ =	shalt  }
0x3e: {  	_ =	shalt  }
0x3f: {  	_ =	shalt  }
0x40: {  	_ =	shalt  }
0x41: {  	_ =	shalt  }
0x42: {  	_ =	shalt  }
0x43: {  	_ =	shalt  }
0x44: {  	_ =	shalt  }
0x45: {  	_ =	shalt  }
0x46: {  	_ =	shalt  }
0x47: {  	_ =	shalt  }
0x48: {  	_ =	shalt  }
0x49: {  	_ =	shalt  }
0x4a: {  	_ =	shalt  }
0x4b: {  	_ =	shalt  }
0x4c: {  	_ =	shalt  }
0x4d: {  	_ =	shalt  }
0x4e: {  	_ =	shalt  }
0x4f: {  	_ =	shalt  }
0x50: {  	_ =	shalt  }
0x51: {  	_ =	shalt  }
0x52: {  	_ =	shalt  }
0x53: {  	_ =	shalt  }
0x54: {  	_ =	shalt  }
0x55: {  	_ =	shalt  }
0x56: {  	_ =	shalt  }
0x57: {  	_ =	shalt  }
0x58: {  	_ =	shalt  }
0x59: {  	_ =	shalt  }
0x5a: {  	_ =	shalt  }
0x5b: {  	_ =	shalt  }
0x5c: {  	_ =	shalt  }
0x5d: {  	_ =	shalt  }
0x5e: {  	_ =	shalt  }
0x5f: {  	_ =	shalt  }
0x60: {  	_ =	shalt  }
0x61: {  	_ =	shalt  }
0x62: {  	_ =	shalt  }
0x63: {  	_ =	shalt  }
0x64: {  	_ =	shalt  }
0x65: {  	_ =	shalt  }
0x66: {  	_ =	shalt  }
0x67: {  	_ =	shalt  }
0x68: {  	_ =	shalt  }
0x69: {  	_ =	shalt  }
0x6a: {  	_ =	shalt  }
0x6b: {  	_ =	shalt  }
0x6c: {  	_ =	shalt  }
0x6d: {  	_ =	shalt  }
0x6e: {  	_ =	shalt  }
0x6f: {  	_ =	shalt  }
0x70: {  	_ =	shalt  }
0x71: {  	_ =	shalt  }
0x72: {  	_ =	shalt  }
0x73: {  	_ =	shalt  }
0x74: {  	_ =	shalt  }
0x75: {  	_ =	shalt  }
0x76: {  	_ =	shalt  }
0x77: {  	_ =	shalt  }
0x78: {  	_ =	shalt  }
0x79: {  	_ =	shalt  }
0x7a: {  	_ =	shalt  }
0x7b: {  	_ =	shalt  }
0x7c: {  	_ =	shalt  }
0x7d: {  	_ =	shalt  }
0x7e: {  	_ =	shalt  }
0x7f: {  	_ =	shalt  }
0x80: {  	_ =	shalt  }
0x81: {  	_ =	shalt  }
0x82: {  	_ =	shalt  }
0x83: {  	_ =	shalt  }
0x84: {  	_ =	shalt  }
0x85: {  	_ =	shalt  }
0x86: {  	_ =	shalt  }
0x87: {  	_ =	shalt  }
.Lfunc_end0:
.L_simem_size_0:
called_computation_lowered:
.L_overlay_start_0:
0x88: {  	s2 =	sld [smem:$0x3FD9]  }
0x89: {  	s3 =	sld [smem:$0x3FFE];
	_ =	sdelay $0x1  }
0x8a: {  	s1 =	srdreg.scid  }
0x8b: {  	s0 =	sand.u32 $0x1, s1  }
0x8c: {  	s17 =	sshll.u32 s0, $0xA;
	s2 =	sadd.s32 s3, s2  }
0x8d: {  	s2 =	sadd.s32 s2, s17  }
0x8e: {  	[smem:$0x3FB8] =	sst s2  }
0x8f: {  	_ = 	snop  }
0x90: {  	s2 =	sld [smem:$0x3FC9];
	(tm) =	ssettm $0x1  }
0x91: {  	s18 =	sld [smem:$0x3FFB];
	_ =	sdelay $0x3  }
0x92: {  	_ =	strace s18  }
0x93: {  	s3 =	sld [smem:$0x3FFC];
	_ =	sdelay $0x3  }
0x94: {  	_ =	strace s3  }
0x95: {  	s3 =	sld [smem:$0x3FFD];
	_ =	sdelay $0x3  }
0x96: {  	_ =	strace s3  }
0x97: {  	_ =	strace $0x8FFFFFFF  }
0x98: {  	s19 =	sld [smem:$0x3FDB];
	_ =	sdelay $0x1  }
0x99: {  	s4 =	simm.s32 $_scs_section_size  }
0x9a: {  	s5 =	simm.s32 $_size__tile_overlayer_lowered;
	s6 =	simm.s32 $_tile_overlayer_lowered  }
0x9b: {  	s22 =	simm.s32 $0x1BFF;
	s21 =	sshll.u32 s6, $0x1;
	s3 =	sadd.s32 s4, s19  }
0x9c: {  	s7 =	simm.s32 $0x0;
	s20 =	sshll.u32 s5, $0x1;
	s5 =	sadd.s32 s21, s3  }
0x9d: {  	[timem:s7], [sflag:s22] =	dma.local [hbm:s5], s20  }
0x9e: {  	_ =	swait.ge [sflag:s22], s20  }
0x9f: {  	s4 =	ssub.s32 $0x0, s20;
	[sflag:s22] =	ssyncset.done $0x0  }
0xa0: {  	[sflag:s22] =	ssyncadd.s32 s4;
	_ =	sdelay $0x1  }
0xa1: {  	s23 =	simm.s32 $0x1B8B  }
0xa2: {  	_ =	swait.ge [sflag:s23], $0x1  }
0xa3: {  	[sflag:s23] =	ssyncset.done $0x0  }
0xa4: {  	s25 =	simm.s32 $0x1B8E;
	s24 =	sld [smem:$0x3FFE];
	[sflag:s23] =	ssyncadd.s32 $0xFFFFFFFF  }
0xa5: {  	s26 =	simm.s32 $execute0_lowered;
	[smem:$0x3FD2] =	sst s25  }
0xa6: {  	s5 =	sshll.u32 s26, $0x1;
	_ =	strace $0x80000046;
	[dreg:$0x1] =	wrdreg $0xFFFFFFFF  }
0xa7: {  	s28 =	simm.s32 $_size_execute0_lowered;
	s3 =	sadd.s32 s3, s5;
	[dreg:$0x0] =	wrdreg $0x0  }
0xa8: {  	s5 =	sshll.u32 s28, $0x1;
	[dreg:$0x2] =	wrdreg s3  }
0xa9: {  	[dreg:$0x3] =	wrdreg s5  }
0xaa: {  	[dreg:$0x4] =	wrdreg $0xC0  }
0xab: {  	_ =	task [dreg:s7], $0x5FFFF  }
0xac: {  	[dreg:$0x1] =	wrdreg $0xFFFFFFFF  }
0xad: {  	[dreg:$0x0] =	wrdreg $0x60  }
0xae: {  	[dreg:$0x2] =	wrdreg s2  }
0xaf: {  	[dreg:$0x3] =	wrdreg s24  }
0xb0: {  	[dreg:$0x4] =	wrdreg $0xA8000  }
0xb1: {  	[dreg:$0x5] =	wrdreg $0x9  }
0xb2: {  	_ =	task.clear_ibuf [dreg:s7], $0x6FFFF;
	_ =	strace $0x90000046  }
0xb3: {  	s29 =	simm.s32 $0x9;
	_ =	strace $0x80000048  }
0xb4: {  	_ =	swait.ge [sflag:s29], $0x1  }
0xb5: {  	[sflag:s29] =	ssyncadd.s32 $0xFFFFFFFF  }
0xb6: {  	_ =	strace $0x90000048  }
0xb7: {  	_ =	sfence  }
0xb8: {  	s30 =	sld [smem:$0x0];
	_ =	sdelay $0x2  }
0xb9: {  	s31 =	sshll.u32 s1, $0xD;
	s1 =	sshrl.u32 s1, $0x2  }
0xba: {  	s3 =	sand.u32 $0x4000, s31;
	s1 =	sadd.s32 s1, s30  }
0xbb: {  	s0 =	sor.u32 s3, s0;
	s1 =	sshll.u32 s1, $0x11  }
0xbc: {  	s0 =	sor.u32 s1, s0  }
0xbd: {  	s0 =	sadd.s32 $0x8F2B, s0  }
0xbe: {  	[sflag:s0] =	ssyncadd.remote.s32 $0x1  }
0xbf: {  	_ =	sfence.sel $0xFFFF  }
0xc0: {  	[dreg:$0x0] =	wrdreg $0xFFFFFFFF;
	(pc) =	sbr.abs _section_cstart, $3  }
0xc1: {  	[dreg:$0x1] =	wrdreg $0xFFFFFFFF  }
0xc2: {  	_ =	task.clear_ibuf [dreg:s7], $0x2FFFF;
	_ =	strace $0x9FFFFFFF  }
0xc3: {  	(tm) =	ssettm $0x7FFFFFFF  }
tec
execute0_lowered:
.L_overlay_start_1:
0x0: {  	(tag) =	ssettag $0x1  }
0x1: {  	s1 =	rddreg [dreg:$0x0]  }
0x2: {  	s6 =	rddreg [dreg:$0x1]  }
0x3: {  	s2 =	rddreg [dreg:$0x2]  }
0x4: {  	s3 =	srdreg.scid;
	s0 =	rddreg [dreg:$0x3];
	s4 =	simm.s32 $0x0  }
0x5: {  	s16 =	simm.s32 $0x1400;
	s17 =	simm.s32 $0x80;
	s18 =	simm.s32 $0x2800  }
0x6: {  	s19 =	simm.s32 $0x6800;
	s20 =	simm.s32 $0x5;
	s21 =	simm.s32 $0x1  }
0x7: {  	s22 =	simm.s32 $0x3;
	s23 =	simm.s32 $0x2;
	s24 =	simm.s32 $0x4  }
0x8: {  	s28 =	simm.s32 $0x0;
	s7 =	sand.u32 $0x1, s3;
	s3 =	stileid.u32  }
0x9: {  	[smem:$0x7FF] =	sst s4;
	s10 =	sadd.s32 $0x4000, s6;
	s5 =	smul.u32 $0x13C000, s7  }
0xa: {  	s11 =	sadd.s32 $0xE000, s6;
	s8 =	smul.u32 $0x13C00, s3;
	_ =	strace $0x80000047  }
0xb: {  	s9 =	sshll.u32 s3, $0x1;
	s12 =	ssub.s32 $0x2, s7;
	s25 =	smul.u32 $0x4F000, s3  }
0xc: {  	s7 =	sor.u32 s7, s9;
	s26 =	sshrl.u32 s12, $0x1;
	s8 =	sadd.s32 s8, s5  }
0xd: {  	s5 =	sadd.s32 $0x18000, s6;
	s29 =	smul.u32 $0x2800, s7;
	s14 =	ssub.s32 s12, s26  }
0xe: {  	s30 =	sshrl.u32 s25, $0x2;
	s25 =	simm.s32 $0x2700;
	s8 =	sshrl.u32 s8, $0x3  }
0xf: {  	s26 =	simm.s32 $0x2780;
	s13 =	sadd.s32 s8, s6;
	s6 =	sshll.u32 s3, $0x6  }
0x10: {  	s15 =	sadd.s32 s30, s2;
	s31 =	sshrl.u32 s29, $0x3;
	s7 =	sor.u32 $0x1C05, s6  }
0x11: {  	s8 =	sadd.s32 s10, s31;
	s9 =	sadd.s32 s11, s31;
	s12 =	sadd.s32 $0x280, s31  }
0x12: {  	s10 =	sadd.s32 s10, s12;
	s11 =	sadd.s32 s11, s12;
	s12 =	sadd.s32 $0x1A800, s13  }
0x13: {  	s13 =	smax.u32 s14, $0x1;
	s14 =	sshrl.u32 s15, $0x3;
	s15 =	simm.s32 $0x6  }
.LBB2_1:
0x14: {  	[spmem:s14], [sflag:s7] =	dma.local [hbm:s5], $0x2780  }
0x15: {  	[tilespmem:s4], [sflag:$0x6] =	stream.linear.gather [hbm4b:s8+s4], $0x1400, $0x38;
	[tilespmem:$0x1E400] =	vst v63  }
0x16: {  	_ =	swait.ge [sflag:s15], $0x1400  }
0x17: {  	[sflag:s15] =	ssyncset.done $0x0  }
0x18: {  	[sflag:s15] =	ssyncadd.s32 $0xFFFFEC00  }
0x19: {  	[tilespmem:s16], [sflag:$0x6] =	stream.linear.gather [hbm4b:s9+s4], $0x1400, $0x38;
	[tilespmem:$0x1E400] =	vst v63  }
0x1a: {  	_ =	swait.ge [sflag:s15], $0x1400  }
0x1b: {  	[sflag:s15] =	ssyncset.done $0x0  }
0x1c: {  	[sflag:s15] =	ssyncadd.s32 $0xFFFFEC00  }
0x1d: {  	[tilespmem:s18], [sflag:$0x1] =	stream.indirect.gather [hbm4b:s1+s17], $0x80, s4, s17, $0xb8;
	[tilespmem:$0x1E400] =	vst v63  }
0x1e: {  	_ = 	snop  }
0x1f: {  	[tilespmem:s19], [sflag:$0x2] =	stream.indirect.gather [hbm4b:s1+s17], $0x80, s17, s17, $0xb8;
	[tilespmem:$0x1E400] =	vst v63  }
0x20: {  	_ =	swait.ge [sflag:s20], $0x2780  }
0x21: {  	[sflag:s20] =	ssyncset.done $0x0  }
0x22: {  	[sflag:s20] =	ssyncadd.s32 $0xFFFFD880  }
0x23: {  	[bflag:$0x0] =	sbarrier.arrive $0xFFFF  }
0x24: {  	_ =	swait.ge [sflag:s21], $0x4000  }
0x25: {  	[sflag:s21] =	ssyncset.done $0x0  }
0x26: {  	s29 =	simm.s32 $0x1400;
	[sflag:s21] =	ssyncadd.s32 $0xFFFFC000  }
0x27: {  	[spmem:s2] =	stream.indirect.scatter.add.f32 [tilespmem:s18], [sflag:$0x3], $0x80, s29, s17, $0xb8;
	[tilespmem:$0x1E400] =	vst v63  }
0x28: {  	_ =	swait.ge [sflag:s22], $0x4000  }
0x29: {  	[sflag:s22] =	ssyncset.done $0x0  }
0x2a: {  	s29 =	simm.s32 $0x100;
	[sflag:s22] =	ssyncadd.s32 $0xFFFFC000  }
0x2b: {  	[tilespmem:s18], [sflag:$0x1] =	stream.indirect.gather [hbm4b:s1+s17], $0x80, s29, s17, $0xb8;
	[tilespmem:$0x1E400] =	vst v63  }
0x2c: {  	_ =	swait.ge [sflag:s23], $0x4000  }
0x2d: {  	[sflag:s23] =	ssyncset.done $0x0  }
0x2e: {  	s29 =	simm.s32 $0x1480;
	[sflag:s23] =	ssyncadd.s32 $0xFFFFC000  }
0x2f: {  	[spmem:s2] =	stream.indirect.scatter.add.f32 [tilespmem:s19], [sflag:$0x4], $0x80, s29, s17, $0xb8;
	[tilespmem:$0x1E400] =	vst v63  }
0x30: {  	_ =	swait.ge [sflag:s24], $0x4000  }
0x31: {  	[sflag:s24] =	ssyncset.done $0x0  }
0x32: {  	s30 =	simm.s32 $0x180;
	s29 =	simm.s32 $0x400;
	[sflag:s24] =	ssyncadd.s32 $0xFFFFC000  }
.LBB2_2:
0x33: {  	[tilespmem:s19], [sflag:$0x2] =	stream.indirect.gather [hbm4b:s1+s17], $0x80, s30, s17, $0xb8;
	[tilespmem:$0x1E400] =	vst v63  }
0x34: {  	s30 =	smov.u32 s29  }
0x35: {  	p0 =	sne.s32 s29, $0x4800;
	s29 =	sadd.s32 $0x400, s29;
	_ =	swait.ge [sflag:s21], $0x4000  }
0x36: {  	s30 =	sshra.s32 s30, $0x2;
	[sflag:s21] =	ssyncset.done $0x0  }
0x37: {  	s31 =	sadd.s32 $0x1400, s30;
	[sflag:s21] =	ssyncadd.s32 $0xFFFFC000  }
0x38: {  	[spmem:s2] =	stream.indirect.scatter.add.f32 [tilespmem:s18], [sflag:$0x3], $0x80, s31, s17, $0xb8;
	[tilespmem:$0x1E400] =	vst v63  }
0x39: {  	_ =	swait.ge [sflag:s22], $0x4000  }
0x3a: {  	[sflag:s22] =	ssyncset.done $0x0  }
0x3b: {  	s31 =	sadd.s32 $0x100, s30;
	[sflag:s22] =	ssyncadd.s32 $0xFFFFC000  }
0x3c: {  	[tilespmem:s18], [sflag:$0x1] =	stream.indirect.gather [hbm4b:s1+s17], $0x80, s31, s17, $0xb8;
	[tilespmem:$0x1E400] =	vst v63  }
0x3d: {  	_ =	swait.ge [sflag:s23], $0x4000  }
0x3e: {  	[sflag:s23] =	ssyncset.done $0x0  }
.Ltmp0:
0x3f: {  	s31 =	sadd.s32 $0x1480, s30;
	[sflag:s23] =	ssyncadd.s32 $0xFFFFC000;
	(pc) =	sbr.rel @p0 .LBB2_2-.Ltmp0, $4  }
0x40: {  	[spmem:s2] =	stream.indirect.scatter.add.f32 [tilespmem:s19], [sflag:$0x4], $0x80, s31, s17, $0xb8;
	[tilespmem:$0x1E400] =	vst v63  }
0x41: {  	_ =	swait.ge [sflag:s24], $0x4000  }
0x42: {  	[sflag:s24] =	ssyncset.done $0x0  }
0x43: {  	s30 =	sadd.s32 $0x180, s30;
	[sflag:s24] =	ssyncadd.s32 $0xFFFFC000  }
0x44: {  	[tilespmem:s19], [sflag:$0x2] =	stream.indirect.gather [hbm4b:s1+s17], $0x80, s30, s17, $0xb8;
	[tilespmem:$0x1E400] =	vst v63  }
0x45: {  	_ =	swait.ge [sflag:s21], $0x4000  }
0x46: {  	[sflag:s21] =	ssyncset.done $0x0  }
0x47: {  	[sflag:s21] =	ssyncadd.s32 $0xFFFFC000  }
0x48: {  	[spmem:s2] =	stream.indirect.scatter.add.f32 [tilespmem:s18], [sflag:$0x3], $0x80, s25, s17, $0xb8;
	[tilespmem:$0x1E400] =	vst v63  }
0x49: {  	_ =	swait.ge [sflag:s22], $0x4000  }
0x4a: {  	[sflag:s22] =	ssyncset.done $0x0  }
0x4b: {  	[sflag:s22] =	ssyncadd.s32 $0xFFFFC000  }
0x4c: {  	_ =	swait.ge [sflag:s23], $0x4000  }
0x4d: {  	[sflag:s23] =	ssyncset.done $0x0  }
0x4e: {  	[sflag:s23] =	ssyncadd.s32 $0xFFFFC000  }
0x4f: {  	[spmem:s2] =	stream.indirect.scatter.add.f32 [tilespmem:s19], [sflag:$0x4], $0x80, s26, s17, $0xb8;
	[tilespmem:$0x1E400] =	vst v63  }
0x50: {  	_ =	swait.ge [sflag:s24], $0x4000  }
0x51: {  	[sflag:s24] =	ssyncset.done $0x0  }
0x52: {  	s29 =	simm.s32 $0x0;
	[sflag:s24] =	ssyncadd.s32 $0xFFFFC000  }
0x53: {  	[tilespmem:s29], [sflag:$0x6] =	stream.linear.gather [hbm4b:s10+s29], $0x1400, $0x38;
	[tilespmem:$0x1E400] =	vst v63  }
0x54: {  	_ =	swait.ge [sflag:s15], $0x1400  }
0x55: {  	[sflag:s15] =	ssyncset.done $0x0  }
0x56: {  	[sflag:s15] =	ssyncadd.s32 $0xFFFFEC00  }
0x57: {  	[tilespmem:s16], [sflag:$0x6] =	stream.linear.gather [hbm4b:s11+s29], $0x1400, $0x38;
	[tilespmem:$0x1E400] =	vst v63  }
0x58: {  	_ =	swait.ge [sflag:s15], $0x1400  }
0x59: {  	[sflag:s15] =	ssyncset.done $0x0  }
0x5a: {  	[sflag:s15] =	ssyncadd.s32 $0xFFFFEC00  }
0x5b: {  	[tilespmem:s18], [sflag:$0x1] =	stream.indirect.gather [hbm4b:s1+s17], $0x80, s29, s17, $0xb8;
	[tilespmem:$0x1E400] =	vst v63  }
0x5c: {  	_ = 	snop  }
0x5d: {  	[tilespmem:s19], [sflag:$0x2] =	stream.indirect.gather [hbm4b:s1+s17], $0x80, s17, s17, $0xb8;
	[tilespmem:$0x1E400] =	vst v63  }
0x5e: {  	_ =	swait.ge [sflag:s21], $0x4000  }
0x5f: {  	[sflag:s21] =	ssyncset.done $0x0  }
0x60: {  	s29 =	simm.s32 $0x1400;
	[sflag:s21] =	ssyncadd.s32 $0xFFFFC000  }
0x61: {  	[spmem:s2] =	stream.indirect.scatter.add.f32 [tilespmem:s18], [sflag:$0x3], $0x80, s29, s17, $0xb8;
	[tilespmem:$0x1E400] =	vst v63  }
0x62: {  	_ =	swait.ge [sflag:s22], $0x4000  }
0x63: {  	[sflag:s22] =	ssyncset.done $0x0  }
0x64: {  	s29 =	simm.s32 $0x100;
	[sflag:s22] =	ssyncadd.s32 $0xFFFFC000  }
0x65: {  	[tilespmem:s18], [sflag:$0x1] =	stream.indirect.gather [hbm4b:s1+s17], $0x80, s29, s17, $0xb8;
	[tilespmem:$0x1E400] =	vst v63  }
0x66: {  	_ =	swait.ge [sflag:s23], $0x4000  }
0x67: {  	[sflag:s23] =	ssyncset.done $0x0  }
0x68: {  	s29 =	simm.s32 $0x1480;
	[sflag:s23] =	ssyncadd.s32 $0xFFFFC000  }
0x69: {  	[spmem:s2] =	stream.indirect.scatter.add.f32 [tilespmem:s19], [sflag:$0x4], $0x80, s29, s17, $0xb8;
	[tilespmem:$0x1E400] =	vst v63  }
0x6a: {  	_ =	swait.ge [sflag:s24], $0x4000  }
0x6b: {  	[sflag:s24] =	ssyncset.done $0x0  }
0x6c: {  	s30 =	simm.s32 $0x180;
	s29 =	simm.s32 $0x400;
	[sflag:s24] =	ssyncadd.s32 $0xFFFFC000  }
.LBB2_4:
0x6d: {  	[tilespmem:s19], [sflag:$0x2] =	stream.indirect.gather [hbm4b:s1+s17], $0x80, s30, s17, $0xb8;
	[tilespmem:$0x1E400] =	vst v63  }
0x6e: {  	s30 =	smov.u32 s29  }
0x6f: {  	p0 =	sne.s32 s29, $0x4800;
	s29 =	sadd.s32 $0x400, s29;
	_ =	swait.ge [sflag:s21], $0x4000  }
0x70: {  	s30 =	sshra.s32 s30, $0x2;
	[sflag:s21] =	ssyncset.done $0x0  }
0x71: {  	s31 =	sadd.s32 $0x1400, s30;
	[sflag:s21] =	ssyncadd.s32 $0xFFFFC000  }
0x72: {  	[spmem:s2] =	stream.indirect.scatter.add.f32 [tilespmem:s18], [sflag:$0x3], $0x80, s31, s17, $0xb8;
	[tilespmem:$0x1E400] =	vst v63  }
0x73: {  	_ =	swait.ge [sflag:s22], $0x4000  }
0x74: {  	[sflag:s22] =	ssyncset.done $0x0  }
0x75: {  	s31 =	sadd.s32 $0x100, s30;
	[sflag:s22] =	ssyncadd.s32 $0xFFFFC000  }
0x76: {  	[tilespmem:s18], [sflag:$0x1] =	stream.indirect.gather [hbm4b:s1+s17], $0x80, s31, s17, $0xb8;
	[tilespmem:$0x1E400] =	vst v63  }
0x77: {  	_ =	swait.ge [sflag:s23], $0x4000  }
0x78: {  	[sflag:s23] =	ssyncset.done $0x0  }
.Ltmp1:
0x79: {  	s31 =	sadd.s32 $0x1480, s30;
	[sflag:s23] =	ssyncadd.s32 $0xFFFFC000;
	(pc) =	sbr.rel @p0 .LBB2_4-.Ltmp1, $4  }
0x7a: {  	[spmem:s2] =	stream.indirect.scatter.add.f32 [tilespmem:s19], [sflag:$0x4], $0x80, s31, s17, $0xb8;
	[tilespmem:$0x1E400] =	vst v63  }
0x7b: {  	_ =	swait.ge [sflag:s24], $0x4000  }
0x7c: {  	[sflag:s24] =	ssyncset.done $0x0  }
0x7d: {  	s30 =	sadd.s32 $0x180, s30;
	[sflag:s24] =	ssyncadd.s32 $0xFFFFC000  }
0x7e: {  	[tilespmem:s19], [sflag:$0x2] =	stream.indirect.gather [hbm4b:s1+s17], $0x80, s30, s17, $0xb8;
	[tilespmem:$0x1E400] =	vst v63  }
0x7f: {  	_ =	swait.ge [sflag:s21], $0x4000  }
0x80: {  	[sflag:s21] =	ssyncset.done $0x0  }
0x81: {  	[sflag:s21] =	ssyncadd.s32 $0xFFFFC000  }
0x82: {  	[spmem:s2] =	stream.indirect.scatter.add.f32 [tilespmem:s18], [sflag:$0x3], $0x80, s25, s17, $0xb8;
	[tilespmem:$0x1E400] =	vst v63  }
0x83: {  	_ =	swait.ge [sflag:s22], $0x4000  }
0x84: {  	[sflag:s22] =	ssyncset.done $0x0  }
0x85: {  	[sflag:s22] =	ssyncadd.s32 $0xFFFFC000  }
0x86: {  	_ =	swait.ge [sflag:s23], $0x4000  }
0x87: {  	[sflag:s23] =	ssyncset.done $0x0  }
0x88: {  	[sflag:s23] =	ssyncadd.s32 $0xFFFFC000  }
0x89: {  	[spmem:s2] =	stream.indirect.scatter.add.f32 [tilespmem:s19], [sflag:$0x4], $0x80, s26, s17, $0xb8;
	[tilespmem:$0x1E400] =	vst v63  }
0x8a: {  	_ =	swait.ge [sflag:s24], $0x4000  }
0x8b: {  	s28 =	sadd.s32 $0x1, s28;
	[sflag:s24] =	ssyncset.done $0x0  }
0x8c: {  	p0 =	sne.s32 s28, s13;
	[sflag:s24] =	ssyncadd.s32 $0xFFFFC000  }
.Ltmp2:
0x8d: {  	s29 =	sor.u32 $0x1C06, s6;
	[bflag:$0x0] =	sbarrier.arrive $0xFFFF;
	(pc) =	sbr.rel @p0 .LBB2_1-.Ltmp2, $4  }
0x8e: {  	[hbm:s12], [sflag:s29] =	dma.local [spmem:s14], $0x2780  }
0x8f: {  	_ =	swait.ge [sflag:s15], $0x2780  }
0x90: {  	[sflag:s15] =	ssyncset.done $0x0  }
0x91: {  	[sflag:s15] =	ssyncadd.s32 $0xFFFFD880  }
0x92: {  	_ =	sfence.sel $0x180000  }
0x93: {  	[bflag:$0x0] =	sbarrier.arrive $0xFFFF  }
0x94: {  	p0 =	sne.s32 s3, $0x0;
	_ =	strace $0x90000047  }
0x95: {  	s0 =	sadd.s32 @!p0 $0x100000, s0;
	[bflag:$0x2] =	sbarrier.arrive $0xFFFF  }
0x96: {  	[sflag:s0] =	ssyncadd.tile.s32 @!p0 $0x1;
	_ =	shalt  }
.Lfunc_end2:
_tile_overlayer_lowered:
.L_overlay_start_2:
0x97: {  	(tag) =	ssettag $0x2  }
0x98: {  	s0 =	rddreg [dreg:$0x0];
	s2 =	stileid.u32  }
0x99: {  	s1 =	rddreg [dreg:$0x1];
	p0 =	sne.s32 s2, $0x0  }
0x9a: {  	s3 =	rddreg [dreg:$0x2];
	[bflag:$0x3] =	sbarrier.arrive $0xFFFF;
	s2 =	simm.s32 @!p0 $0x1C06  }
0x9b: {  	[timem:s3], [sflag:s2] =	dma.local @!p0 [hbm:s0], s1  }
0x9c: {  	s0 =	simm.s32 @!p0 $0x6  }
0x9d: {  	_ =	swait.ge @!p0 [sflag:s0], s1  }
0x9e: {  	s1 =	ssub.s32 @!p0 $0x0, s1;
	[sflag:s0] =	ssyncset.done @!p0 $0x0  }
0x9f: {  	[sflag:s0] =	ssyncadd.s32 @!p0 s1  }
0xa0: {  	[bflag:$0x3] =	sbarrier.arrive $0xFFFF  }
0xa1: {  	_ =	shalt  }

</sc_bundles>
